<compile_context>
chip_gen: v7x
topology: tpu7x:2x2x1
jax: 0.10.2.dev20260603
libtpu: 0.0.44.dev20260713+nightly
codegen_flags: <defaults>
</compile_context>

<pallas_src>
import functools

import jax
import jax.numpy as jnp
from jax import lax
from jax.experimental import pallas as pl
from jax.experimental.pallas import tpu as pltpu
from jax.experimental.pallas import tpu_sc as plsc

N = 10000
E = 320000
D_IN = 128
H1 = 50
H1P = 64
H2 = 16

NC = 2
NS = 16
NW = NC * NS
CHUNK = 128
NCHUNK = 80
E_PAD = NW * NCHUNK * CHUNK
NP = 10240
RPW = NP // NS

_mesh = plsc.VectorSubcoreMesh(core_axis_name="c", subcore_axis_name="s")
_sc_params = pltpu.CompilerParams(use_tc_tiling_on_sc=False)


_DEG_K = 8


@functools.partial(
    pl.kernel,
    mesh=_mesh,
    out_type=jax.ShapeDtypeStruct((NC, NP, H2), jnp.float32),
    scratch_types=[
        pltpu.VMEM((NCHUNK, CHUNK), jnp.int32),
        pltpu.VMEM((CHUNK, H2), jnp.float32),
        pltpu.VMEM_SHARED((NP, H2), jnp.float32),
        pltpu.SemaphoreType.DMA,
    ],
    compiler_params=_sc_params,
)
def _deg_kernel(dst_hbm, degp_hbm, didx_v, ones_v, deg_sp, sem):
    c = lax.axis_index("c")
    s = lax.axis_index("s")
    wid = c * NS + s

    z16 = jnp.zeros((16,), jnp.float32)

    def zero_body(i, _):
        ones_v[i, :] = z16
        return ()

    lax.fori_loop(0, CHUNK, zero_body, ())
    for r in range(RPW // CHUNK):
        pltpu.sync_copy(ones_v, deg_sp.at[pl.ds(s * RPW + r * CHUNK, CHUNK)])

    o16 = jnp.ones((16,), jnp.float32)

    def ones_body(i, _):
        ones_v[i, :] = o16
        return ()

    lax.fori_loop(0, CHUNK, ones_body, ())
    pltpu.sync_copy(dst_hbm.at[wid], didx_v)
    plsc.subcore_barrier()

    def body(i, _):
        k0 = i * _DEG_K
        handles = [
            pltpu.async_copy(ones_v, deg_sp.at[didx_v.at[k0 + j]], sem, add=True)
            for j in range(_DEG_K)
        ]
        for h in handles:
            h.wait()
        return ()

    lax.fori_loop(0, NCHUNK // _DEG_K, body, ())

    plsc.subcore_barrier()
    pltpu.sync_copy(deg_sp.at[pl.ds(s * RPW, RPW)],
                    degp_hbm.at[c, pl.ds(s * RPW, RPW)])


_NBUF = 8


def _make_agg_kernel(D, stage_hs):

    @functools.partial(
        pl.kernel,
        mesh=_mesh,
        out_type=jax.ShapeDtypeStruct((NC, NP, D), jnp.float32),
        scratch_types=[
            pltpu.VMEM((NCHUNK, CHUNK), jnp.int32),
            pltpu.VMEM((NCHUNK, CHUNK), jnp.int32),
            [pltpu.VMEM((CHUNK, D), jnp.float32)] * _NBUF,
            pltpu.VMEM_SHARED((NP, D), jnp.float32) if stage_hs else None,
            pltpu.VMEM_SHARED((NP, D), jnp.float32),
            [pltpu.SemaphoreType.DMA] * _NBUF,
            [pltpu.SemaphoreType.DMA] * _NBUF,
        ],
        compiler_params=_sc_params,
    )
    def agg(hs_hbm, src_hbm, dst_hbm, out_hbm,
            sidx_v, didx_v, rows, hs_sp_opt, agg_sp, gsem, ssem):
        c = lax.axis_index("c")
        s = lax.axis_index("s")
        wid = c * NS + s

        if stage_hs:
            pltpu.sync_copy(hs_hbm.at[pl.ds(s * RPW, RPW)],
                            hs_sp_opt.at[pl.ds(s * RPW, RPW)])
            hs_sp = hs_sp_opt
        else:
            hs_sp = hs_hbm

        @pl.when(c == 0)
        def _():
            pltpu.sync_copy(hs_hbm.at[pl.ds(s * RPW, RPW)],
                            agg_sp.at[pl.ds(s * RPW, RPW)])

        @pl.when(c == 1)
        def _():
            z16 = jnp.zeros((16,), jnp.float32)

            def zero_body(i, _):
                for j in range(D // 16):
                    rows[0][i, pl.ds(j * 16, 16)] = z16
                return ()

            lax.fori_loop(0, CHUNK, zero_body, ())
            for r in range(RPW // CHUNK):
                pltpu.sync_copy(rows[0],
                                agg_sp.at[pl.ds(s * RPW + r * CHUNK, CHUNK)])

        pltpu.sync_copy(src_hbm.at[wid], sidx_v)
        pltpu.sync_copy(dst_hbm.at[wid], didx_v)
        plsc.subcore_barrier()

        for b in range(_NBUF):
            pltpu.async_copy(hs_sp.at[sidx_v.at[b]], rows[b], gsem[b])

        def body(i, _):
            k0 = i * _NBUF
            scs = []
            for b in range(_NBUF):
                pltpu.make_async_copy(hs_sp.at[sidx_v.at[k0 + b]], rows[b],
                                      gsem[b]).wait()
                scs.append(pltpu.async_copy(rows[b],
                                            agg_sp.at[didx_v.at[k0 + b]],
                                            ssem[b], add=True))
            for b in range(_NBUF):
                scs[b].wait()
                kn = k0 + _NBUF + b

                @pl.when(kn < NCHUNK)
                def _(b=b, kn=kn):
                    pltpu.async_copy(hs_sp.at[sidx_v.at[kn]], rows[b], gsem[b])

            return ()

        lax.fori_loop(0, NCHUNK // _NBUF, body, ())

        plsc.subcore_barrier()
        pltpu.sync_copy(agg_sp.at[pl.ds(s * RPW, RPW)],
                        out_hbm.at[c, pl.ds(s * RPW, RPW)])

    return agg


_agg64 = _make_agg_kernel(H1P, stage_hs=False)
_agg16 = _make_agg_kernel(H2, stage_hs=True)


_RB = 2000


def _tc_a_body(x_ref, w_ref, degp_ref, hs_ref, dinv_ref):
    deg = degp_ref[0, :, 0] + degp_ref[1, :, 0] + 1.0
    dinv = lax.rsqrt(deg)
    dinv_ref[...] = dinv[:, None]
    hs_ref[...] = jnp.dot(x_ref[...], w_ref[...],
                          preferred_element_type=jnp.float32) * dinv[:, None]


_tc_a = pl.pallas_call(
    _tc_a_body,
    grid=(N // _RB,),
    in_specs=[
        pl.BlockSpec((_RB, D_IN), lambda i: (i, 0)),
        pl.BlockSpec((D_IN, H1P), lambda i: (0, 0)),
        pl.BlockSpec((NC, _RB, H2), lambda i: (0, i, 0)),
    ],
    out_specs=[
        pl.BlockSpec((_RB, H1P), lambda i: (i, 0)),
        pl.BlockSpec((_RB, 1), lambda i: (i, 0)),
    ],
    out_shape=[
        jax.ShapeDtypeStruct((NP, H1P), jnp.float32),
        jax.ShapeDtypeStruct((N, 1), jnp.float32),
    ],
)


def _tc_b_body(aggp_ref, dinv_ref, w_ref, b_ref, hs2_ref):
    agg = aggp_ref[0] + aggp_ref[1]
    dinv = dinv_ref[...]
    h1 = jnp.maximum(agg * dinv + b_ref[...][None, :], 0.0)
    hs2_ref[...] = jnp.dot(h1, w_ref[...],
                           preferred_element_type=jnp.float32) * dinv


_tc_b = pl.pallas_call(
    _tc_b_body,
    grid=(N // _RB,),
    in_specs=[
        pl.BlockSpec((NC, _RB, H1P), lambda i: (0, i, 0)),
        pl.BlockSpec((_RB, 1), lambda i: (i, 0)),
        pl.BlockSpec((H1P, H2), lambda i: (0, 0)),
        pl.BlockSpec((H1P,), lambda i: (0,)),
    ],
    out_specs=pl.BlockSpec((_RB, H2), lambda i: (i, 0)),
    out_shape=jax.ShapeDtypeStruct((NP, H2), jnp.float32),
)


_RI = 256


def _tc_c_body(aggp_ref, degp_ref, b_ref, out_ref):
    agg = aggp_ref[0] + aggp_ref[1]
    deg = degp_ref[0] + degp_ref[1] + 1.0
    h = agg * lax.rsqrt(deg) + b_ref[...][None, :]
    m = jnp.max(h, axis=1, keepdims=True)
    ex = jnp.exp(h - m)
    seg_i = lax.broadcasted_iota(jnp.int32, (128, 8), 0) // 16
    seg_j = lax.broadcasted_iota(jnp.int32, (128, 8), 1)
    e8 = (seg_i == seg_j).astype(jnp.float32)
    seg_i2 = lax.broadcasted_iota(jnp.int32, (8, 128), 0)
    seg_j2 = lax.broadcasted_iota(jnp.int32, (8, 128), 1) // 16
    e8t = (seg_i2 == seg_j2).astype(jnp.float32)
    segsum = jnp.dot(ex, e8, preferred_element_type=jnp.float32,
                     precision=lax.Precision.HIGHEST)
    lse = jnp.log(segsum)
    lse_b = jnp.dot(lse, e8t, preferred_element_type=jnp.float32,
                    precision=lax.Precision.HIGHEST)
    out_ref[...] = h - m - lse_b


_tc_c = pl.pallas_call(
    _tc_c_body,
    grid=(NP // 8 // _RI,),
    in_specs=[
        pl.BlockSpec((NC, _RI, 128), lambda i: (0, i, 0)),
        pl.BlockSpec((NC, _RI, 128), lambda i: (0, i, 0)),
        pl.BlockSpec((128,), lambda i: (0,)),
    ],
    out_specs=pl.BlockSpec((_RI, 128), lambda i: (i, 0)),
    out_shape=jax.ShapeDtypeStruct((NP // 8, 128), jnp.float32),
)


def kernel(x, edge_index, W1, b1, W2, b2):
    npad = E_PAD - E
    src_pad = jnp.arange(npad, dtype=jnp.int32) % N
    dst_pad = N + jnp.arange(npad, dtype=jnp.int32) % (NP - N)
    src = jnp.concatenate(
        [edge_index[0].astype(jnp.int32), src_pad]).reshape(NW, NCHUNK, CHUNK)
    dst = jnp.concatenate(
        [edge_index[1].astype(jnp.int32), dst_pad]).reshape(NW, NCHUNK, CHUNK)

    W1p = jnp.pad(W1, ((0, 0), (0, H1P - H1)))
    b1p = jnp.pad(b1, (0, H1P - H1))
    W2p = jnp.pad(W2, ((0, H1P - H1), (0, 0)))

    degp = _deg_kernel(dst)
    hs1, dinv = _tc_a(x, W1p, degp)
    aggp1 = _agg64(hs1, src, dst)
    hs2 = _tc_b(aggp1, dinv, W2p, b1p)
    aggp2 = _agg16(hs2, src, dst)
    out128 = _tc_c(aggp2.reshape(NC, NP // 8, 128),
                   degp.reshape(NC, NP // 8, 128),
                   jnp.tile(b2, 8))
    return out128.reshape(NP, H2)[:N]

# --- scband reference (transcript-rebuilt; emitter-appended) ---
"""Pipeline reference for scband-gcn-54614804136512 (READ-ONLY COPY).

The authoritative reference and input builder live on the scoring server;
editing this copy changes nothing except your own understanding.
"""

import jax, jax.numpy as jnp
import numpy as np

N_NODES = 10000
N_EDGES = 320000
D_FEAT = 128
H1 = 50
H2 = 16


def setup_inputs(seed: int = 0) -> dict:
    key = jax.random.key(seed)
    k1, k2, k3, k4, k5, k6 = jax.random.split(key, 6)
    x = jax.random.normal(k1, (N_NODES, D_FEAT), dtype=jnp.float32)
    edge_index = jax.random.randint(k2, (2, N_EDGES), 0, N_NODES, dtype=jnp.int64)
    # GCNConv weights (glorot-style scaling)
    W1 = jax.random.normal(k3, (D_FEAT, H1), dtype=jnp.float32) * (1.0 / np.sqrt(D_FEAT))
    b1 = jnp.zeros((H1,), dtype=jnp.float32)
    W2 = jax.random.normal(k4, (H1, H2), dtype=jnp.float32) * (1.0 / np.sqrt(H1))
    b2 = jnp.zeros((H2,), dtype=jnp.float32)
    return {"x": x, "edge_index": edge_index, "W1": W1, "b1": b1, "W2": W2, "b2": b2}


def _gcn_conv(x, src, dst, W, b):
    # x' = D^{-1/2} (A + I) D^{-1/2} X W + b  (symmetric normalization, self-loops already appended to src/dst)
    n = x.shape[0]
    h = x @ W
    deg = jnp.zeros((n,), dtype=h.dtype).at[dst].add(1.0)
    dinv = jax.lax.rsqrt(jnp.maximum(deg, 1.0))
    norm = dinv[src] * dinv[dst]
    msg = h[src] * norm[:, None]
    out = jnp.zeros((n, h.shape[1]), dtype=h.dtype).at[dst].add(msg)
    return out + b


def reference(x, edge_index, W1, b1, W2, b2):
    n = x.shape[0]
    loop = jnp.arange(n, dtype=edge_index.dtype)
    src = jnp.concatenate([edge_index[0], loop])
    dst = jnp.concatenate([edge_index[1], loop])
    # model_configuration == 0 path; dropout is identity in eval mode
    h = _gcn_conv(x, src, dst, W1, b1)
    h = jax.nn.relu(h)
    h = _gcn_conv(h, src, dst, W2, b2)
    return jax.nn.log_softmax(h, axis=1)

if __name__ == "__main__":
    import jax
    _d = setup_inputs()
    print(jax.jit(kernel)(*tuple(_d.values())))

</pallas_src>

<mosaic_0001>
#map = affine_map<(d0, d1) -> (0, 0)>
#map1 = affine_map<(d0, d1) -> (0, 0, 0)>
module attributes {stable_mosaic.version = 14 : i64} {
  func.func @agg(%arg0: i32, %arg1: i32, %arg2: memref<10240x64xf32, #tpu.memory_space<hbm>>, %arg3: memref<32x80x128xi32, #tpu.memory_space<hbm>>, %arg4: memref<32x80x128xi32, #tpu.memory_space<hbm>>, %arg5: memref<2x10240x64xf32, #tpu.memory_space<hbm>>, %arg6: memref<80x128xi32, #tpu.memory_space<vmem>>, %arg7: memref<80x128xi32, #tpu.memory_space<vmem>>, %arg8: memref<128x64xf32, #tpu.memory_space<vmem>>, %arg9: memref<128x64xf32, #tpu.memory_space<vmem>>, %arg10: memref<128x64xf32, #tpu.memory_space<vmem>>, %arg11: memref<128x64xf32, #tpu.memory_space<vmem>>, %arg12: memref<128x64xf32, #tpu.memory_space<vmem>>, %arg13: memref<128x64xf32, #tpu.memory_space<vmem>>, %arg14: memref<128x64xf32, #tpu.memory_space<vmem>>, %arg15: memref<128x64xf32, #tpu.memory_space<vmem>>, %arg16: memref<10240x64xf32, #tpu.memory_space<vmem_shared>>, %arg17: memref<!tpu.dma_semaphore, #tpu.memory_space<semaphore_mem>>, %arg18: memref<!tpu.dma_semaphore, #tpu.memory_space<semaphore_mem>>, %arg19: memref<!tpu.dma_semaphore, #tpu.memory_space<semaphore_mem>>, %arg20: memref<!tpu.dma_semaphore, #tpu.memory_space<semaphore_mem>>, %arg21: memref<!tpu.dma_semaphore, #tpu.memory_space<semaphore_mem>>, %arg22: memref<!tpu.dma_semaphore, #tpu.memory_space<semaphore_mem>>, %arg23: memref<!tpu.dma_semaphore, #tpu.memory_space<semaphore_mem>>, %arg24: memref<!tpu.dma_semaphore, #tpu.memory_space<semaphore_mem>>, %arg25: memref<!tpu.dma_semaphore, #tpu.memory_space<semaphore_mem>>, %arg26: memref<!tpu.dma_semaphore, #tpu.memory_space<semaphore_mem>>, %arg27: memref<!tpu.dma_semaphore, #tpu.memory_space<semaphore_mem>>, %arg28: memref<!tpu.dma_semaphore, #tpu.memory_space<semaphore_mem>>, %arg29: memref<!tpu.dma_semaphore, #tpu.memory_space<semaphore_mem>>, %arg30: memref<!tpu.dma_semaphore, #tpu.memory_space<semaphore_mem>>, %arg31: memref<!tpu.dma_semaphore, #tpu.memory_space<semaphore_mem>>, %arg32: memref<!tpu.dma_semaphore, #tpu.memory_space<semaphore_mem>>) attributes {dimension_semantics = [#tpu.dimension_semantics<core_parallel>, #tpu.dimension_semantics<subcore_parallel>], iteration_bounds = array<i64: 2, 16>, scalar_prefetch = 0 : i64, scratch_operands = 27 : i64, tpu.core_type = #tpu.core_type<sc_vector_subcore>, window_params = [{transform_indices = #map}, {transform_indices = #map1}, {transform_indices = #map1}, {transform_indices = #map1}]} {
    %mul3A = arith.constant 16 : i32
    %mul3A_0 = arith.muli %arg0, %mul3A : i32
    %add3A = arith.addi %mul3A_0, %arg1 : i32
    %eq3A = arith.constant 0 : i32
    %eq3A_1 = arith.cmpi eq, %arg0, %eq3A : i32
    %convert_element_type3A = arith.extui %eq3A_1 : i1 to i32
    %cond3A = arith.constant 0 : i32
    %cond3A_2 = arith.cmpi ne, %convert_element_type3A, %cond3A : i32
    scf.if %cond3A_2 {
      %mul3A_72 = arith.constant 640 : i32
      %mul3A_73 = arith.muli %arg1, %mul3A_72 : i32
      %mul3A_74 = arith.constant 640 : i32
      %mul3A_75 = arith.muli %arg1, %mul3A_74 : i32
      "tpu.region"() ({
        %run_scoped3A = tpu.sem_alloc : memref<!tpu.dma_semaphore, #tpu.memory_space<semaphore_mem>>
        %dma_start3A_76 = arith.constant 0 : i32
        %dma_start3A_77 = tpu.memref_slice %arg16[%mul3A_75, %dma_start3A_76] : memref<10240x64xf32, #tpu.memory_space<vmem_shared>> -> memref<640x64xf32, #tpu.memory_space<vmem_shared>>
        %dma_start3A_78 = arith.constant 0 : i32
        %dma_start3A_79 = tpu.memref_slice %arg2[%mul3A_73, %dma_start3A_78] : memref<10240x64xf32, #tpu.memory_space<hbm>> -> memref<640x64xf32, #tpu.memory_space<hbm>>
        tpu.enqueue_dma source(%dma_start3A_79 : memref<640x64xf32, #tpu.memory_space<hbm>>) target(%dma_start3A_77 : memref<640x64xf32, #tpu.memory_space<vmem_shared>>) target_semaphore(%run_scoped3A : memref<!tpu.dma_semaphore, #tpu.memory_space<semaphore_mem>>)
        %dma_wait3A = arith.constant 0 : i32
        %dma_wait3A_80 = tpu.memref_slice %arg16[%mul3A_75, %dma_wait3A] : memref<10240x64xf32, #tpu.memory_space<vmem_shared>> -> memref<640x64xf32, #tpu.memory_space<vmem_shared>>
        %dma_wait3A_81 = arith.constant 0 : i32
        %dma_wait3A_82 = tpu.memref_slice %arg2[%mul3A_73, %dma_wait3A_81] : memref<10240x64xf32, #tpu.memory_space<hbm>> -> memref<640x64xf32, #tpu.memory_space<hbm>>
        tpu.wait_dma2 semaphore(%run_scoped3A : memref<!tpu.dma_semaphore, #tpu.memory_space<semaphore_mem>>) src(%dma_wait3A_82 : memref<640x64xf32, #tpu.memory_space<hbm>>) dst(%dma_wait3A_80 : memref<640x64xf32, #tpu.memory_space<vmem_shared>>)
        tpu.yield
      }) : () -> ()
    } else {
    }
    %eq3A_3 = arith.constant 1 : i32
    %eq3A_4 = arith.cmpi eq, %arg0, %eq3A_3 : i32
    %convert_element_type3A_5 = arith.extui %eq3A_4 : i1 to i32
    %cond3A_6 = arith.constant 0 : i32
    %cond3A_7 = arith.cmpi ne, %convert_element_type3A_5, %cond3A_6 : i32
    scf.if %cond3A_7 {
      %broadcast_in_dim3A = arith.constant 0.000000e+00 : f32
      %broadcast_in_dim3A_72 = vector.broadcast %broadcast_in_dim3A : f32 to vector<16xf32>
      %scan3A_73 = arith.constant 0 : i32
      %scan3A_74 = arith.constant 128 : i32
      %scan3A_75 = arith.addi %scan3A_73, %scan3A_74 : i32
      %scan3A_76 = arith.constant 1 : i32
      scf.for %scan3A_98 = %scan3A_73 to %scan3A_75 step %scan3A_76  : i32 {
        %swap3A = arith.index_cast %scan3A_98 : i32 to index
        %swap3A_99 = arith.constant 0 : index
        %swap3A_100 = tpu.vector_load %arg8[%swap3A, %swap3A_99] {strides = array<i32>} : memref<128x64xf32, #tpu.memory_space<vmem>>, vector<1x16xf32>,
        %swap3A_101 = vector.shape_cast %swap3A_100 : vector<1x16xf32> to vector<16xf32>
        %swap3A_102 = vector.shape_cast %broadcast_in_dim3A_72 : vector<16xf32> to vector<1x16xf32>
        tpu.vector_store %arg8[%swap3A, %swap3A_99], %swap3A_102 {strides = array<i32>} : memref<128x64xf32, #tpu.memory_space<vmem>>, vector<1x16xf32>,
        %swap3A_103 = arith.index_cast %scan3A_98 : i32 to index
        %swap3A_104 = arith.constant 16 : index
        %swap3A_105 = tpu.vector_load %arg8[%swap3A_103, %swap3A_104] {strides = array<i32>} : memref<128x64xf32, #tpu.memory_space<vmem>>, vector<1x16xf32>,
        %swap3A_106 = vector.shape_cast %swap3A_105 : vector<1x16xf32> to vector<16xf32>
        %swap3A_107 = vector.shape_cast %broadcast_in_dim3A_72 : vector<16xf32> to vector<1x16xf32>
        tpu.vector_store %arg8[%swap3A_103, %swap3A_104], %swap3A_107 {strides = array<i32>} : memref<128x64xf32, #tpu.memory_space<vmem>>, vector<1x16xf32>,
        %swap3A_108 = arith.index_cast %scan3A_98 : i32 to index
        %swap3A_109 = arith.constant 32 : index
        %swap3A_110 = tpu.vector_load %arg8[%swap3A_108, %swap3A_109] {strides = array<i32>} : memref<128x64xf32, #tpu.memory_space<vmem>>, vector<1x16xf32>,
        %swap3A_111 = vector.shape_cast %swap3A_110 : vector<1x16xf32> to vector<16xf32>
        %swap3A_112 = vector.shape_cast %broadcast_in_dim3A_72 : vector<16xf32> to vector<1x16xf32>
        tpu.vector_store %arg8[%swap3A_108, %swap3A_109], %swap3A_112 {strides = array<i32>} : memref<128x64xf32, #tpu.memory_space<vmem>>, vector<1x16xf32>,
        %swap3A_113 = arith.index_cast %scan3A_98 : i32 to index
        %swap3A_114 = arith.constant 48 : index
        %swap3A_115 = tpu.vector_load %arg8[%swap3A_113, %swap3A_114] {strides = array<i32>} : memref<128x64xf32, #tpu.memory_space<vmem>>, vector<1x16xf32>,
        %swap3A_116 = vector.shape_cast %swap3A_115 : vector<1x16xf32> to vector<16xf32>
        %swap3A_117 = vector.shape_cast %broadcast_in_dim3A_72 : vector<16xf32> to vector<1x16xf32>
        tpu.vector_store %arg8[%swap3A_113, %swap3A_114], %swap3A_117 {strides = array<i32>} : memref<128x64xf32, #tpu.memory_space<vmem>>, vector<1x16xf32>,
      }
      %scan3A_77 = arith.constant 128 : i32
      %mul3A_78 = arith.constant 640 : i32
      %mul3A_79 = arith.muli %arg1, %mul3A_78 : i32
      %add3A_80 = arith.constant 0 : i32
      %add3A_81 = arith.addi %mul3A_79, %add3A_80 : i32
      "tpu.region"() ({
        %run_scoped3A = tpu.sem_alloc : memref<!tpu.dma_semaphore, #tpu.memory_space<semaphore_mem>>
        %dma_start3A_98 = arith.constant 0 : i32
        %dma_start3A_99 = tpu.memref_slice %arg16[%add3A_81, %dma_start3A_98] : memref<10240x64xf32, #tpu.memory_space<vmem_shared>> -> memref<128x64xf32, #tpu.memory_space<vmem_shared>>
        %dma_start3A_100 = arith.constant 0 : i32
        %dma_start3A_101 = tpu.memref_slice %arg16[%add3A_81, %dma_start3A_100] : memref<10240x64xf32, #tpu.memory_space<vmem_shared>> -> memref<128x64xf32, #tpu.memory_space<vmem_shared>>
        tpu.enqueue_dma source(%arg8 : memref<128x64xf32, #tpu.memory_space<vmem>>) target(%dma_start3A_101 : memref<128x64xf32, #tpu.memory_space<vmem_shared>>) target_semaphore(%run_scoped3A : memref<!tpu.dma_semaphore, #tpu.memory_space<semaphore_mem>>)
        %dma_wait3A = arith.constant 0 : i32
        %dma_wait3A_102 = tpu.memref_slice %arg16[%add3A_81, %dma_wait3A] : memref<10240x64xf32, #tpu.memory_space<vmem_shared>> -> memref<128x64xf32, #tpu.memory_space<vmem_shared>>
        %dma_wait3A_103 = arith.constant 0 : i32
        %dma_wait3A_104 = tpu.memref_slice %arg16[%add3A_81, %dma_wait3A_103] : memref<10240x64xf32, #tpu.memory_space<vmem_shared>> -> memref<128x64xf32, #tpu.memory_space<vmem_shared>>
        tpu.wait_dma2 semaphore(%run_scoped3A : memref<!tpu.dma_semaphore, #tpu.memory_space<semaphore_mem>>) src(%arg8 : memref<128x64xf32, #tpu.memory_space<vmem>>) dst(%dma_wait3A_104 : memref<128x64xf32, #tpu.memory_space<vmem_shared>>)
        tpu.yield
      }) : () -> ()
      %mul3A_82 = arith.constant 640 : i32
      %mul3A_83 = arith.muli %arg1, %mul3A_82 : i32
      %add3A_84 = arith.constant 128 : i32
      %add3A_85 = arith.addi %mul3A_83, %add3A_84 : i32
      "tpu.region"() ({
        %run_scoped3A = tpu.sem_alloc : memref<!tpu.dma_semaphore, #tpu.memory_space<semaphore_mem>>
        %dma_start3A_98 = arith.constant 0 : i32
        %dma_start3A_99 = tpu.memref_slice %arg16[%add3A_85, %dma_start3A_98] : memref<10240x64xf32, #tpu.memory_space<vmem_shared>> -> memref<128x64xf32, #tpu.memory_space<vmem_shared>>
        %dma_start3A_100 = arith.constant 0 : i32
        %dma_start3A_101 = tpu.memref_slice %arg16[%add3A_85, %dma_start3A_100] : memref<10240x64xf32, #tpu.memory_space<vmem_shared>> -> memref<128x64xf32, #tpu.memory_space<vmem_shared>>
        tpu.enqueue_dma source(%arg8 : memref<128x64xf32, #tpu.memory_space<vmem>>) target(%dma_start3A_101 : memref<128x64xf32, #tpu.memory_space<vmem_shared>>) target_semaphore(%run_scoped3A : memref<!tpu.dma_semaphore, #tpu.memory_space<semaphore_mem>>)
        %dma_wait3A = arith.constant 0 : i32
        %dma_wait3A_102 = tpu.memref_slice %arg16[%add3A_85, %dma_wait3A] : memref<10240x64xf32, #tpu.memory_space<vmem_shared>> -> memref<128x64xf32, #tpu.memory_space<vmem_shared>>
        %dma_wait3A_103 = arith.constant 0 : i32
        %dma_wait3A_104 = tpu.memref_slice %arg16[%add3A_85, %dma_wait3A_103] : memref<10240x64xf32, #tpu.memory_space<vmem_shared>> -> memref<128x64xf32, #tpu.memory_space<vmem_shared>>
        tpu.wait_dma2 semaphore(%run_scoped3A : memref<!tpu.dma_semaphore, #tpu.memory_space<semaphore_mem>>) src(%arg8 : memref<128x64xf32, #tpu.memory_space<vmem>>) dst(%dma_wait3A_104 : memref<128x64xf32, #tpu.memory_space<vmem_shared>>)
        tpu.yield
      }) : () -> ()
      %mul3A_86 = arith.constant 640 : i32
      %mul3A_87 = arith.muli %arg1, %mul3A_86 : i32
      %add3A_88 = arith.constant 256 : i32
      %add3A_89 = arith.addi %mul3A_87, %add3A_88 : i32
      "tpu.region"() ({
        %run_scoped3A = tpu.sem_alloc : memref<!tpu.dma_semaphore, #tpu.memory_space<semaphore_mem>>
        %dma_start3A_98 = arith.constant 0 : i32
        %dma_start3A_99 = tpu.memref_slice %arg16[%add3A_89, %dma_start3A_98] : memref<10240x64xf32, #tpu.memory_space<vmem_shared>> -> memref<128x64xf32, #tpu.memory_space<vmem_shared>>
        %dma_start3A_100 = arith.constant 0 : i32
        %dma_start3A_101 = tpu.memref_slice %arg16[%add3A_89, %dma_start3A_100] : memref<10240x64xf32, #tpu.memory_space<vmem_shared>> -> memref<128x64xf32, #tpu.memory_space<vmem_shared>>
        tpu.enqueue_dma source(%arg8 : memref<128x64xf32, #tpu.memory_space<vmem>>) target(%dma_start3A_101 : memref<128x64xf32, #tpu.memory_space<vmem_shared>>) target_semaphore(%run_scoped3A : memref<!tpu.dma_semaphore, #tpu.memory_space<semaphore_mem>>)
        %dma_wait3A = arith.constant 0 : i32
        %dma_wait3A_102 = tpu.memref_slice %arg16[%add3A_89, %dma_wait3A] : memref<10240x64xf32, #tpu.memory_space<vmem_shared>> -> memref<128x64xf32, #tpu.memory_space<vmem_shared>>
        %dma_wait3A_103 = arith.constant 0 : i32
        %dma_wait3A_104 = tpu.memref_slice %arg16[%add3A_89, %dma_wait3A_103] : memref<10240x64xf32, #tpu.memory_space<vmem_shared>> -> memref<128x64xf32, #tpu.memory_space<vmem_shared>>
        tpu.wait_dma2 semaphore(%run_scoped3A : memref<!tpu.dma_semaphore, #tpu.memory_space<semaphore_mem>>) src(%arg8 : memref<128x64xf32, #tpu.memory_space<vmem>>) dst(%dma_wait3A_104 : memref<128x64xf32, #tpu.memory_space<vmem_shared>>)
        tpu.yield
      }) : () -> ()
      %mul3A_90 = arith.constant 640 : i32
      %mul3A_91 = arith.muli %arg1, %mul3A_90 : i32
      %add3A_92 = arith.constant 384 : i32
      %add3A_93 = arith.addi %mul3A_91, %add3A_92 : i32
      "tpu.region"() ({
        %run_scoped3A = tpu.sem_alloc : memref<!tpu.dma_semaphore, #tpu.memory_space<semaphore_mem>>
        %dma_start3A_98 = arith.constant 0 : i32
        %dma_start3A_99 = tpu.memref_slice %arg16[%add3A_93, %dma_start3A_98] : memref<10240x64xf32, #tpu.memory_space<vmem_shared>> -> memref<128x64xf32, #tpu.memory_space<vmem_shared>>
        %dma_start3A_100 = arith.constant 0 : i32
        %dma_start3A_101 = tpu.memref_slice %arg16[%add3A_93, %dma_start3A_100] : memref<10240x64xf32, #tpu.memory_space<vmem_shared>> -> memref<128x64xf32, #tpu.memory_space<vmem_shared>>
        tpu.enqueue_dma source(%arg8 : memref<128x64xf32, #tpu.memory_space<vmem>>) target(%dma_start3A_101 : memref<128x64xf32, #tpu.memory_space<vmem_shared>>) target_semaphore(%run_scoped3A : memref<!tpu.dma_semaphore, #tpu.memory_space<semaphore_mem>>)
        %dma_wait3A = arith.constant 0 : i32
        %dma_wait3A_102 = tpu.memref_slice %arg16[%add3A_93, %dma_wait3A] : memref<10240x64xf32, #tpu.memory_space<vmem_shared>> -> memref<128x64xf32, #tpu.memory_space<vmem_shared>>
        %dma_wait3A_103 = arith.constant 0 : i32
        %dma_wait3A_104 = tpu.memref_slice %arg16[%add3A_93, %dma_wait3A_103] : memref<10240x64xf32, #tpu.memory_space<vmem_shared>> -> memref<128x64xf32, #tpu.memory_space<vmem_shared>>
        tpu.wait_dma2 semaphore(%run_scoped3A : memref<!tpu.dma_semaphore, #tpu.memory_space<semaphore_mem>>) src(%arg8 : memref<128x64xf32, #tpu.memory_space<vmem>>) dst(%dma_wait3A_104 : memref<128x64xf32, #tpu.memory_space<vmem_shared>>)
        tpu.yield
      }) : () -> ()
      %mul3A_94 = arith.constant 640 : i32
      %mul3A_95 = arith.muli %arg1, %mul3A_94 : i32
      %add3A_96 = arith.constant 512 : i32
      %add3A_97 = arith.addi %mul3A_95, %add3A_96 : i32
      "tpu.region"() ({
        %run_scoped3A = tpu.sem_alloc : memref<!tpu.dma_semaphore, #tpu.memory_space<semaphore_mem>>
        %dma_start3A_98 = arith.constant 0 : i32
        %dma_start3A_99 = tpu.memref_slice %arg16[%add3A_97, %dma_start3A_98] : memref<10240x64xf32, #tpu.memory_space<vmem_shared>> -> memref<128x64xf32, #tpu.memory_space<vmem_shared>>
        %dma_start3A_100 = arith.constant 0 : i32
        %dma_start3A_101 = tpu.memref_slice %arg16[%add3A_97, %dma_start3A_100] : memref<10240x64xf32, #tpu.memory_space<vmem_shared>> -> memref<128x64xf32, #tpu.memory_space<vmem_shared>>
        tpu.enqueue_dma source(%arg8 : memref<128x64xf32, #tpu.memory_space<vmem>>) target(%dma_start3A_101 : memref<128x64xf32, #tpu.memory_space<vmem_shared>>) target_semaphore(%run_scoped3A : memref<!tpu.dma_semaphore, #tpu.memory_space<semaphore_mem>>)
        %dma_wait3A = arith.constant 0 : i32
        %dma_wait3A_102 = tpu.memref_slice %arg16[%add3A_97, %dma_wait3A] : memref<10240x64xf32, #tpu.memory_space<vmem_shared>> -> memref<128x64xf32, #tpu.memory_space<vmem_shared>>
        %dma_wait3A_103 = arith.constant 0 : i32
        %dma_wait3A_104 = tpu.memref_slice %arg16[%add3A_97, %dma_wait3A_103] : memref<10240x64xf32, #tpu.memory_space<vmem_shared>> -> memref<128x64xf32, #tpu.memory_space<vmem_shared>>
        tpu.wait_dma2 semaphore(%run_scoped3A : memref<!tpu.dma_semaphore, #tpu.memory_space<semaphore_mem>>) src(%arg8 : memref<128x64xf32, #tpu.memory_space<vmem>>) dst(%dma_wait3A_104 : memref<128x64xf32, #tpu.memory_space<vmem_shared>>)
        tpu.yield
      }) : () -> ()
    } else {
    }
    "tpu.region"() ({
      %run_scoped3A = tpu.sem_alloc : memref<!tpu.dma_semaphore, #tpu.memory_space<semaphore_mem>>
      %dma_start3A_72 = arith.constant 0 : i32
      %dma_start3A_73 = arith.constant 0 : i32
      %dma_start3A_74 = tpu.memref_slice %arg3[%add3A, %dma_start3A_72, %dma_start3A_73] : memref<32x80x128xi32, #tpu.memory_space<hbm>> -> memref<1x80x128xi32, #tpu.memory_space<hbm>>
      %dma_start3A_75 = tpu.memref_squeeze %dma_start3A_74 : memref<1x80x128xi32, #tpu.memory_space<hbm>> -> memref<80x128xi32, #tpu.memory_space<hbm>>
      %dma_start3A_76 = arith.constant 0 : i32
      %dma_start3A_77 = arith.constant 0 : i32
      %dma_start3A_78 = tpu.memref_slice %arg3[%add3A, %dma_start3A_76, %dma_start3A_77] : memref<32x80x128xi32, #tpu.memory_space<hbm>> -> memref<1x80x128xi32, #tpu.memory_space<hbm>>
      %dma_start3A_79 = tpu.memref_squeeze %dma_start3A_78 : memref<1x80x128xi32, #tpu.memory_space<hbm>> -> memref<80x128xi32, #tpu.memory_space<hbm>>
      tpu.enqueue_dma source(%dma_start3A_79 : memref<80x128xi32, #tpu.memory_space<hbm>>) target(%arg6 : memref<80x128xi32, #tpu.memory_space<vmem>>) target_semaphore(%run_scoped3A : memref<!tpu.dma_semaphore, #tpu.memory_space<semaphore_mem>>)
      %dma_wait3A = arith.constant 0 : i32
      %dma_wait3A_80 = arith.constant 0 : i32
      %dma_wait3A_81 = tpu.memref_slice %arg3[%add3A, %dma_wait3A, %dma_wait3A_80] : memref<32x80x128xi32, #tpu.memory_space<hbm>> -> memref<1x80x128xi32, #tpu.memory_space<hbm>>
      %dma_wait3A_82 = tpu.memref_squeeze %dma_wait3A_81 : memref<1x80x128xi32, #tpu.memory_space<hbm>> -> memref<80x128xi32, #tpu.memory_space<hbm>>
      %dma_wait3A_83 = arith.constant 0 : i32
      %dma_wait3A_84 = arith.constant 0 : i32
      %dma_wait3A_85 = tpu.memref_slice %arg3[%add3A, %dma_wait3A_83, %dma_wait3A_84] : memref<32x80x128xi32, #tpu.memory_space<hbm>> -> memref<1x80x128xi32, #tpu.memory_space<hbm>>
      %dma_wait3A_86 = tpu.memref_squeeze %dma_wait3A_85 : memref<1x80x128xi32, #tpu.memory_space<hbm>> -> memref<80x128xi32, #tpu.memory_space<hbm>>
      tpu.wait_dma2 semaphore(%run_scoped3A : memref<!tpu.dma_semaphore, #tpu.memory_space<semaphore_mem>>) src(%dma_wait3A_86 : memref<80x128xi32, #tpu.memory_space<hbm>>) dst(%arg6 : memref<80x128xi32, #tpu.memory_space<vmem>>)
      tpu.yield
    }) : () -> ()
    "tpu.region"() ({
      %run_scoped3A = tpu.sem_alloc : memref<!tpu.dma_semaphore, #tpu.memory_space<semaphore_mem>>
      %dma_start3A_72 = arith.constant 0 : i32
      %dma_start3A_73 = arith.constant 0 : i32
      %dma_start3A_74 = tpu.memref_slice %arg4[%add3A, %dma_start3A_72, %dma_start3A_73] : memref<32x80x128xi32, #tpu.memory_space<hbm>> -> memref<1x80x128xi32, #tpu.memory_space<hbm>>
      %dma_start3A_75 = tpu.memref_squeeze %dma_start3A_74 : memref<1x80x128xi32, #tpu.memory_space<hbm>> -> memref<80x128xi32, #tpu.memory_space<hbm>>
      %dma_start3A_76 = arith.constant 0 : i32
      %dma_start3A_77 = arith.constant 0 : i32
      %dma_start3A_78 = tpu.memref_slice %arg4[%add3A, %dma_start3A_76, %dma_start3A_77] : memref<32x80x128xi32, #tpu.memory_space<hbm>> -> memref<1x80x128xi32, #tpu.memory_space<hbm>>
      %dma_start3A_79 = tpu.memref_squeeze %dma_start3A_78 : memref<1x80x128xi32, #tpu.memory_space<hbm>> -> memref<80x128xi32, #tpu.memory_space<hbm>>
      tpu.enqueue_dma source(%dma_start3A_79 : memref<80x128xi32, #tpu.memory_space<hbm>>) target(%arg7 : memref<80x128xi32, #tpu.memory_space<vmem>>) target_semaphore(%run_scoped3A : memref<!tpu.dma_semaphore, #tpu.memory_space<semaphore_mem>>)
      %dma_wait3A = arith.constant 0 : i32
      %dma_wait3A_80 = arith.constant 0 : i32
      %dma_wait3A_81 = tpu.memref_slice %arg4[%add3A, %dma_wait3A, %dma_wait3A_80] : memref<32x80x128xi32, #tpu.memory_space<hbm>> -> memref<1x80x128xi32, #tpu.memory_space<hbm>>
      %dma_wait3A_82 = tpu.memref_squeeze %dma_wait3A_81 : memref<1x80x128xi32, #tpu.memory_space<hbm>> -> memref<80x128xi32, #tpu.memory_space<hbm>>
      %dma_wait3A_83 = arith.constant 0 : i32
      %dma_wait3A_84 = arith.constant 0 : i32
      %dma_wait3A_85 = tpu.memref_slice %arg4[%add3A, %dma_wait3A_83, %dma_wait3A_84] : memref<32x80x128xi32, #tpu.memory_space<hbm>> -> memref<1x80x128xi32, #tpu.memory_space<hbm>>
      %dma_wait3A_86 = tpu.memref_squeeze %dma_wait3A_85 : memref<1x80x128xi32, #tpu.memory_space<hbm>> -> memref<80x128xi32, #tpu.memory_space<hbm>>
      tpu.wait_dma2 semaphore(%run_scoped3A : memref<!tpu.dma_semaphore, #tpu.memory_space<semaphore_mem>>) src(%dma_wait3A_86 : memref<80x128xi32, #tpu.memory_space<hbm>>) dst(%arg7 : memref<80x128xi32, #tpu.memory_space<vmem>>)
      tpu.yield
    }) : () -> ()
    %barrier3A = arith.constant 0 : index
    tpu.barrier barrier_id(%barrier3A)
    %dma_start3A = arith.constant 0 : i32
    %dma_start3A_8 = arith.constant 0 : i32
    %dma_start3A_9 = tpu.memref_slice %arg6[%dma_start3A, %dma_start3A_8] : memref<80x128xi32, #tpu.memory_space<vmem>> -> memref<1x128xi32, #tpu.memory_space<vmem>>
    %dma_start3A_10 = tpu.memref_squeeze %dma_start3A_9 : memref<1x128xi32, #tpu.memory_space<vmem>> -> memref<128xi32, #tpu.memory_space<vmem>>
    %dma_start3A_11 = arith.constant 0 : i32
    %dma_start3A_12 = arith.constant 0 : i32
    %dma_start3A_13 = tpu.memref_slice %arg2[%dma_start3A_11, %dma_start3A_12] : memref<10240x64xf32, #tpu.memory_space<hbm>> -> memref<10240x64xf32, #tpu.memory_space<hbm>>
    tpu.enqueue_indirect_dma source(%dma_start3A_13 : memref<10240x64xf32, #tpu.memory_space<hbm>>) target(%arg8 : memref<128x64xf32, #tpu.memory_space<vmem>>) offsets(%dma_start3A_10 : memref<128xi32, #tpu.memory_space<vmem>>) semaphore(%arg17 : memref<!tpu.dma_semaphore, #tpu.memory_space<semaphore_mem>>)
    %dma_start3A_14 = arith.constant 1 : i32
    %dma_start3A_15 = arith.constant 0 : i32
    %dma_start3A_16 = tpu.memref_slice %arg6[%dma_start3A_14, %dma_start3A_15] : memref<80x128xi32, #tpu.memory_space<vmem>> -> memref<1x128xi32, #tpu.memory_space<vmem>>
    %dma_start3A_17 = tpu.memref_squeeze %dma_start3A_16 : memref<1x128xi32, #tpu.memory_space<vmem>> -> memref<128xi32, #tpu.memory_space<vmem>>
    %dma_start3A_18 = arith.constant 0 : i32
    %dma_start3A_19 = arith.constant 0 : i32
    %dma_start3A_20 = tpu.memref_slice %arg2[%dma_start3A_18, %dma_start3A_19] : memref<10240x64xf32, #tpu.memory_space<hbm>> -> memref<10240x64xf32, #tpu.memory_space<hbm>>
    tpu.enqueue_indirect_dma source(%dma_start3A_20 : memref<10240x64xf32, #tpu.memory_space<hbm>>) target(%arg9 : memref<128x64xf32, #tpu.memory_space<vmem>>) offsets(%dma_start3A_17 : memref<128xi32, #tpu.memory_space<vmem>>) semaphore(%arg18 : memref<!tpu.dma_semaphore, #tpu.memory_space<semaphore_mem>>)
    %dma_start3A_21 = arith.constant 2 : i32
    %dma_start3A_22 = arith.constant 0 : i32
    %dma_start3A_23 = tpu.memref_slice %arg6[%dma_start3A_21, %dma_start3A_22] : memref<80x128xi32, #tpu.memory_space<vmem>> -> memref<1x128xi32, #tpu.memory_space<vmem>>
    %dma_start3A_24 = tpu.memref_squeeze %dma_start3A_23 : memref<1x128xi32, #tpu.memory_space<vmem>> -> memref<128xi32, #tpu.memory_space<vmem>>
    %dma_start3A_25 = arith.constant 0 : i32
    %dma_start3A_26 = arith.constant 0 : i32
    %dma_start3A_27 = tpu.memref_slice %arg2[%dma_start3A_25, %dma_start3A_26] : memref<10240x64xf32, #tpu.memory_space<hbm>> -> memref<10240x64xf32, #tpu.memory_space<hbm>>
    tpu.enqueue_indirect_dma source(%dma_start3A_27 : memref<10240x64xf32, #tpu.memory_space<hbm>>) target(%arg10 : memref<128x64xf32, #tpu.memory_space<vmem>>) offsets(%dma_start3A_24 : memref<128xi32, #tpu.memory_space<vmem>>) semaphore(%arg19 : memref<!tpu.dma_semaphore, #tpu.memory_space<semaphore_mem>>)
    %dma_start3A_28 = arith.constant 3 : i32
    %dma_start3A_29 = arith.constant 0 : i32
    %dma_start3A_30 = tpu.memref_slice %arg6[%dma_start3A_28, %dma_start3A_29] : memref<80x128xi32, #tpu.memory_space<vmem>> -> memref<1x128xi32, #tpu.memory_space<vmem>>
    %dma_start3A_31 = tpu.memref_squeeze %dma_start3A_30 : memref<1x128xi32, #tpu.memory_space<vmem>> -> memref<128xi32, #tpu.memory_space<vmem>>
    %dma_start3A_32 = arith.constant 0 : i32
    %dma_start3A_33 = arith.constant 0 : i32
    %dma_start3A_34 = tpu.memref_slice %arg2[%dma_start3A_32, %dma_start3A_33] : memref<10240x64xf32, #tpu.memory_space<hbm>> -> memref<10240x64xf32, #tpu.memory_space<hbm>>
    tpu.enqueue_indirect_dma source(%dma_start3A_34 : memref<10240x64xf32, #tpu.memory_space<hbm>>) target(%arg11 : memref<128x64xf32, #tpu.memory_space<vmem>>) offsets(%dma_start3A_31 : memref<128xi32, #tpu.memory_space<vmem>>) semaphore(%arg20 : memref<!tpu.dma_semaphore, #tpu.memory_space<semaphore_mem>>)
    %dma_start3A_35 = arith.constant 4 : i32
    %dma_start3A_36 = arith.constant 0 : i32
    %dma_start3A_37 = tpu.memref_slice %arg6[%dma_start3A_35, %dma_start3A_36] : memref<80x128xi32, #tpu.memory_space<vmem>> -> memref<1x128xi32, #tpu.memory_space<vmem>>
    %dma_start3A_38 = tpu.memref_squeeze %dma_start3A_37 : memref<1x128xi32, #tpu.memory_space<vmem>> -> memref<128xi32, #tpu.memory_space<vmem>>
    %dma_start3A_39 = arith.constant 0 : i32
    %dma_start3A_40 = arith.constant 0 : i32
    %dma_start3A_41 = tpu.memref_slice %arg2[%dma_start3A_39, %dma_start3A_40] : memref<10240x64xf32, #tpu.memory_space<hbm>> -> memref<10240x64xf32, #tpu.memory_space<hbm>>
    tpu.enqueue_indirect_dma source(%dma_start3A_41 : memref<10240x64xf32, #tpu.memory_space<hbm>>) target(%arg12 : memref<128x64xf32, #tpu.memory_space<vmem>>) offsets(%dma_start3A_38 : memref<128xi32, #tpu.memory_space<vmem>>) semaphore(%arg21 : memref<!tpu.dma_semaphore, #tpu.memory_space<semaphore_mem>>)
    %dma_start3A_42 = arith.constant 5 : i32
    %dma_start3A_43 = arith.constant 0 : i32
    %dma_start3A_44 = tpu.memref_slice %arg6[%dma_start3A_42, %dma_start3A_43] : memref<80x128xi32, #tpu.memory_space<vmem>> -> memref<1x128xi32, #tpu.memory_space<vmem>>
    %dma_start3A_45 = tpu.memref_squeeze %dma_start3A_44 : memref<1x128xi32, #tpu.memory_space<vmem>> -> memref<128xi32, #tpu.memory_space<vmem>>
    %dma_start3A_46 = arith.constant 0 : i32
    %dma_start3A_47 = arith.constant 0 : i32
    %dma_start3A_48 = tpu.memref_slice %arg2[%dma_start3A_46, %dma_start3A_47] : memref<10240x64xf32, #tpu.memory_space<hbm>> -> memref<10240x64xf32, #tpu.memory_space<hbm>>
    tpu.enqueue_indirect_dma source(%dma_start3A_48 : memref<10240x64xf32, #tpu.memory_space<hbm>>) target(%arg13 : memref<128x64xf32, #tpu.memory_space<vmem>>) offsets(%dma_start3A_45 : memref<128xi32, #tpu.memory_space<vmem>>) semaphore(%arg22 : memref<!tpu.dma_semaphore, #tpu.memory_space<semaphore_mem>>)
    %dma_start3A_49 = arith.constant 6 : i32
    %dma_start3A_50 = arith.constant 0 : i32
    %dma_start3A_51 = tpu.memref_slice %arg6[%dma_start3A_49, %dma_start3A_50] : memref<80x128xi32, #tpu.memory_space<vmem>> -> memref<1x128xi32, #tpu.memory_space<vmem>>
    %dma_start3A_52 = tpu.memref_squeeze %dma_start3A_51 : memref<1x128xi32, #tpu.memory_space<vmem>> -> memref<128xi32, #tpu.memory_space<vmem>>
    %dma_start3A_53 = arith.constant 0 : i32
    %dma_start3A_54 = arith.constant 0 : i32
    %dma_start3A_55 = tpu.memref_slice %arg2[%dma_start3A_53, %dma_start3A_54] : memref<10240x64xf32, #tpu.memory_space<hbm>> -> memref<10240x64xf32, #tpu.memory_space<hbm>>
    tpu.enqueue_indirect_dma source(%dma_start3A_55 : memref<10240x64xf32, #tpu.memory_space<hbm>>) target(%arg14 : memref<128x64xf32, #tpu.memory_space<vmem>>) offsets(%dma_start3A_52 : memref<128xi32, #tpu.memory_space<vmem>>) semaphore(%arg23 : memref<!tpu.dma_semaphore, #tpu.memory_space<semaphore_mem>>)
    %dma_start3A_56 = arith.constant 7 : i32
    %dma_start3A_57 = arith.constant 0 : i32
    %dma_start3A_58 = tpu.memref_slice %arg6[%dma_start3A_56, %dma_start3A_57] : memref<80x128xi32, #tpu.memory_space<vmem>> -> memref<1x128xi32, #tpu.memory_space<vmem>>
    %dma_start3A_59 = tpu.memref_squeeze %dma_start3A_58 : memref<1x128xi32, #tpu.memory_space<vmem>> -> memref<128xi32, #tpu.memory_space<vmem>>
    %dma_start3A_60 = arith.constant 0 : i32
    %dma_start3A_61 = arith.constant 0 : i32
    %dma_start3A_62 = tpu.memref_slice %arg2[%dma_start3A_60, %dma_start3A_61] : memref<10240x64xf32, #tpu.memory_space<hbm>> -> memref<10240x64xf32, #tpu.memory_space<hbm>>
    tpu.enqueue_indirect_dma source(%dma_start3A_62 : memref<10240x64xf32, #tpu.memory_space<hbm>>) target(%arg15 : memref<128x64xf32, #tpu.memory_space<vmem>>) offsets(%dma_start3A_59 : memref<128xi32, #tpu.memory_space<vmem>>) semaphore(%arg24 : memref<!tpu.dma_semaphore, #tpu.memory_space<semaphore_mem>>)
    %scan3A = arith.constant 0 : i32
    %scan3A_63 = arith.constant 10 : i32
    %scan3A_64 = arith.addi %scan3A, %scan3A_63 : i32
    %scan3A_65 = arith.constant 1 : i32
    scf.for %scan3A_72 = %scan3A to %scan3A_64 step %scan3A_65  : i32 {
      %mul3A_73 = arith.constant 8 : i32
      %mul3A_74 = arith.muli %scan3A_72, %mul3A_73 : i32
      %add3A_75 = arith.constant 0 : i32
      %add3A_76 = arith.addi %mul3A_74, %add3A_75 : i32
      %dma_wait3A = arith.constant 0 : i32
      %dma_wait3A_77 = tpu.memref_slice %arg6[%add3A_76, %dma_wait3A] : memref<80x128xi32, #tpu.memory_space<vmem>> -> memref<1x128xi32, #tpu.memory_space<vmem>>
      %dma_wait3A_78 = tpu.memref_squeeze %dma_wait3A_77 : memref<1x128xi32, #tpu.memory_space<vmem>> -> memref<128xi32, #tpu.memory_space<vmem>>
      %dma_wait3A_79 = arith.constant 0 : i32
      %dma_wait3A_80 = arith.constant 0 : i32
      %dma_wait3A_81 = tpu.memref_slice %arg2[%dma_wait3A_79, %dma_wait3A_80] : memref<10240x64xf32, #tpu.memory_space<hbm>> -> memref<10240x64xf32, #tpu.memory_space<hbm>>
      tpu.wait_indirect_dma semaphore(%arg17 : memref<!tpu.dma_semaphore, #tpu.memory_space<semaphore_mem>>) src(%dma_wait3A_81 : memref<10240x64xf32, #tpu.memory_space<hbm>>) dst(%arg8 : memref<128x64xf32, #tpu.memory_space<vmem>>)
      %add3A_82 = arith.constant 0 : i32
      %add3A_83 = arith.addi %mul3A_74, %add3A_82 : i32
      %dma_start3A_84 = arith.constant 0 : i32
      %dma_start3A_85 = tpu.memref_slice %arg7[%add3A_83, %dma_start3A_84] : memref<80x128xi32, #tpu.memory_space<vmem>> -> memref<1x128xi32, #tpu.memory_space<vmem>>
      %dma_start3A_86 = tpu.memref_squeeze %dma_start3A_85 : memref<1x128xi32, #tpu.memory_space<vmem>> -> memref<128xi32, #tpu.memory_space<vmem>>
      %dma_start3A_87 = arith.constant 0 : i32
      %dma_start3A_88 = arith.constant 0 : i32
      %dma_start3A_89 = tpu.memref_slice %arg16[%dma_start3A_87, %dma_start3A_88] : memref<10240x64xf32, #tpu.memory_space<vmem_shared>> -> memref<10240x64xf32, #tpu.memory_space<vmem_shared>>
      tpu.enqueue_indirect_dma source(%arg8 : memref<128x64xf32, #tpu.memory_space<vmem>>) target(%dma_start3A_89 : memref<10240x64xf32, #tpu.memory_space<vmem_shared>>) offsets(%dma_start3A_86 : memref<128xi32, #tpu.memory_space<vmem>>) semaphore(%arg25 : memref<!tpu.dma_semaphore, #tpu.memory_space<semaphore_mem>>) {add = true}
      %add3A_90 = arith.constant 1 : i32
      %add3A_91 = arith.addi %mul3A_74, %add3A_90 : i32
      %dma_wait3A_92 = arith.constant 0 : i32
      %dma_wait3A_93 = tpu.memref_slice %arg6[%add3A_91, %dma_wait3A_92] : memref<80x128xi32, #tpu.memory_space<vmem>> -> memref<1x128xi32, #tpu.memory_space<vmem>>
      %dma_wait3A_94 = tpu.memref_squeeze %dma_wait3A_93 : memref<1x128xi32, #tpu.memory_space<vmem>> -> memref<128xi32, #tpu.memory_space<vmem>>
      %dma_wait3A_95 = arith.constant 0 : i32
      %dma_wait3A_96 = arith.constant 0 : i32
      %dma_wait3A_97 = tpu.memref_slice %arg2[%dma_wait3A_95, %dma_wait3A_96] : memref<10240x64xf32, #tpu.memory_space<hbm>> -> memref<10240x64xf32, #tpu.memory_space<hbm>>
      tpu.wait_indirect_dma semaphore(%arg18 : memref<!tpu.dma_semaphore, #tpu.memory_space<semaphore_mem>>) src(%dma_wait3A_97 : memref<10240x64xf32, #tpu.memory_space<hbm>>) dst(%arg9 : memref<128x64xf32, #tpu.memory_space<vmem>>)
      %add3A_98 = arith.constant 1 : i32
      %add3A_99 = arith.addi %mul3A_74, %add3A_98 : i32
      %dma_start3A_100 = arith.constant 0 : i32
      %dma_start3A_101 = tpu.memref_slice %arg7[%add3A_99, %dma_start3A_100] : memref<80x128xi32, #tpu.memory_space<vmem>> -> memref<1x128xi32, #tpu.memory_space<vmem>>
      %dma_start3A_102 = tpu.memref_squeeze %dma_start3A_101 : memref<1x128xi32, #tpu.memory_space<vmem>> -> memref<128xi32, #tpu.memory_space<vmem>>
      %dma_start3A_103 = arith.constant 0 : i32
      %dma_start3A_104 = arith.constant 0 : i32
      %dma_start3A_105 = tpu.memref_slice %arg16[%dma_start3A_103, %dma_start3A_104] : memref<10240x64xf32, #tpu.memory_space<vmem_shared>> -> memref<10240x64xf32, #tpu.memory_space<vmem_shared>>
      tpu.enqueue_indirect_dma source(%arg9 : memref<128x64xf32, #tpu.memory_space<vmem>>) target(%dma_start3A_105 : memref<10240x64xf32, #tpu.memory_space<vmem_shared>>) offsets(%dma_start3A_102 : memref<128xi32, #tpu.memory_space<vmem>>) semaphore(%arg26 : memref<!tpu.dma_semaphore, #tpu.memory_space<semaphore_mem>>) {add = true}
      %add3A_106 = arith.constant 2 : i32
      %add3A_107 = arith.addi %mul3A_74, %add3A_106 : i32
      %dma_wait3A_108 = arith.constant 0 : i32
      %dma_wait3A_109 = tpu.memref_slice %arg6[%add3A_107, %dma_wait3A_108] : memref<80x128xi32, #tpu.memory_space<vmem>> -> memref<1x128xi32, #tpu.memory_space<vmem>>
      %dma_wait3A_110 = tpu.memref_squeeze %dma_wait3A_109 : memref<1x128xi32, #tpu.memory_space<vmem>> -> memref<128xi32, #tpu.memory_space<vmem>>
      %dma_wait3A_111 = arith.constant 0 : i32
      %dma_wait3A_112 = arith.constant 0 : i32
      %dma_wait3A_113 = tpu.memref_slice %arg2[%dma_wait3A_111, %dma_wait3A_112] : memref<10240x64xf32, #tpu.memory_space<hbm>> -> memref<10240x64xf32, #tpu.memory_space<hbm>>
      tpu.wait_indirect_dma semaphore(%arg19 : memref<!tpu.dma_semaphore, #tpu.memory_space<semaphore_mem>>) src(%dma_wait3A_113 : memref<10240x64xf32, #tpu.memory_space<hbm>>) dst(%arg10 : memref<128x64xf32, #tpu.memory_space<vmem>>)
      %add3A_114 = arith.constant 2 : i32
      %add3A_115 = arith.addi %mul3A_74, %add3A_114 : i32
      %dma_start3A_116 = arith.constant 0 : i32
      %dma_start3A_117 = tpu.memref_slice %arg7[%add3A_115, %dma_start3A_116] : memref<80x128xi32, #tpu.memory_space<vmem>> -> memref<1x128xi32, #tpu.memory_space<vmem>>
      %dma_start3A_118 = tpu.memref_squeeze %dma_start3A_117 : memref<1x128xi32, #tpu.memory_space<vmem>> -> memref<128xi32, #tpu.memory_space<vmem>>
      %dma_start3A_119 = arith.constant 0 : i32
      %dma_start3A_120 = arith.constant 0 : i32
      %dma_start3A_121 = tpu.memref_slice %arg16[%dma_start3A_119, %dma_start3A_120] : memref<10240x64xf32, #tpu.memory_space<vmem_shared>> -> memref<10240x64xf32, #tpu.memory_space<vmem_shared>>
      tpu.enqueue_indirect_dma source(%arg10 : memref<128x64xf32, #tpu.memory_space<vmem>>) target(%dma_start3A_121 : memref<10240x64xf32, #tpu.memory_space<vmem_shared>>) offsets(%dma_start3A_118 : memref<128xi32, #tpu.memory_space<vmem>>) semaphore(%arg27 : memref<!tpu.dma_semaphore, #tpu.memory_space<semaphore_mem>>) {add = true}
      %add3A_122 = arith.constant 3 : i32
      %add3A_123 = arith.addi %mul3A_74, %add3A_122 : i32
      %dma_wait3A_124 = arith.constant 0 : i32
      %dma_wait3A_125 = tpu.memref_slice %arg6[%add3A_123, %dma_wait3A_124] : memref<80x128xi32, #tpu.memory_space<vmem>> -> memref<1x128xi32, #tpu.memory_space<vmem>>
      %dma_wait3A_126 = tpu.memref_squeeze %dma_wait3A_125 : memref<1x128xi32, #tpu.memory_space<vmem>> -> memref<128xi32, #tpu.memory_space<vmem>>
      %dma_wait3A_127 = arith.constant 0 : i32
      %dma_wait3A_128 = arith.constant 0 : i32
      %dma_wait3A_129 = tpu.memref_slice %arg2[%dma_wait3A_127, %dma_wait3A_128] : memref<10240x64xf32, #tpu.memory_space<hbm>> -> memref<10240x64xf32, #tpu.memory_space<hbm>>
      tpu.wait_indirect_dma semaphore(%arg20 : memref<!tpu.dma_semaphore, #tpu.memory_space<semaphore_mem>>) src(%dma_wait3A_129 : memref<10240x64xf32, #tpu.memory_space<hbm>>) dst(%arg11 : memref<128x64xf32, #tpu.memory_space<vmem>>)
      %add3A_130 = arith.constant 3 : i32
      %add3A_131 = arith.addi %mul3A_74, %add3A_130 : i32
      %dma_start3A_132 = arith.constant 0 : i32
      %dma_start3A_133 = tpu.memref_slice %arg7[%add3A_131, %dma_start3A_132] : memref<80x128xi32, #tpu.memory_space<vmem>> -> memref<1x128xi32, #tpu.memory_space<vmem>>
      %dma_start3A_134 = tpu.memref_squeeze %dma_start3A_133 : memref<1x128xi32, #tpu.memory_space<vmem>> -> memref<128xi32, #tpu.memory_space<vmem>>
      %dma_start3A_135 = arith.constant 0 : i32
      %dma_start3A_136 = arith.constant 0 : i32
      %dma_start3A_137 = tpu.memref_slice %arg16[%dma_start3A_135, %dma_start3A_136] : memref<10240x64xf32, #tpu.memory_space<vmem_shared>> -> memref<10240x64xf32, #tpu.memory_space<vmem_shared>>
      tpu.enqueue_indirect_dma source(%arg11 : memref<128x64xf32, #tpu.memory_space<vmem>>) target(%dma_start3A_137 : memref<10240x64xf32, #tpu.memory_space<vmem_shared>>) offsets(%dma_start3A_134 : memref<128xi32, #tpu.memory_space<vmem>>) semaphore(%arg28 : memref<!tpu.dma_semaphore, #tpu.memory_space<semaphore_mem>>) {add = true}
      %add3A_138 = arith.constant 4 : i32
      %add3A_139 = arith.addi %mul3A_74, %add3A_138 : i32
      %dma_wait3A_140 = arith.constant 0 : i32
      %dma_wait3A_141 = tpu.memref_slice %arg6[%add3A_139, %dma_wait3A_140] : memref<80x128xi32, #tpu.memory_space<vmem>> -> memref<1x128xi32, #tpu.memory_space<vmem>>
      %dma_wait3A_142 = tpu.memref_squeeze %dma_wait3A_141 : memref<1x128xi32, #tpu.memory_space<vmem>> -> memref<128xi32, #tpu.memory_space<vmem>>
      %dma_wait3A_143 = arith.constant 0 : i32
      %dma_wait3A_144 = arith.constant 0 : i32
      %dma_wait3A_145 = tpu.memref_slice %arg2[%dma_wait3A_143, %dma_wait3A_144] : memref<10240x64xf32, #tpu.memory_space<hbm>> -> memref<10240x64xf32, #tpu.memory_space<hbm>>
      tpu.wait_indirect_dma semaphore(%arg21 : memref<!tpu.dma_semaphore, #tpu.memory_space<semaphore_mem>>) src(%dma_wait3A_145 : memref<10240x64xf32, #tpu.memory_space<hbm>>) dst(%arg12 : memref<128x64xf32, #tpu.memory_space<vmem>>)
      %add3A_146 = arith.constant 4 : i32
      %add3A_147 = arith.addi %mul3A_74, %add3A_146 : i32
      %dma_start3A_148 = arith.constant 0 : i32
      %dma_start3A_149 = tpu.memref_slice %arg7[%add3A_147, %dma_start3A_148] : memref<80x128xi32, #tpu.memory_space<vmem>> -> memref<1x128xi32, #tpu.memory_space<vmem>>
      %dma_start3A_150 = tpu.memref_squeeze %dma_start3A_149 : memref<1x128xi32, #tpu.memory_space<vmem>> -> memref<128xi32, #tpu.memory_space<vmem>>
      %dma_start3A_151 = arith.constant 0 : i32
      %dma_start3A_152 = arith.constant 0 : i32
      %dma_start3A_153 = tpu.memref_slice %arg16[%dma_start3A_151, %dma_start3A_152] : memref<10240x64xf32, #tpu.memory_space<vmem_shared>> -> memref<10240x64xf32, #tpu.memory_space<vmem_shared>>
      tpu.enqueue_indirect_dma source(%arg12 : memref<128x64xf32, #tpu.memory_space<vmem>>) target(%dma_start3A_153 : memref<10240x64xf32, #tpu.memory_space<vmem_shared>>) offsets(%dma_start3A_150 : memref<128xi32, #tpu.memory_space<vmem>>) semaphore(%arg29 : memref<!tpu.dma_semaphore, #tpu.memory_space<semaphore_mem>>) {add = true}
      %add3A_154 = arith.constant 5 : i32
      %add3A_155 = arith.addi %mul3A_74, %add3A_154 : i32
      %dma_wait3A_156 = arith.constant 0 : i32
      %dma_wait3A_157 = tpu.memref_slice %arg6[%add3A_155, %dma_wait3A_156] : memref<80x128xi32, #tpu.memory_space<vmem>> -> memref<1x128xi32, #tpu.memory_space<vmem>>
      %dma_wait3A_158 = tpu.memref_squeeze %dma_wait3A_157 : memref<1x128xi32, #tpu.memory_space<vmem>> -> memref<128xi32, #tpu.memory_space<vmem>>
      %dma_wait3A_159 = arith.constant 0 : i32
      %dma_wait3A_160 = arith.constant 0 : i32
      %dma_wait3A_161 = tpu.memref_slice %arg2[%dma_wait3A_159, %dma_wait3A_160] : memref<10240x64xf32, #tpu.memory_space<hbm>> -> memref<10240x64xf32, #tpu.memory_space<hbm>>
      tpu.wait_indirect_dma semaphore(%arg22 : memref<!tpu.dma_semaphore, #tpu.memory_space<semaphore_mem>>) src(%dma_wait3A_161 : memref<10240x64xf32, #tpu.memory_space<hbm>>) dst(%arg13 : memref<128x64xf32, #tpu.memory_space<vmem>>)
      %add3A_162 = arith.constant 5 : i32
      %add3A_163 = arith.addi %mul3A_74, %add3A_162 : i32
      %dma_start3A_164 = arith.constant 0 : i32
      %dma_start3A_165 = tpu.memref_slice %arg7[%add3A_163, %dma_start3A_164] : memref<80x128xi32, #tpu.memory_space<vmem>> -> memref<1x128xi32, #tpu.memory_space<vmem>>
      %dma_start3A_166 = tpu.memref_squeeze %dma_start3A_165 : memref<1x128xi32, #tpu.memory_space<vmem>> -> memref<128xi32, #tpu.memory_space<vmem>>
      %dma_start3A_167 = arith.constant 0 : i32
      %dma_start3A_168 = arith.constant 0 : i32
      %dma_start3A_169 = tpu.memref_slice %arg16[%dma_start3A_167, %dma_start3A_168] : memref<10240x64xf32, #tpu.memory_space<vmem_shared>> -> memref<10240x64xf32, #tpu.memory_space<vmem_shared>>
      tpu.enqueue_indirect_dma source(%arg13 : memref<128x64xf32, #tpu.memory_space<vmem>>) target(%dma_start3A_169 : memref<10240x64xf32, #tpu.memory_space<vmem_shared>>) offsets(%dma_start3A_166 : memref<128xi32, #tpu.memory_space<vmem>>) semaphore(%arg30 : memref<!tpu.dma_semaphore, #tpu.memory_space<semaphore_mem>>) {add = true}
      %add3A_170 = arith.constant 6 : i32
      %add3A_171 = arith.addi %mul3A_74, %add3A_170 : i32
      %dma_wait3A_172 = arith.constant 0 : i32
      %dma_wait3A_173 = tpu.memref_slice %arg6[%add3A_171, %dma_wait3A_172] : memref<80x128xi32, #tpu.memory_space<vmem>> -> memref<1x128xi32, #tpu.memory_space<vmem>>
      %dma_wait3A_174 = tpu.memref_squeeze %dma_wait3A_173 : memref<1x128xi32, #tpu.memory_space<vmem>> -> memref<128xi32, #tpu.memory_space<vmem>>
      %dma_wait3A_175 = arith.constant 0 : i32
      %dma_wait3A_176 = arith.constant 0 : i32
      %dma_wait3A_177 = tpu.memref_slice %arg2[%dma_wait3A_175, %dma_wait3A_176] : memref<10240x64xf32, #tpu.memory_space<hbm>> -> memref<10240x64xf32, #tpu.memory_space<hbm>>
      tpu.wait_indirect_dma semaphore(%arg23 : memref<!tpu.dma_semaphore, #tpu.memory_space<semaphore_mem>>) src(%dma_wait3A_177 : memref<10240x64xf32, #tpu.memory_space<hbm>>) dst(%arg14 : memref<128x64xf32, #tpu.memory_space<vmem>>)
      %add3A_178 = arith.constant 6 : i32
      %add3A_179 = arith.addi %mul3A_74, %add3A_178 : i32
      %dma_start3A_180 = arith.constant 0 : i32
      %dma_start3A_181 = tpu.memref_slice %arg7[%add3A_179, %dma_start3A_180] : memref<80x128xi32, #tpu.memory_space<vmem>> -> memref<1x128xi32, #tpu.memory_space<vmem>>
      %dma_start3A_182 = tpu.memref_squeeze %dma_start3A_181 : memref<1x128xi32, #tpu.memory_space<vmem>> -> memref<128xi32, #tpu.memory_space<vmem>>
      %dma_start3A_183 = arith.constant 0 : i32
      %dma_start3A_184 = arith.constant 0 : i32
      %dma_start3A_185 = tpu.memref_slice %arg16[%dma_start3A_183, %dma_start3A_184] : memref<10240x64xf32, #tpu.memory_space<vmem_shared>> -> memref<10240x64xf32, #tpu.memory_space<vmem_shared>>
      tpu.enqueue_indirect_dma source(%arg14 : memref<128x64xf32, #tpu.memory_space<vmem>>) target(%dma_start3A_185 : memref<10240x64xf32, #tpu.memory_space<vmem_shared>>) offsets(%dma_start3A_182 : memref<128xi32, #tpu.memory_space<vmem>>) semaphore(%arg31 : memref<!tpu.dma_semaphore, #tpu.memory_space<semaphore_mem>>) {add = true}
      %add3A_186 = arith.constant 7 : i32
      %add3A_187 = arith.addi %mul3A_74, %add3A_186 : i32
      %dma_wait3A_188 = arith.constant 0 : i32
      %dma_wait3A_189 = tpu.memref_slice %arg6[%add3A_187, %dma_wait3A_188] : memref<80x128xi32, #tpu.memory_space<vmem>> -> memref<1x128xi32, #tpu.memory_space<vmem>>
      %dma_wait3A_190 = tpu.memref_squeeze %dma_wait3A_189 : memref<1x128xi32, #tpu.memory_space<vmem>> -> memref<128xi32, #tpu.memory_space<vmem>>
      %dma_wait3A_191 = arith.constant 0 : i32
      %dma_wait3A_192 = arith.constant 0 : i32
      %dma_wait3A_193 = tpu.memref_slice %arg2[%dma_wait3A_191, %dma_wait3A_192] : memref<10240x64xf32, #tpu.memory_space<hbm>> -> memref<10240x64xf32, #tpu.memory_space<hbm>>
      tpu.wait_indirect_dma semaphore(%arg24 : memref<!tpu.dma_semaphore, #tpu.memory_space<semaphore_mem>>) src(%dma_wait3A_193 : memref<10240x64xf32, #tpu.memory_space<hbm>>) dst(%arg15 : memref<128x64xf32, #tpu.memory_space<vmem>>)
      %add3A_194 = arith.constant 7 : i32
      %add3A_195 = arith.addi %mul3A_74, %add3A_194 : i32
      %dma_start3A_196 = arith.constant 0 : i32
      %dma_start3A_197 = tpu.memref_slice %arg7[%add3A_195, %dma_start3A_196] : memref<80x128xi32, #tpu.memory_space<vmem>> -> memref<1x128xi32, #tpu.memory_space<vmem>>
      %dma_start3A_198 = tpu.memref_squeeze %dma_start3A_197 : memref<1x128xi32, #tpu.memory_space<vmem>> -> memref<128xi32, #tpu.memory_space<vmem>>
      %dma_start3A_199 = arith.constant 0 : i32
      %dma_start3A_200 = arith.constant 0 : i32
      %dma_start3A_201 = tpu.memref_slice %arg16[%dma_start3A_199, %dma_start3A_200] : memref<10240x64xf32, #tpu.memory_space<vmem_shared>> -> memref<10240x64xf32, #tpu.memory_space<vmem_shared>>
      tpu.enqueue_indirect_dma source(%arg15 : memref<128x64xf32, #tpu.memory_space<vmem>>) target(%dma_start3A_201 : memref<10240x64xf32, #tpu.memory_space<vmem_shared>>) offsets(%dma_start3A_198 : memref<128xi32, #tpu.memory_space<vmem>>) semaphore(%arg32 : memref<!tpu.dma_semaphore, #tpu.memory_space<semaphore_mem>>) {add = true}
      %dma_wait3A_202 = arith.constant 0 : i32
      %dma_wait3A_203 = tpu.memref_slice %arg7[%add3A_83, %dma_wait3A_202] : memref<80x128xi32, #tpu.memory_space<vmem>> -> memref<1x128xi32, #tpu.memory_space<vmem>>
      %dma_wait3A_204 = tpu.memref_squeeze %dma_wait3A_203 : memref<1x128xi32, #tpu.memory_space<vmem>> -> memref<128xi32, #tpu.memory_space<vmem>>
      %dma_wait3A_205 = arith.constant 0 : i32
      %dma_wait3A_206 = arith.constant 0 : i32
      %dma_wait3A_207 = tpu.memref_slice %arg16[%dma_wait3A_205, %dma_wait3A_206] : memref<10240x64xf32, #tpu.memory_space<vmem_shared>> -> memref<10240x64xf32, #tpu.memory_space<vmem_shared>>
      tpu.wait_indirect_dma semaphore(%arg25 : memref<!tpu.dma_semaphore, #tpu.memory_space<semaphore_mem>>) src(%arg8 : memref<128x64xf32, #tpu.memory_space<vmem>>) dst(%dma_wait3A_207 : memref<10240x64xf32, #tpu.memory_space<vmem_shared>>)
      %add3A_208 = arith.constant 8 : i32
      %add3A_209 = arith.addi %mul3A_74, %add3A_208 : i32
      %add3A_210 = arith.constant 0 : i32
      %add3A_211 = arith.addi %add3A_209, %add3A_210 : i32
      %lt3A = arith.constant 80 : i32
      %lt3A_212 = arith.cmpi slt, %add3A_211, %lt3A : i32
      %convert_element_type3A_213 = arith.extui %lt3A_212 : i1 to i32
      %cond3A_214 = arith.constant 0 : i32
      %cond3A_215 = arith.cmpi ne, %convert_element_type3A_213, %cond3A_214 : i32
      scf.if %cond3A_215 {
        %dma_start3A_321 = arith.constant 0 : i32
        %dma_start3A_322 = tpu.memref_slice %arg6[%add3A_211, %dma_start3A_321] : memref<80x128xi32, #tpu.memory_space<vmem>> -> memref<1x128xi32, #tpu.memory_space<vmem>>
        %dma_start3A_323 = tpu.memref_squeeze %dma_start3A_322 : memref<1x128xi32, #tpu.memory_space<vmem>> -> memref<128xi32, #tpu.memory_space<vmem>>
        %dma_start3A_324 = arith.constant 0 : i32
        %dma_start3A_325 = arith.constant 0 : i32
        %dma_start3A_326 = tpu.memref_slice %arg2[%dma_start3A_324, %dma_start3A_325] : memref<10240x64xf32, #tpu.memory_space<hbm>> -> memref<10240x64xf32, #tpu.memory_space<hbm>>
        tpu.enqueue_indirect_dma source(%dma_start3A_326 : memref<10240x64xf32, #tpu.memory_space<hbm>>) target(%arg8 : memref<128x64xf32, #tpu.memory_space<vmem>>) offsets(%dma_start3A_323 : memref<128xi32, #tpu.memory_space<vmem>>) semaphore(%arg17 : memref<!tpu.dma_semaphore, #tpu.memory_space<semaphore_mem>>)
      } else {
      }
      %dma_wait3A_216 = arith.constant 0 : i32
      %dma_wait3A_217 = tpu.memref_slice %arg7[%add3A_99, %dma_wait3A_216] : memref<80x128xi32, #tpu.memory_space<vmem>> -> memref<1x128xi32, #tpu.memory_space<vmem>>
      %dma_wait3A_218 = tpu.memref_squeeze %dma_wait3A_217 : memref<1x128xi32, #tpu.memory_space<vmem>> -> memref<128xi32, #tpu.memory_space<vmem>>
      %dma_wait3A_219 = arith.constant 0 : i32
      %dma_wait3A_220 = arith.constant 0 : i32
      %dma_wait3A_221 = tpu.memref_slice %arg16[%dma_wait3A_219, %dma_wait3A_220] : memref<10240x64xf32, #tpu.memory_space<vmem_shared>> -> memref<10240x64xf32, #tpu.memory_space<vmem_shared>>
      tpu.wait_indirect_dma semaphore(%arg26 : memref<!tpu.dma_semaphore, #tpu.memory_space<semaphore_mem>>) src(%arg9 : memref<128x64xf32, #tpu.memory_space<vmem>>) dst(%dma_wait3A_221 : memref<10240x64xf32, #tpu.memory_space<vmem_shared>>)
      %add3A_222 = arith.constant 8 : i32
      %add3A_223 = arith.addi %mul3A_74, %add3A_222 : i32
      %add3A_224 = arith.constant 1 : i32
      %add3A_225 = arith.addi %add3A_223, %add3A_224 : i32
      %lt3A_226 = arith.constant 80 : i32
      %lt3A_227 = arith.cmpi slt, %add3A_225, %lt3A_226 : i32
      %convert_element_type3A_228 = arith.extui %lt3A_227 : i1 to i32
      %cond3A_229 = arith.constant 0 : i32
      %cond3A_230 = arith.cmpi ne, %convert_element_type3A_228, %cond3A_229 : i32
      scf.if %cond3A_230 {
        %dma_start3A_321 = arith.constant 0 : i32
        %dma_start3A_322 = tpu.memref_slice %arg6[%add3A_225, %dma_start3A_321] : memref<80x128xi32, #tpu.memory_space<vmem>> -> memref<1x128xi32, #tpu.memory_space<vmem>>
        %dma_start3A_323 = tpu.memref_squeeze %dma_start3A_322 : memref<1x128xi32, #tpu.memory_space<vmem>> -> memref<128xi32, #tpu.memory_space<vmem>>
        %dma_start3A_324 = arith.constant 0 : i32
        %dma_start3A_325 = arith.constant 0 : i32
        %dma_start3A_326 = tpu.memref_slice %arg2[%dma_start3A_324, %dma_start3A_325] : memref<10240x64xf32, #tpu.memory_space<hbm>> -> memref<10240x64xf32, #tpu.memory_space<hbm>>
        tpu.enqueue_indirect_dma source(%dma_start3A_326 : memref<10240x64xf32, #tpu.memory_space<hbm>>) target(%arg9 : memref<128x64xf32, #tpu.memory_space<vmem>>) offsets(%dma_start3A_323 : memref<128xi32, #tpu.memory_space<vmem>>) semaphore(%arg18 : memref<!tpu.dma_semaphore, #tpu.memory_space<semaphore_mem>>)
      } else {
      }
      %dma_wait3A_231 = arith.constant 0 : i32
      %dma_wait3A_232 = tpu.memref_slice %arg7[%add3A_115, %dma_wait3A_231] : memref<80x128xi32, #tpu.memory_space<vmem>> -> memref<1x128xi32, #tpu.memory_space<vmem>>
      %dma_wait3A_233 = tpu.memref_squeeze %dma_wait3A_232 : memref<1x128xi32, #tpu.memory_space<vmem>> -> memref<128xi32, #tpu.memory_space<vmem>>
      %dma_wait3A_234 = arith.constant 0 : i32
      %dma_wait3A_235 = arith.constant 0 : i32
      %dma_wait3A_236 = tpu.memref_slice %arg16[%dma_wait3A_234, %dma_wait3A_235] : memref<10240x64xf32, #tpu.memory_space<vmem_shared>> -> memref<10240x64xf32, #tpu.memory_space<vmem_shared>>
      tpu.wait_indirect_dma semaphore(%arg27 : memref<!tpu.dma_semaphore, #tpu.memory_space<semaphore_mem>>) src(%arg10 : memref<128x64xf32, #tpu.memory_space<vmem>>) dst(%dma_wait3A_236 : memref<10240x64xf32, #tpu.memory_space<vmem_shared>>)
      %add3A_237 = arith.constant 8 : i32
      %add3A_238 = arith.addi %mul3A_74, %add3A_237 : i32
      %add3A_239 = arith.constant 2 : i32
      %add3A_240 = arith.addi %add3A_238, %add3A_239 : i32
      %lt3A_241 = arith.constant 80 : i32
      %lt3A_242 = arith.cmpi slt, %add3A_240, %lt3A_241 : i32
      %convert_element_type3A_243 = arith.extui %lt3A_242 : i1 to i32
      %cond3A_244 = arith.constant 0 : i32
      %cond3A_245 = arith.cmpi ne, %convert_element_type3A_243, %cond3A_244 : i32
      scf.if %cond3A_245 {
        %dma_start3A_321 = arith.constant 0 : i32
        %dma_start3A_322 = tpu.memref_slice %arg6[%add3A_240, %dma_start3A_321] : memref<80x128xi32, #tpu.memory_space<vmem>> -> memref<1x128xi32, #tpu.memory_space<vmem>>
        %dma_start3A_323 = tpu.memref_squeeze %dma_start3A_322 : memref<1x128xi32, #tpu.memory_space<vmem>> -> memref<128xi32, #tpu.memory_space<vmem>>
        %dma_start3A_324 = arith.constant 0 : i32
        %dma_start3A_325 = arith.constant 0 : i32
        %dma_start3A_326 = tpu.memref_slice %arg2[%dma_start3A_324, %dma_start3A_325] : memref<10240x64xf32, #tpu.memory_space<hbm>> -> memref<10240x64xf32, #tpu.memory_space<hbm>>
        tpu.enqueue_indirect_dma source(%dma_start3A_326 : memref<10240x64xf32, #tpu.memory_space<hbm>>) target(%arg10 : memref<128x64xf32, #tpu.memory_space<vmem>>) offsets(%dma_start3A_323 : memref<128xi32, #tpu.memory_space<vmem>>) semaphore(%arg19 : memref<!tpu.dma_semaphore, #tpu.memory_space<semaphore_mem>>)
      } else {
      }
      %dma_wait3A_246 = arith.constant 0 : i32
      %dma_wait3A_247 = tpu.memref_slice %arg7[%add3A_131, %dma_wait3A_246] : memref<80x128xi32, #tpu.memory_space<vmem>> -> memref<1x128xi32, #tpu.memory_space<vmem>>
      %dma_wait3A_248 = tpu.memref_squeeze %dma_wait3A_247 : memref<1x128xi32, #tpu.memory_space<vmem>> -> memref<128xi32, #tpu.memory_space<vmem>>
      %dma_wait3A_249 = arith.constant 0 : i32
      %dma_wait3A_250 = arith.constant 0 : i32
      %dma_wait3A_251 = tpu.memref_slice %arg16[%dma_wait3A_249, %dma_wait3A_250] : memref<10240x64xf32, #tpu.memory_space<vmem_shared>> -> memref<10240x64xf32, #tpu.memory_space<vmem_shared>>
      tpu.wait_indirect_dma semaphore(%arg28 : memref<!tpu.dma_semaphore, #tpu.memory_space<semaphore_mem>>) src(%arg11 : memref<128x64xf32, #tpu.memory_space<vmem>>) dst(%dma_wait3A_251 : memref<10240x64xf32, #tpu.memory_space<vmem_shared>>)
      %add3A_252 = arith.constant 8 : i32
      %add3A_253 = arith.addi %mul3A_74, %add3A_252 : i32
      %add3A_254 = arith.constant 3 : i32
      %add3A_255 = arith.addi %add3A_253, %add3A_254 : i32
      %lt3A_256 = arith.constant 80 : i32
      %lt3A_257 = arith.cmpi slt, %add3A_255, %lt3A_256 : i32
      %convert_element_type3A_258 = arith.extui %lt3A_257 : i1 to i32
      %cond3A_259 = arith.constant 0 : i32
      %cond3A_260 = arith.cmpi ne, %convert_element_type3A_258, %cond3A_259 : i32
      scf.if %cond3A_260 {
        %dma_start3A_321 = arith.constant 0 : i32
        %dma_start3A_322 = tpu.memref_slice %arg6[%add3A_255, %dma_start3A_321] : memref<80x128xi32, #tpu.memory_space<vmem>> -> memref<1x128xi32, #tpu.memory_space<vmem>>
        %dma_start3A_323 = tpu.memref_squeeze %dma_start3A_322 : memref<1x128xi32, #tpu.memory_space<vmem>> -> memref<128xi32, #tpu.memory_space<vmem>>
        %dma_start3A_324 = arith.constant 0 : i32
        %dma_start3A_325 = arith.constant 0 : i32
        %dma_start3A_326 = tpu.memref_slice %arg2[%dma_start3A_324, %dma_start3A_325] : memref<10240x64xf32, #tpu.memory_space<hbm>> -> memref<10240x64xf32, #tpu.memory_space<hbm>>
        tpu.enqueue_indirect_dma source(%dma_start3A_326 : memref<10240x64xf32, #tpu.memory_space<hbm>>) target(%arg11 : memref<128x64xf32, #tpu.memory_space<vmem>>) offsets(%dma_start3A_323 : memref<128xi32, #tpu.memory_space<vmem>>) semaphore(%arg20 : memref<!tpu.dma_semaphore, #tpu.memory_space<semaphore_mem>>)
      } else {
      }
      %dma_wait3A_261 = arith.constant 0 : i32
      %dma_wait3A_262 = tpu.memref_slice %arg7[%add3A_147, %dma_wait3A_261] : memref<80x128xi32, #tpu.memory_space<vmem>> -> memref<1x128xi32, #tpu.memory_space<vmem>>
      %dma_wait3A_263 = tpu.memref_squeeze %dma_wait3A_262 : memref<1x128xi32, #tpu.memory_space<vmem>> -> memref<128xi32, #tpu.memory_space<vmem>>
      %dma_wait3A_264 = arith.constant 0 : i32
      %dma_wait3A_265 = arith.constant 0 : i32
      %dma_wait3A_266 = tpu.memref_slice %arg16[%dma_wait3A_264, %dma_wait3A_265] : memref<10240x64xf32, #tpu.memory_space<vmem_shared>> -> memref<10240x64xf32, #tpu.memory_space<vmem_shared>>
      tpu.wait_indirect_dma semaphore(%arg29 : memref<!tpu.dma_semaphore, #tpu.memory_space<semaphore_mem>>) src(%arg12 : memref<128x64xf32, #tpu.memory_space<vmem>>) dst(%dma_wait3A_266 : memref<10240x64xf32, #tpu.memory_space<vmem_shared>>)
      %add3A_267 = arith.constant 8 : i32
      %add3A_268 = arith.addi %mul3A_74, %add3A_267 : i32
      %add3A_269 = arith.constant 4 : i32
      %add3A_270 = arith.addi %add3A_268, %add3A_269 : i32
      %lt3A_271 = arith.constant 80 : i32
      %lt3A_272 = arith.cmpi slt, %add3A_270, %lt3A_271 : i32
      %convert_element_type3A_273 = arith.extui %lt3A_272 : i1 to i32
      %cond3A_274 = arith.constant 0 : i32
      %cond3A_275 = arith.cmpi ne, %convert_element_type3A_273, %cond3A_274 : i32
      scf.if %cond3A_275 {
        %dma_start3A_321 = arith.constant 0 : i32
        %dma_start3A_322 = tpu.memref_slice %arg6[%add3A_270, %dma_start3A_321] : memref<80x128xi32, #tpu.memory_space<vmem>> -> memref<1x128xi32, #tpu.memory_space<vmem>>
        %dma_start3A_323 = tpu.memref_squeeze %dma_start3A_322 : memref<1x128xi32, #tpu.memory_space<vmem>> -> memref<128xi32, #tpu.memory_space<vmem>>
        %dma_start3A_324 = arith.constant 0 : i32
        %dma_start3A_325 = arith.constant 0 : i32
        %dma_start3A_326 = tpu.memref_slice %arg2[%dma_start3A_324, %dma_start3A_325] : memref<10240x64xf32, #tpu.memory_space<hbm>> -> memref<10240x64xf32, #tpu.memory_space<hbm>>
        tpu.enqueue_indirect_dma source(%dma_start3A_326 : memref<10240x64xf32, #tpu.memory_space<hbm>>) target(%arg12 : memref<128x64xf32, #tpu.memory_space<vmem>>) offsets(%dma_start3A_323 : memref<128xi32, #tpu.memory_space<vmem>>) semaphore(%arg21 : memref<!tpu.dma_semaphore, #tpu.memory_space<semaphore_mem>>)
      } else {
      }
      %dma_wait3A_276 = arith.constant 0 : i32
      %dma_wait3A_277 = tpu.memref_slice %arg7[%add3A_163, %dma_wait3A_276] : memref<80x128xi32, #tpu.memory_space<vmem>> -> memref<1x128xi32, #tpu.memory_space<vmem>>
      %dma_wait3A_278 = tpu.memref_squeeze %dma_wait3A_277 : memref<1x128xi32, #tpu.memory_space<vmem>> -> memref<128xi32, #tpu.memory_space<vmem>>
      %dma_wait3A_279 = arith.constant 0 : i32
      %dma_wait3A_280 = arith.constant 0 : i32
      %dma_wait3A_281 = tpu.memref_slice %arg16[%dma_wait3A_279, %dma_wait3A_280] : memref<10240x64xf32, #tpu.memory_space<vmem_shared>> -> memref<10240x64xf32, #tpu.memory_space<vmem_shared>>
      tpu.wait_indirect_dma semaphore(%arg30 : memref<!tpu.dma_semaphore, #tpu.memory_space<semaphore_mem>>) src(%arg13 : memref<128x64xf32, #tpu.memory_space<vmem>>) dst(%dma_wait3A_281 : memref<10240x64xf32, #tpu.memory_space<vmem_shared>>)
      %add3A_282 = arith.constant 8 : i32
      %add3A_283 = arith.addi %mul3A_74, %add3A_282 : i32
      %add3A_284 = arith.constant 5 : i32
      %add3A_285 = arith.addi %add3A_283, %add3A_284 : i32
      %lt3A_286 = arith.constant 80 : i32
      %lt3A_287 = arith.cmpi slt, %add3A_285, %lt3A_286 : i32
      %convert_element_type3A_288 = arith.extui %lt3A_287 : i1 to i32
      %cond3A_289 = arith.constant 0 : i32
      %cond3A_290 = arith.cmpi ne, %convert_element_type3A_288, %cond3A_289 : i32
      scf.if %cond3A_290 {
        %dma_start3A_321 = arith.constant 0 : i32
        %dma_start3A_322 = tpu.memref_slice %arg6[%add3A_285, %dma_start3A_321] : memref<80x128xi32, #tpu.memory_space<vmem>> -> memref<1x128xi32, #tpu.memory_space<vmem>>
        %dma_start3A_323 = tpu.memref_squeeze %dma_start3A_322 : memref<1x128xi32, #tpu.memory_space<vmem>> -> memref<128xi32, #tpu.memory_space<vmem>>
        %dma_start3A_324 = arith.constant 0 : i32
        %dma_start3A_325 = arith.constant 0 : i32
        %dma_start3A_326 = tpu.memref_slice %arg2[%dma_start3A_324, %dma_start3A_325] : memref<10240x64xf32, #tpu.memory_space<hbm>> -> memref<10240x64xf32, #tpu.memory_space<hbm>>
        tpu.enqueue_indirect_dma source(%dma_start3A_326 : memref<10240x64xf32, #tpu.memory_space<hbm>>) target(%arg13 : memref<128x64xf32, #tpu.memory_space<vmem>>) offsets(%dma_start3A_323 : memref<128xi32, #tpu.memory_space<vmem>>) semaphore(%arg22 : memref<!tpu.dma_semaphore, #tpu.memory_space<semaphore_mem>>)
      } else {
      }
      %dma_wait3A_291 = arith.constant 0 : i32
      %dma_wait3A_292 = tpu.memref_slice %arg7[%add3A_179, %dma_wait3A_291] : memref<80x128xi32, #tpu.memory_space<vmem>> -> memref<1x128xi32, #tpu.memory_space<vmem>>
      %dma_wait3A_293 = tpu.memref_squeeze %dma_wait3A_292 : memref<1x128xi32, #tpu.memory_space<vmem>> -> memref<128xi32, #tpu.memory_space<vmem>>
      %dma_wait3A_294 = arith.constant 0 : i32
      %dma_wait3A_295 = arith.constant 0 : i32
      %dma_wait3A_296 = tpu.memref_slice %arg16[%dma_wait3A_294, %dma_wait3A_295] : memref<10240x64xf32, #tpu.memory_space<vmem_shared>> -> memref<10240x64xf32, #tpu.memory_space<vmem_shared>>
      tpu.wait_indirect_dma semaphore(%arg31 : memref<!tpu.dma_semaphore, #tpu.memory_space<semaphore_mem>>) src(%arg14 : memref<128x64xf32, #tpu.memory_space<vmem>>) dst(%dma_wait3A_296 : memref<10240x64xf32, #tpu.memory_space<vmem_shared>>)
      %add3A_297 = arith.constant 8 : i32
      %add3A_298 = arith.addi %mul3A_74, %add3A_297 : i32
      %add3A_299 = arith.constant 6 : i32
      %add3A_300 = arith.addi %add3A_298, %add3A_299 : i32
      %lt3A_301 = arith.constant 80 : i32
      %lt3A_302 = arith.cmpi slt, %add3A_300, %lt3A_301 : i32
      %convert_element_type3A_303 = arith.extui %lt3A_302 : i1 to i32
      %cond3A_304 = arith.constant 0 : i32
      %cond3A_305 = arith.cmpi ne, %convert_element_type3A_303, %cond3A_304 : i32
      scf.if %cond3A_305 {
        %dma_start3A_321 = arith.constant 0 : i32
        %dma_start3A_322 = tpu.memref_slice %arg6[%add3A_300, %dma_start3A_321] : memref<80x128xi32, #tpu.memory_space<vmem>> -> memref<1x128xi32, #tpu.memory_space<vmem>>
        %dma_start3A_323 = tpu.memref_squeeze %dma_start3A_322 : memref<1x128xi32, #tpu.memory_space<vmem>> -> memref<128xi32, #tpu.memory_space<vmem>>
        %dma_start3A_324 = arith.constant 0 : i32
        %dma_start3A_325 = arith.constant 0 : i32
        %dma_start3A_326 = tpu.memref_slice %arg2[%dma_start3A_324, %dma_start3A_325] : memref<10240x64xf32, #tpu.memory_space<hbm>> -> memref<10240x64xf32, #tpu.memory_space<hbm>>
        tpu.enqueue_indirect_dma source(%dma_start3A_326 : memref<10240x64xf32, #tpu.memory_space<hbm>>) target(%arg14 : memref<128x64xf32, #tpu.memory_space<vmem>>) offsets(%dma_start3A_323 : memref<128xi32, #tpu.memory_space<vmem>>) semaphore(%arg23 : memref<!tpu.dma_semaphore, #tpu.memory_space<semaphore_mem>>)
      } else {
      }
      %dma_wait3A_306 = arith.constant 0 : i32
      %dma_wait3A_307 = tpu.memref_slice %arg7[%add3A_195, %dma_wait3A_306] : memref<80x128xi32, #tpu.memory_space<vmem>> -> memref<1x128xi32, #tpu.memory_space<vmem>>
      %dma_wait3A_308 = tpu.memref_squeeze %dma_wait3A_307 : memref<1x128xi32, #tpu.memory_space<vmem>> -> memref<128xi32, #tpu.memory_space<vmem>>
      %dma_wait3A_309 = arith.constant 0 : i32
      %dma_wait3A_310 = arith.constant 0 : i32
      %dma_wait3A_311 = tpu.memref_slice %arg16[%dma_wait3A_309, %dma_wait3A_310] : memref<10240x64xf32, #tpu.memory_space<vmem_shared>> -> memref<10240x64xf32, #tpu.memory_space<vmem_shared>>
      tpu.wait_indirect_dma semaphore(%arg32 : memref<!tpu.dma_semaphore, #tpu.memory_space<semaphore_mem>>) src(%arg15 : memref<128x64xf32, #tpu.memory_space<vmem>>) dst(%dma_wait3A_311 : memref<10240x64xf32, #tpu.memory_space<vmem_shared>>)
      %add3A_312 = arith.constant 8 : i32
      %add3A_313 = arith.addi %mul3A_74, %add3A_312 : i32
      %add3A_314 = arith.constant 7 : i32
      %add3A_315 = arith.addi %add3A_313, %add3A_314 : i32
      %lt3A_316 = arith.constant 80 : i32
      %lt3A_317 = arith.cmpi slt, %add3A_315, %lt3A_316 : i32
      %convert_element_type3A_318 = arith.extui %lt3A_317 : i1 to i32
      %cond3A_319 = arith.constant 0 : i32
      %cond3A_320 = arith.cmpi ne, %convert_element_type3A_318, %cond3A_319 : i32
      scf.if %cond3A_320 {
        %dma_start3A_321 = arith.constant 0 : i32
        %dma_start3A_322 = tpu.memref_slice %arg6[%add3A_315, %dma_start3A_321] : memref<80x128xi32, #tpu.memory_space<vmem>> -> memref<1x128xi32, #tpu.memory_space<vmem>>
        %dma_start3A_323 = tpu.memref_squeeze %dma_start3A_322 : memref<1x128xi32, #tpu.memory_space<vmem>> -> memref<128xi32, #tpu.memory_space<vmem>>
        %dma_start3A_324 = arith.constant 0 : i32
        %dma_start3A_325 = arith.constant 0 : i32
        %dma_start3A_326 = tpu.memref_slice %arg2[%dma_start3A_324, %dma_start3A_325] : memref<10240x64xf32, #tpu.memory_space<hbm>> -> memref<10240x64xf32, #tpu.memory_space<hbm>>
        tpu.enqueue_indirect_dma source(%dma_start3A_326 : memref<10240x64xf32, #tpu.memory_space<hbm>>) target(%arg15 : memref<128x64xf32, #tpu.memory_space<vmem>>) offsets(%dma_start3A_323 : memref<128xi32, #tpu.memory_space<vmem>>) semaphore(%arg24 : memref<!tpu.dma_semaphore, #tpu.memory_space<semaphore_mem>>)
      } else {
      }
    }
    %scan3A_66 = arith.constant 10 : i32
    %barrier3A_67 = arith.constant 0 : index
    tpu.barrier barrier_id(%barrier3A_67)
    %mul3A_68 = arith.constant 640 : i32
    %mul3A_69 = arith.muli %arg1, %mul3A_68 : i32
    %mul3A_70 = arith.constant 640 : i32
    %mul3A_71 = arith.muli %arg1, %mul3A_70 : i32
    "tpu.region"() ({
      %run_scoped3A = tpu.sem_alloc : memref<!tpu.dma_semaphore, #tpu.memory_space<semaphore_mem>>
      %dma_start3A_72 = arith.constant 0 : i32
      %dma_start3A_73 = tpu.memref_slice %arg5[%arg0, %mul3A_71, %dma_start3A_72] : memref<2x10240x64xf32, #tpu.memory_space<hbm>> -> memref<1x640x64xf32, #tpu.memory_space<hbm>>
      %dma_start3A_74 = tpu.memref_squeeze %dma_start3A_73 : memref<1x640x64xf32, #tpu.memory_space<hbm>> -> memref<640x64xf32, #tpu.memory_space<hbm>>
      %dma_start3A_75 = arith.constant 0 : i32
      %dma_start3A_76 = tpu.memref_slice %arg16[%mul3A_69, %dma_start3A_75] : memref<10240x64xf32, #tpu.memory_space<vmem_shared>> -> memref<640x64xf32, #tpu.memory_space<vmem_shared>>
      tpu.enqueue_dma source(%dma_start3A_76 : memref<640x64xf32, #tpu.memory_space<vmem_shared>>) target(%dma_start3A_74 : memref<640x64xf32, #tpu.memory_space<hbm>>) target_semaphore(%run_scoped3A : memref<!tpu.dma_semaphore, #tpu.memory_space<semaphore_mem>>)
      %dma_wait3A = arith.constant 0 : i32
      %dma_wait3A_77 = tpu.memref_slice %arg5[%arg0, %mul3A_71, %dma_wait3A] : memref<2x10240x64xf32, #tpu.memory_space<hbm>> -> memref<1x640x64xf32, #tpu.memory_space<hbm>>
      %dma_wait3A_78 = tpu.memref_squeeze %dma_wait3A_77 : memref<1x640x64xf32, #tpu.memory_space<hbm>> -> memref<640x64xf32, #tpu.memory_space<hbm>>
      %dma_wait3A_79 = arith.constant 0 : i32
      %dma_wait3A_80 = tpu.memref_slice %arg16[%mul3A_69, %dma_wait3A_79] : memref<10240x64xf32, #tpu.memory_space<vmem_shared>> -> memref<640x64xf32, #tpu.memory_space<vmem_shared>>
      tpu.wait_dma2 semaphore(%run_scoped3A : memref<!tpu.dma_semaphore, #tpu.memory_space<semaphore_mem>>) src(%dma_wait3A_80 : memref<640x64xf32, #tpu.memory_space<vmem_shared>>) dst(%dma_wait3A_78 : memref<640x64xf32, #tpu.memory_space<hbm>>)
      tpu.yield
    }) : () -> ()
    return
  }
}

#map = affine_map<(d0, d1) -> (0, 0, 0)>
module attributes {stable_mosaic.version = 14 : i64} {
  func.func @_deg_kernel(%arg0: i32, %arg1: i32, %arg2: memref<32x80x128xi32, #tpu.memory_space<hbm>>, %arg3: memref<2x10240x16xf32, #tpu.memory_space<hbm>>, %arg4: memref<80x128xi32, #tpu.memory_space<vmem>>, %arg5: memref<128x16xf32, #tpu.memory_space<vmem>>, %arg6: memref<10240x16xf32, #tpu.memory_space<vmem_shared>>, %arg7: memref<!tpu.dma_semaphore, #tpu.memory_space<semaphore_mem>>) attributes {dimension_semantics = [#tpu.dimension_semantics<core_parallel>, #tpu.dimension_semantics<subcore_parallel>], iteration_bounds = array<i64: 2, 16>, scalar_prefetch = 0 : i64, scratch_operands = 4 : i64, tpu.core_type = #tpu.core_type<sc_vector_subcore>, window_params = [{transform_indices = #map}, {transform_indices = #map}]} {
    %mul3A = arith.constant 16 : i32
    %mul3A_0 = arith.muli %arg0, %mul3A : i32
    %add3A = arith.addi %mul3A_0, %arg1 : i32
    %broadcast_in_dim3A = arith.constant 0.000000e+00 : f32
    %broadcast_in_dim3A_1 = vector.broadcast %broadcast_in_dim3A : f32 to vector<16xf32>
    %scan3A = arith.constant 0 : i32
    %scan3A_2 = arith.constant 128 : i32
    %scan3A_3 = arith.addi %scan3A, %scan3A_2 : i32
    %scan3A_4 = arith.constant 1 : i32
    scf.for %scan3A_43 = %scan3A to %scan3A_3 step %scan3A_4  : i32 {
      %swap3A = arith.index_cast %scan3A_43 : i32 to index
      %swap3A_44 = arith.constant 0 : index
      %swap3A_45 = tpu.vector_load %arg5[%swap3A, %swap3A_44] {strides = array<i32>} : memref<128x16xf32, #tpu.memory_space<vmem>>, vector<1x16xf32>,
      %swap3A_46 = vector.shape_cast %swap3A_45 : vector<1x16xf32> to vector<16xf32>
      %swap3A_47 = vector.shape_cast %broadcast_in_dim3A_1 : vector<16xf32> to vector<1x16xf32>
      tpu.vector_store %arg5[%swap3A, %swap3A_44], %swap3A_47 {strides = array<i32>} : memref<128x16xf32, #tpu.memory_space<vmem>>, vector<1x16xf32>,
    }
    %scan3A_5 = arith.constant 128 : i32
    %mul3A_6 = arith.constant 640 : i32
    %mul3A_7 = arith.muli %arg1, %mul3A_6 : i32
    %add3A_8 = arith.constant 0 : i32
    %add3A_9 = arith.addi %mul3A_7, %add3A_8 : i32
    "tpu.region"() ({
      %run_scoped3A = tpu.sem_alloc : memref<!tpu.dma_semaphore, #tpu.memory_space<semaphore_mem>>
      %dma_start3A = arith.constant 0 : i32
      %dma_start3A_43 = tpu.memref_slice %arg6[%add3A_9, %dma_start3A] : memref<10240x16xf32, #tpu.memory_space<vmem_shared>> -> memref<128x16xf32, #tpu.memory_space<vmem_shared>>
      %dma_start3A_44 = arith.constant 0 : i32
      %dma_start3A_45 = tpu.memref_slice %arg6[%add3A_9, %dma_start3A_44] : memref<10240x16xf32, #tpu.memory_space<vmem_shared>> -> memref<128x16xf32, #tpu.memory_space<vmem_shared>>
      tpu.enqueue_dma source(%arg5 : memref<128x16xf32, #tpu.memory_space<vmem>>) target(%dma_start3A_45 : memref<128x16xf32, #tpu.memory_space<vmem_shared>>) target_semaphore(%run_scoped3A : memref<!tpu.dma_semaphore, #tpu.memory_space<semaphore_mem>>)
      %dma_wait3A = arith.constant 0 : i32
      %dma_wait3A_46 = tpu.memref_slice %arg6[%add3A_9, %dma_wait3A] : memref<10240x16xf32, #tpu.memory_space<vmem_shared>> -> memref<128x16xf32, #tpu.memory_space<vmem_shared>>
      %dma_wait3A_47 = arith.constant 0 : i32
      %dma_wait3A_48 = tpu.memref_slice %arg6[%add3A_9, %dma_wait3A_47] : memref<10240x16xf32, #tpu.memory_space<vmem_shared>> -> memref<128x16xf32, #tpu.memory_space<vmem_shared>>
      tpu.wait_dma2 semaphore(%run_scoped3A : memref<!tpu.dma_semaphore, #tpu.memory_space<semaphore_mem>>) src(%arg5 : memref<128x16xf32, #tpu.memory_space<vmem>>) dst(%dma_wait3A_48 : memref<128x16xf32, #tpu.memory_space<vmem_shared>>)
      tpu.yield
    }) : () -> ()
    %mul3A_10 = arith.constant 640 : i32
    %mul3A_11 = arith.muli %arg1, %mul3A_10 : i32
    %add3A_12 = arith.constant 128 : i32
    %add3A_13 = arith.addi %mul3A_11, %add3A_12 : i32
    "tpu.region"() ({
      %run_scoped3A = tpu.sem_alloc : memref<!tpu.dma_semaphore, #tpu.memory_space<semaphore_mem>>
      %dma_start3A = arith.constant 0 : i32
      %dma_start3A_43 = tpu.memref_slice %arg6[%add3A_13, %dma_start3A] : memref<10240x16xf32, #tpu.memory_space<vmem_shared>> -> memref<128x16xf32, #tpu.memory_space<vmem_shared>>
      %dma_start3A_44 = arith.constant 0 : i32
      %dma_start3A_45 = tpu.memref_slice %arg6[%add3A_13, %dma_start3A_44] : memref<10240x16xf32, #tpu.memory_space<vmem_shared>> -> memref<128x16xf32, #tpu.memory_space<vmem_shared>>
      tpu.enqueue_dma source(%arg5 : memref<128x16xf32, #tpu.memory_space<vmem>>) target(%dma_start3A_45 : memref<128x16xf32, #tpu.memory_space<vmem_shared>>) target_semaphore(%run_scoped3A : memref<!tpu.dma_semaphore, #tpu.memory_space<semaphore_mem>>)
      %dma_wait3A = arith.constant 0 : i32
      %dma_wait3A_46 = tpu.memref_slice %arg6[%add3A_13, %dma_wait3A] : memref<10240x16xf32, #tpu.memory_space<vmem_shared>> -> memref<128x16xf32, #tpu.memory_space<vmem_shared>>
      %dma_wait3A_47 = arith.constant 0 : i32
      %dma_wait3A_48 = tpu.memref_slice %arg6[%add3A_13, %dma_wait3A_47] : memref<10240x16xf32, #tpu.memory_space<vmem_shared>> -> memref<128x16xf32, #tpu.memory_space<vmem_shared>>
      tpu.wait_dma2 semaphore(%run_scoped3A : memref<!tpu.dma_semaphore, #tpu.memory_space<semaphore_mem>>) src(%arg5 : memref<128x16xf32, #tpu.memory_space<vmem>>) dst(%dma_wait3A_48 : memref<128x16xf32, #tpu.memory_space<vmem_shared>>)
      tpu.yield
    }) : () -> ()
    %mul3A_14 = arith.constant 640 : i32
    %mul3A_15 = arith.muli %arg1, %mul3A_14 : i32
    %add3A_16 = arith.constant 256 : i32
    %add3A_17 = arith.addi %mul3A_15, %add3A_16 : i32
    "tpu.region"() ({
      %run_scoped3A = tpu.sem_alloc : memref<!tpu.dma_semaphore, #tpu.memory_space<semaphore_mem>>
      %dma_start3A = arith.constant 0 : i32
      %dma_start3A_43 = tpu.memref_slice %arg6[%add3A_17, %dma_start3A] : memref<10240x16xf32, #tpu.memory_space<vmem_shared>> -> memref<128x16xf32, #tpu.memory_space<vmem_shared>>
      %dma_start3A_44 = arith.constant 0 : i32
      %dma_start3A_45 = tpu.memref_slice %arg6[%add3A_17, %dma_start3A_44] : memref<10240x16xf32, #tpu.memory_space<vmem_shared>> -> memref<128x16xf32, #tpu.memory_space<vmem_shared>>
      tpu.enqueue_dma source(%arg5 : memref<128x16xf32, #tpu.memory_space<vmem>>) target(%dma_start3A_45 : memref<128x16xf32, #tpu.memory_space<vmem_shared>>) target_semaphore(%run_scoped3A : memref<!tpu.dma_semaphore, #tpu.memory_space<semaphore_mem>>)
      %dma_wait3A = arith.constant 0 : i32
      %dma_wait3A_46 = tpu.memref_slice %arg6[%add3A_17, %dma_wait3A] : memref<10240x16xf32, #tpu.memory_space<vmem_shared>> -> memref<128x16xf32, #tpu.memory_space<vmem_shared>>
      %dma_wait3A_47 = arith.constant 0 : i32
      %dma_wait3A_48 = tpu.memref_slice %arg6[%add3A_17, %dma_wait3A_47] : memref<10240x16xf32, #tpu.memory_space<vmem_shared>> -> memref<128x16xf32, #tpu.memory_space<vmem_shared>>
      tpu.wait_dma2 semaphore(%run_scoped3A : memref<!tpu.dma_semaphore, #tpu.memory_space<semaphore_mem>>) src(%arg5 : memref<128x16xf32, #tpu.memory_space<vmem>>) dst(%dma_wait3A_48 : memref<128x16xf32, #tpu.memory_space<vmem_shared>>)
      tpu.yield
    }) : () -> ()
    %mul3A_18 = arith.constant 640 : i32
    %mul3A_19 = arith.muli %arg1, %mul3A_18 : i32
    %add3A_20 = arith.constant 384 : i32
    %add3A_21 = arith.addi %mul3A_19, %add3A_20 : i32
    "tpu.region"() ({
      %run_scoped3A = tpu.sem_alloc : memref<!tpu.dma_semaphore, #tpu.memory_space<semaphore_mem>>
      %dma_start3A = arith.constant 0 : i32
      %dma_start3A_43 = tpu.memref_slice %arg6[%add3A_21, %dma_start3A] : memref<10240x16xf32, #tpu.memory_space<vmem_shared>> -> memref<128x16xf32, #tpu.memory_space<vmem_shared>>
      %dma_start3A_44 = arith.constant 0 : i32
      %dma_start3A_45 = tpu.memref_slice %arg6[%add3A_21, %dma_start3A_44] : memref<10240x16xf32, #tpu.memory_space<vmem_shared>> -> memref<128x16xf32, #tpu.memory_space<vmem_shared>>
      tpu.enqueue_dma source(%arg5 : memref<128x16xf32, #tpu.memory_space<vmem>>) target(%dma_start3A_45 : memref<128x16xf32, #tpu.memory_space<vmem_shared>>) target_semaphore(%run_scoped3A : memref<!tpu.dma_semaphore, #tpu.memory_space<semaphore_mem>>)
      %dma_wait3A = arith.constant 0 : i32
      %dma_wait3A_46 = tpu.memref_slice %arg6[%add3A_21, %dma_wait3A] : memref<10240x16xf32, #tpu.memory_space<vmem_shared>> -> memref<128x16xf32, #tpu.memory_space<vmem_shared>>
      %dma_wait3A_47 = arith.constant 0 : i32
      %dma_wait3A_48 = tpu.memref_slice %arg6[%add3A_21, %dma_wait3A_47] : memref<10240x16xf32, #tpu.memory_space<vmem_shared>> -> memref<128x16xf32, #tpu.memory_space<vmem_shared>>
      tpu.wait_dma2 semaphore(%run_scoped3A : memref<!tpu.dma_semaphore, #tpu.memory_space<semaphore_mem>>) src(%arg5 : memref<128x16xf32, #tpu.memory_space<vmem>>) dst(%dma_wait3A_48 : memref<128x16xf32, #tpu.memory_space<vmem_shared>>)
      tpu.yield
    }) : () -> ()
    %mul3A_22 = arith.constant 640 : i32
    %mul3A_23 = arith.muli %arg1, %mul3A_22 : i32
    %add3A_24 = arith.constant 512 : i32
    %add3A_25 = arith.addi %mul3A_23, %add3A_24 : i32
    "tpu.region"() ({
      %run_scoped3A = tpu.sem_alloc : memref<!tpu.dma_semaphore, #tpu.memory_space<semaphore_mem>>
      %dma_start3A = arith.constant 0 : i32
      %dma_start3A_43 = tpu.memref_slice %arg6[%add3A_25, %dma_start3A] : memref<10240x16xf32, #tpu.memory_space<vmem_shared>> -> memref<128x16xf32, #tpu.memory_space<vmem_shared>>
      %dma_start3A_44 = arith.constant 0 : i32
      %dma_start3A_45 = tpu.memref_slice %arg6[%add3A_25, %dma_start3A_44] : memref<10240x16xf32, #tpu.memory_space<vmem_shared>> -> memref<128x16xf32, #tpu.memory_space<vmem_shared>>
      tpu.enqueue_dma source(%arg5 : memref<128x16xf32, #tpu.memory_space<vmem>>) target(%dma_start3A_45 : memref<128x16xf32, #tpu.memory_space<vmem_shared>>) target_semaphore(%run_scoped3A : memref<!tpu.dma_semaphore, #tpu.memory_space<semaphore_mem>>)
      %dma_wait3A = arith.constant 0 : i32
      %dma_wait3A_46 = tpu.memref_slice %arg6[%add3A_25, %dma_wait3A] : memref<10240x16xf32, #tpu.memory_space<vmem_shared>> -> memref<128x16xf32, #tpu.memory_space<vmem_shared>>
      %dma_wait3A_47 = arith.constant 0 : i32
      %dma_wait3A_48 = tpu.memref_slice %arg6[%add3A_25, %dma_wait3A_47] : memref<10240x16xf32, #tpu.memory_space<vmem_shared>> -> memref<128x16xf32, #tpu.memory_space<vmem_shared>>
      tpu.wait_dma2 semaphore(%run_scoped3A : memref<!tpu.dma_semaphore, #tpu.memory_space<semaphore_mem>>) src(%arg5 : memref<128x16xf32, #tpu.memory_space<vmem>>) dst(%dma_wait3A_48 : memref<128x16xf32, #tpu.memory_space<vmem_shared>>)
      tpu.yield
    }) : () -> ()
    %broadcast_in_dim3A_26 = arith.constant 1.000000e+00 : f32
    %broadcast_in_dim3A_27 = vector.broadcast %broadcast_in_dim3A_26 : f32 to vector<16xf32>
    %scan3A_28 = arith.constant 0 : i32
    %scan3A_29 = arith.constant 128 : i32
    %scan3A_30 = arith.addi %scan3A_28, %scan3A_29 : i32
    %scan3A_31 = arith.constant 1 : i32
    scf.for %scan3A_43 = %scan3A_28 to %scan3A_30 step %scan3A_31  : i32 {
      %swap3A = arith.index_cast %scan3A_43 : i32 to index
      %swap3A_44 = arith.constant 0 : index
      %swap3A_45 = tpu.vector_load %arg5[%swap3A, %swap3A_44] {strides = array<i32>} : memref<128x16xf32, #tpu.memory_space<vmem>>, vector<1x16xf32>,
      %swap3A_46 = vector.shape_cast %swap3A_45 : vector<1x16xf32> to vector<16xf32>
      %swap3A_47 = vector.shape_cast %broadcast_in_dim3A_27 : vector<16xf32> to vector<1x16xf32>
      tpu.vector_store %arg5[%swap3A, %swap3A_44], %swap3A_47 {strides = array<i32>} : memref<128x16xf32, #tpu.memory_space<vmem>>, vector<1x16xf32>,
    }
    %scan3A_32 = arith.constant 128 : i32
    "tpu.region"() ({
      %run_scoped3A = tpu.sem_alloc : memref<!tpu.dma_semaphore, #tpu.memory_space<semaphore_mem>>
      %dma_start3A = arith.constant 0 : i32
      %dma_start3A_43 = arith.constant 0 : i32
      %dma_start3A_44 = tpu.memref_slice %arg2[%add3A, %dma_start3A, %dma_start3A_43] : memref<32x80x128xi32, #tpu.memory_space<hbm>> -> memref<1x80x128xi32, #tpu.memory_space<hbm>>
      %dma_start3A_45 = tpu.memref_squeeze %dma_start3A_44 : memref<1x80x128xi32, #tpu.memory_space<hbm>> -> memref<80x128xi32, #tpu.memory_space<hbm>>
      %dma_start3A_46 = arith.constant 0 : i32
      %dma_start3A_47 = arith.constant 0 : i32
      %dma_start3A_48 = tpu.memref_slice %arg2[%add3A, %dma_start3A_46, %dma_start3A_47] : memref<32x80x128xi32, #tpu.memory_space<hbm>> -> memref<1x80x128xi32, #tpu.memory_space<hbm>>
      %dma_start3A_49 = tpu.memref_squeeze %dma_start3A_48 : memref<1x80x128xi32, #tpu.memory_space<hbm>> -> memref<80x128xi32, #tpu.memory_space<hbm>>
      tpu.enqueue_dma source(%dma_start3A_49 : memref<80x128xi32, #tpu.memory_space<hbm>>) target(%arg4 : memref<80x128xi32, #tpu.memory_space<vmem>>) target_semaphore(%run_scoped3A : memref<!tpu.dma_semaphore, #tpu.memory_space<semaphore_mem>>)
      %dma_wait3A = arith.constant 0 : i32
      %dma_wait3A_50 = arith.constant 0 : i32
      %dma_wait3A_51 = tpu.memref_slice %arg2[%add3A, %dma_wait3A, %dma_wait3A_50] : memref<32x80x128xi32, #tpu.memory_space<hbm>> -> memref<1x80x128xi32, #tpu.memory_space<hbm>>
      %dma_wait3A_52 = tpu.memref_squeeze %dma_wait3A_51 : memref<1x80x128xi32, #tpu.memory_space<hbm>> -> memref<80x128xi32, #tpu.memory_space<hbm>>
      %dma_wait3A_53 = arith.constant 0 : i32
      %dma_wait3A_54 = arith.constant 0 : i32
      %dma_wait3A_55 = tpu.memref_slice %arg2[%add3A, %dma_wait3A_53, %dma_wait3A_54] : memref<32x80x128xi32, #tpu.memory_space<hbm>> -> memref<1x80x128xi32, #tpu.memory_space<hbm>>
      %dma_wait3A_56 = tpu.memref_squeeze %dma_wait3A_55 : memref<1x80x128xi32, #tpu.memory_space<hbm>> -> memref<80x128xi32, #tpu.memory_space<hbm>>
      tpu.wait_dma2 semaphore(%run_scoped3A : memref<!tpu.dma_semaphore, #tpu.memory_space<semaphore_mem>>) src(%dma_wait3A_56 : memref<80x128xi32, #tpu.memory_space<hbm>>) dst(%arg4 : memref<80x128xi32, #tpu.memory_space<vmem>>)
      tpu.yield
    }) : () -> ()
    %barrier3A = arith.constant 0 : index
    tpu.barrier barrier_id(%barrier3A)
    %scan3A_33 = arith.constant 0 : i32
    %scan3A_34 = arith.constant 10 : i32
    %scan3A_35 = arith.addi %scan3A_33, %scan3A_34 : i32
    %scan3A_36 = arith.constant 1 : i32
    scf.for %scan3A_43 = %scan3A_33 to %scan3A_35 step %scan3A_36  : i32 {
      %mul3A_44 = arith.constant 8 : i32
      %mul3A_45 = arith.muli %scan3A_43, %mul3A_44 : i32
      %add3A_46 = arith.constant 0 : i32
      %add3A_47 = arith.addi %mul3A_45, %add3A_46 : i32
      %dma_start3A = arith.constant 0 : i32
      %dma_start3A_48 = tpu.memref_slice %arg4[%add3A_47, %dma_start3A] : memref<80x128xi32, #tpu.memory_space<vmem>> -> memref<1x128xi32, #tpu.memory_space<vmem>>
      %dma_start3A_49 = tpu.memref_squeeze %dma_start3A_48 : memref<1x128xi32, #tpu.memory_space<vmem>> -> memref<128xi32, #tpu.memory_space<vmem>>
      %dma_start3A_50 = arith.constant 0 : i32
      %dma_start3A_51 = arith.constant 0 : i32
      %dma_start3A_52 = tpu.memref_slice %arg6[%dma_start3A_50, %dma_start3A_51] : memref<10240x16xf32, #tpu.memory_space<vmem_shared>> -> memref<10240x16xf32, #tpu.memory_space<vmem_shared>>
      tpu.enqueue_indirect_dma source(%arg5 : memref<128x16xf32, #tpu.memory_space<vmem>>) target(%dma_start3A_52 : memref<10240x16xf32, #tpu.memory_space<vmem_shared>>) offsets(%dma_start3A_49 : memref<128xi32, #tpu.memory_space<vmem>>) semaphore(%arg7 : memref<!tpu.dma_semaphore, #tpu.memory_space<semaphore_mem>>) {add = true}
      %add3A_53 = arith.constant 1 : i32
      %add3A_54 = arith.addi %mul3A_45, %add3A_53 : i32
      %dma_start3A_55 = arith.constant 0 : i32
      %dma_start3A_56 = tpu.memref_slice %arg4[%add3A_54, %dma_start3A_55] : memref<80x128xi32, #tpu.memory_space<vmem>> -> memref<1x128xi32, #tpu.memory_space<vmem>>
      %dma_start3A_57 = tpu.memref_squeeze %dma_start3A_56 : memref<1x128xi32, #tpu.memory_space<vmem>> -> memref<128xi32, #tpu.memory_space<vmem>>
      %dma_start3A_58 = arith.constant 0 : i32
      %dma_start3A_59 = arith.constant 0 : i32
      %dma_start3A_60 = tpu.memref_slice %arg6[%dma_start3A_58, %dma_start3A_59] : memref<10240x16xf32, #tpu.memory_space<vmem_shared>> -> memref<10240x16xf32, #tpu.memory_space<vmem_shared>>
      tpu.enqueue_indirect_dma source(%arg5 : memref<128x16xf32, #tpu.memory_space<vmem>>) target(%dma_start3A_60 : memref<10240x16xf32, #tpu.memory_space<vmem_shared>>) offsets(%dma_start3A_57 : memref<128xi32, #tpu.memory_space<vmem>>) semaphore(%arg7 : memref<!tpu.dma_semaphore, #tpu.memory_space<semaphore_mem>>) {add = true}
      %add3A_61 = arith.constant 2 : i32
      %add3A_62 = arith.addi %mul3A_45, %add3A_61 : i32
      %dma_start3A_63 = arith.constant 0 : i32
      %dma_start3A_64 = tpu.memref_slice %arg4[%add3A_62, %dma_start3A_63] : memref<80x128xi32, #tpu.memory_space<vmem>> -> memref<1x128xi32, #tpu.memory_space<vmem>>
      %dma_start3A_65 = tpu.memref_squeeze %dma_start3A_64 : memref<1x128xi32, #tpu.memory_space<vmem>> -> memref<128xi32, #tpu.memory_space<vmem>>
      %dma_start3A_66 = arith.constant 0 : i32
      %dma_start3A_67 = arith.constant 0 : i32
      %dma_start3A_68 = tpu.memref_slice %arg6[%dma_start3A_66, %dma_start3A_67] : memref<10240x16xf32, #tpu.memory_space<vmem_shared>> -> memref<10240x16xf32, #tpu.memory_space<vmem_shared>>
      tpu.enqueue_indirect_dma source(%arg5 : memref<128x16xf32, #tpu.memory_space<vmem>>) target(%dma_start3A_68 : memref<10240x16xf32, #tpu.memory_space<vmem_shared>>) offsets(%dma_start3A_65 : memref<128xi32, #tpu.memory_space<vmem>>) semaphore(%arg7 : memref<!tpu.dma_semaphore, #tpu.memory_space<semaphore_mem>>) {add = true}
      %add3A_69 = arith.constant 3 : i32
      %add3A_70 = arith.addi %mul3A_45, %add3A_69 : i32
      %dma_start3A_71 = arith.constant 0 : i32
      %dma_start3A_72 = tpu.memref_slice %arg4[%add3A_70, %dma_start3A_71] : memref<80x128xi32, #tpu.memory_space<vmem>> -> memref<1x128xi32, #tpu.memory_space<vmem>>
      %dma_start3A_73 = tpu.memref_squeeze %dma_start3A_72 : memref<1x128xi32, #tpu.memory_space<vmem>> -> memref<128xi32, #tpu.memory_space<vmem>>
      %dma_start3A_74 = arith.constant 0 : i32
      %dma_start3A_75 = arith.constant 0 : i32
      %dma_start3A_76 = tpu.memref_slice %arg6[%dma_start3A_74, %dma_start3A_75] : memref<10240x16xf32, #tpu.memory_space<vmem_shared>> -> memref<10240x16xf32, #tpu.memory_space<vmem_shared>>
      tpu.enqueue_indirect_dma source(%arg5 : memref<128x16xf32, #tpu.memory_space<vmem>>) target(%dma_start3A_76 : memref<10240x16xf32, #tpu.memory_space<vmem_shared>>) offsets(%dma_start3A_73 : memref<128xi32, #tpu.memory_space<vmem>>) semaphore(%arg7 : memref<!tpu.dma_semaphore, #tpu.memory_space<semaphore_mem>>) {add = true}
      %add3A_77 = arith.constant 4 : i32
      %add3A_78 = arith.addi %mul3A_45, %add3A_77 : i32
      %dma_start3A_79 = arith.constant 0 : i32
      %dma_start3A_80 = tpu.memref_slice %arg4[%add3A_78, %dma_start3A_79] : memref<80x128xi32, #tpu.memory_space<vmem>> -> memref<1x128xi32, #tpu.memory_space<vmem>>
      %dma_start3A_81 = tpu.memref_squeeze %dma_start3A_80 : memref<1x128xi32, #tpu.memory_space<vmem>> -> memref<128xi32, #tpu.memory_space<vmem>>
      %dma_start3A_82 = arith.constant 0 : i32
      %dma_start3A_83 = arith.constant 0 : i32
      %dma_start3A_84 = tpu.memref_slice %arg6[%dma_start3A_82, %dma_start3A_83] : memref<10240x16xf32, #tpu.memory_space<vmem_shared>> -> memref<10240x16xf32, #tpu.memory_space<vmem_shared>>
      tpu.enqueue_indirect_dma source(%arg5 : memref<128x16xf32, #tpu.memory_space<vmem>>) target(%dma_start3A_84 : memref<10240x16xf32, #tpu.memory_space<vmem_shared>>) offsets(%dma_start3A_81 : memref<128xi32, #tpu.memory_space<vmem>>) semaphore(%arg7 : memref<!tpu.dma_semaphore, #tpu.memory_space<semaphore_mem>>) {add = true}
      %add3A_85 = arith.constant 5 : i32
      %add3A_86 = arith.addi %mul3A_45, %add3A_85 : i32
      %dma_start3A_87 = arith.constant 0 : i32
      %dma_start3A_88 = tpu.memref_slice %arg4[%add3A_86, %dma_start3A_87] : memref<80x128xi32, #tpu.memory_space<vmem>> -> memref<1x128xi32, #tpu.memory_space<vmem>>
      %dma_start3A_89 = tpu.memref_squeeze %dma_start3A_88 : memref<1x128xi32, #tpu.memory_space<vmem>> -> memref<128xi32, #tpu.memory_space<vmem>>
      %dma_start3A_90 = arith.constant 0 : i32
      %dma_start3A_91 = arith.constant 0 : i32
      %dma_start3A_92 = tpu.memref_slice %arg6[%dma_start3A_90, %dma_start3A_91] : memref<10240x16xf32, #tpu.memory_space<vmem_shared>> -> memref<10240x16xf32, #tpu.memory_space<vmem_shared>>
      tpu.enqueue_indirect_dma source(%arg5 : memref<128x16xf32, #tpu.memory_space<vmem>>) target(%dma_start3A_92 : memref<10240x16xf32, #tpu.memory_space<vmem_shared>>) offsets(%dma_start3A_89 : memref<128xi32, #tpu.memory_space<vmem>>) semaphore(%arg7 : memref<!tpu.dma_semaphore, #tpu.memory_space<semaphore_mem>>) {add = true}
      %add3A_93 = arith.constant 6 : i32
      %add3A_94 = arith.addi %mul3A_45, %add3A_93 : i32
      %dma_start3A_95 = arith.constant 0 : i32
      %dma_start3A_96 = tpu.memref_slice %arg4[%add3A_94, %dma_start3A_95] : memref<80x128xi32, #tpu.memory_space<vmem>> -> memref<1x128xi32, #tpu.memory_space<vmem>>
      %dma_start3A_97 = tpu.memref_squeeze %dma_start3A_96 : memref<1x128xi32, #tpu.memory_space<vmem>> -> memref<128xi32, #tpu.memory_space<vmem>>
      %dma_start3A_98 = arith.constant 0 : i32
      %dma_start3A_99 = arith.constant 0 : i32
      %dma_start3A_100 = tpu.memref_slice %arg6[%dma_start3A_98, %dma_start3A_99] : memref<10240x16xf32, #tpu.memory_space<vmem_shared>> -> memref<10240x16xf32, #tpu.memory_space<vmem_shared>>
      tpu.enqueue_indirect_dma source(%arg5 : memref<128x16xf32, #tpu.memory_space<vmem>>) target(%dma_start3A_100 : memref<10240x16xf32, #tpu.memory_space<vmem_shared>>) offsets(%dma_start3A_97 : memref<128xi32, #tpu.memory_space<vmem>>) semaphore(%arg7 : memref<!tpu.dma_semaphore, #tpu.memory_space<semaphore_mem>>) {add = true}
      %add3A_101 = arith.constant 7 : i32
      %add3A_102 = arith.addi %mul3A_45, %add3A_101 : i32
      %dma_start3A_103 = arith.constant 0 : i32
      %dma_start3A_104 = tpu.memref_slice %arg4[%add3A_102, %dma_start3A_103] : memref<80x128xi32, #tpu.memory_space<vmem>> -> memref<1x128xi32, #tpu.memory_space<vmem>>
      %dma_start3A_105 = tpu.memref_squeeze %dma_start3A_104 : memref<1x128xi32, #tpu.memory_space<vmem>> -> memref<128xi32, #tpu.memory_space<vmem>>
      %dma_start3A_106 = arith.constant 0 : i32
      %dma_start3A_107 = arith.constant 0 : i32
      %dma_start3A_108 = tpu.memref_slice %arg6[%dma_start3A_106, %dma_start3A_107] : memref<10240x16xf32, #tpu.memory_space<vmem_shared>> -> memref<10240x16xf32, #tpu.memory_space<vmem_shared>>
      tpu.enqueue_indirect_dma source(%arg5 : memref<128x16xf32, #tpu.memory_space<vmem>>) target(%dma_start3A_108 : memref<10240x16xf32, #tpu.memory_space<vmem_shared>>) offsets(%dma_start3A_105 : memref<128xi32, #tpu.memory_space<vmem>>) semaphore(%arg7 : memref<!tpu.dma_semaphore, #tpu.memory_space<semaphore_mem>>) {add = true}
      %dma_wait3A = arith.constant 0 : i32
      %dma_wait3A_109 = tpu.memref_slice %arg4[%add3A_47, %dma_wait3A] : memref<80x128xi32, #tpu.memory_space<vmem>> -> memref<1x128xi32, #tpu.memory_space<vmem>>
      %dma_wait3A_110 = tpu.memref_squeeze %dma_wait3A_109 : memref<1x128xi32, #tpu.memory_space<vmem>> -> memref<128xi32, #tpu.memory_space<vmem>>
      %dma_wait3A_111 = arith.constant 0 : i32
      %dma_wait3A_112 = arith.constant 0 : i32
      %dma_wait3A_113 = tpu.memref_slice %arg6[%dma_wait3A_111, %dma_wait3A_112] : memref<10240x16xf32, #tpu.memory_space<vmem_shared>> -> memref<10240x16xf32, #tpu.memory_space<vmem_shared>>
      tpu.wait_indirect_dma semaphore(%arg7 : memref<!tpu.dma_semaphore, #tpu.memory_space<semaphore_mem>>) src(%arg5 : memref<128x16xf32, #tpu.memory_space<vmem>>) dst(%dma_wait3A_113 : memref<10240x16xf32, #tpu.memory_space<vmem_shared>>)
      %dma_wait3A_114 = arith.constant 0 : i32
      %dma_wait3A_115 = tpu.memref_slice %arg4[%add3A_54, %dma_wait3A_114] : memref<80x128xi32, #tpu.memory_space<vmem>> -> memref<1x128xi32, #tpu.memory_space<vmem>>
      %dma_wait3A_116 = tpu.memref_squeeze %dma_wait3A_115 : memref<1x128xi32, #tpu.memory_space<vmem>> -> memref<128xi32, #tpu.memory_space<vmem>>
      %dma_wait3A_117 = arith.constant 0 : i32
      %dma_wait3A_118 = arith.constant 0 : i32
      %dma_wait3A_119 = tpu.memref_slice %arg6[%dma_wait3A_117, %dma_wait3A_118] : memref<10240x16xf32, #tpu.memory_space<vmem_shared>> -> memref<10240x16xf32, #tpu.memory_space<vmem_shared>>
      tpu.wait_indirect_dma semaphore(%arg7 : memref<!tpu.dma_semaphore, #tpu.memory_space<semaphore_mem>>) src(%arg5 : memref<128x16xf32, #tpu.memory_space<vmem>>) dst(%dma_wait3A_119 : memref<10240x16xf32, #tpu.memory_space<vmem_shared>>)
      %dma_wait3A_120 = arith.constant 0 : i32
      %dma_wait3A_121 = tpu.memref_slice %arg4[%add3A_62, %dma_wait3A_120] : memref<80x128xi32, #tpu.memory_space<vmem>> -> memref<1x128xi32, #tpu.memory_space<vmem>>
      %dma_wait3A_122 = tpu.memref_squeeze %dma_wait3A_121 : memref<1x128xi32, #tpu.memory_space<vmem>> -> memref<128xi32, #tpu.memory_space<vmem>>
      %dma_wait3A_123 = arith.constant 0 : i32
      %dma_wait3A_124 = arith.constant 0 : i32
      %dma_wait3A_125 = tpu.memref_slice %arg6[%dma_wait3A_123, %dma_wait3A_124] : memref<10240x16xf32, #tpu.memory_space<vmem_shared>> -> memref<10240x16xf32, #tpu.memory_space<vmem_shared>>
      tpu.wait_indirect_dma semaphore(%arg7 : memref<!tpu.dma_semaphore, #tpu.memory_space<semaphore_mem>>) src(%arg5 : memref<128x16xf32, #tpu.memory_space<vmem>>) dst(%dma_wait3A_125 : memref<10240x16xf32, #tpu.memory_space<vmem_shared>>)
      %dma_wait3A_126 = arith.constant 0 : i32
      %dma_wait3A_127 = tpu.memref_slice %arg4[%add3A_70, %dma_wait3A_126] : memref<80x128xi32, #tpu.memory_space<vmem>> -> memref<1x128xi32, #tpu.memory_space<vmem>>
      %dma_wait3A_128 = tpu.memref_squeeze %dma_wait3A_127 : memref<1x128xi32, #tpu.memory_space<vmem>> -> memref<128xi32, #tpu.memory_space<vmem>>
      %dma_wait3A_129 = arith.constant 0 : i32
      %dma_wait3A_130 = arith.constant 0 : i32
      %dma_wait3A_131 = tpu.memref_slice %arg6[%dma_wait3A_129, %dma_wait3A_130] : memref<10240x16xf32, #tpu.memory_space<vmem_shared>> -> memref<10240x16xf32, #tpu.memory_space<vmem_shared>>
      tpu.wait_indirect_dma semaphore(%arg7 : memref<!tpu.dma_semaphore, #tpu.memory_space<semaphore_mem>>) src(%arg5 : memref<128x16xf32, #tpu.memory_space<vmem>>) dst(%dma_wait3A_131 : memref<10240x16xf32, #tpu.memory_space<vmem_shared>>)
      %dma_wait3A_132 = arith.constant 0 : i32
      %dma_wait3A_133 = tpu.memref_slice %arg4[%add3A_78, %dma_wait3A_132] : memref<80x128xi32, #tpu.memory_space<vmem>> -> memref<1x128xi32, #tpu.memory_space<vmem>>
      %dma_wait3A_134 = tpu.memref_squeeze %dma_wait3A_133 : memref<1x128xi32, #tpu.memory_space<vmem>> -> memref<128xi32, #tpu.memory_space<vmem>>
      %dma_wait3A_135 = arith.constant 0 : i32
      %dma_wait3A_136 = arith.constant 0 : i32
      %dma_wait3A_137 = tpu.memref_slice %arg6[%dma_wait3A_135, %dma_wait3A_136] : memref<10240x16xf32, #tpu.memory_space<vmem_shared>> -> memref<10240x16xf32, #tpu.memory_space<vmem_shared>>
      tpu.wait_indirect_dma semaphore(%arg7 : memref<!tpu.dma_semaphore, #tpu.memory_space<semaphore_mem>>) src(%arg5 : memref<128x16xf32, #tpu.memory_space<vmem>>) dst(%dma_wait3A_137 : memref<10240x16xf32, #tpu.memory_space<vmem_shared>>)
      %dma_wait3A_138 = arith.constant 0 : i32
      %dma_wait3A_139 = tpu.memref_slice %arg4[%add3A_86, %dma_wait3A_138] : memref<80x128xi32, #tpu.memory_space<vmem>> -> memref<1x128xi32, #tpu.memory_space<vmem>>
      %dma_wait3A_140 = tpu.memref_squeeze %dma_wait3A_139 : memref<1x128xi32, #tpu.memory_space<vmem>> -> memref<128xi32, #tpu.memory_space<vmem>>
      %dma_wait3A_141 = arith.constant 0 : i32
      %dma_wait3A_142 = arith.constant 0 : i32
      %dma_wait3A_143 = tpu.memref_slice %arg6[%dma_wait3A_141, %dma_wait3A_142] : memref<10240x16xf32, #tpu.memory_space<vmem_shared>> -> memref<10240x16xf32, #tpu.memory_space<vmem_shared>>
      tpu.wait_indirect_dma semaphore(%arg7 : memref<!tpu.dma_semaphore, #tpu.memory_space<semaphore_mem>>) src(%arg5 : memref<128x16xf32, #tpu.memory_space<vmem>>) dst(%dma_wait3A_143 : memref<10240x16xf32, #tpu.memory_space<vmem_shared>>)
      %dma_wait3A_144 = arith.constant 0 : i32
      %dma_wait3A_145 = tpu.memref_slice %arg4[%add3A_94, %dma_wait3A_144] : memref<80x128xi32, #tpu.memory_space<vmem>> -> memref<1x128xi32, #tpu.memory_space<vmem>>
      %dma_wait3A_146 = tpu.memref_squeeze %dma_wait3A_145 : memref<1x128xi32, #tpu.memory_space<vmem>> -> memref<128xi32, #tpu.memory_space<vmem>>
      %dma_wait3A_147 = arith.constant 0 : i32
      %dma_wait3A_148 = arith.constant 0 : i32
      %dma_wait3A_149 = tpu.memref_slice %arg6[%dma_wait3A_147, %dma_wait3A_148] : memref<10240x16xf32, #tpu.memory_space<vmem_shared>> -> memref<10240x16xf32, #tpu.memory_space<vmem_shared>>
      tpu.wait_indirect_dma semaphore(%arg7 : memref<!tpu.dma_semaphore, #tpu.memory_space<semaphore_mem>>) src(%arg5 : memref<128x16xf32, #tpu.memory_space<vmem>>) dst(%dma_wait3A_149 : memref<10240x16xf32, #tpu.memory_space<vmem_shared>>)
      %dma_wait3A_150 = arith.constant 0 : i32
      %dma_wait3A_151 = tpu.memref_slice %arg4[%add3A_102, %dma_wait3A_150] : memref<80x128xi32, #tpu.memory_space<vmem>> -> memref<1x128xi32, #tpu.memory_space<vmem>>
      %dma_wait3A_152 = tpu.memref_squeeze %dma_wait3A_151 : memref<1x128xi32, #tpu.memory_space<vmem>> -> memref<128xi32, #tpu.memory_space<vmem>>
      %dma_wait3A_153 = arith.constant 0 : i32
      %dma_wait3A_154 = arith.constant 0 : i32
      %dma_wait3A_155 = tpu.memref_slice %arg6[%dma_wait3A_153, %dma_wait3A_154] : memref<10240x16xf32, #tpu.memory_space<vmem_shared>> -> memref<10240x16xf32, #tpu.memory_space<vmem_shared>>
      tpu.wait_indirect_dma semaphore(%arg7 : memref<!tpu.dma_semaphore, #tpu.memory_space<semaphore_mem>>) src(%arg5 : memref<128x16xf32, #tpu.memory_space<vmem>>) dst(%dma_wait3A_155 : memref<10240x16xf32, #tpu.memory_space<vmem_shared>>)
    }
    %scan3A_37 = arith.constant 10 : i32
    %barrier3A_38 = arith.constant 0 : index
    tpu.barrier barrier_id(%barrier3A_38)
    %mul3A_39 = arith.constant 640 : i32
    %mul3A_40 = arith.muli %arg1, %mul3A_39 : i32
    %mul3A_41 = arith.constant 640 : i32
    %mul3A_42 = arith.muli %arg1, %mul3A_41 : i32
    "tpu.region"() ({
      %run_scoped3A = tpu.sem_alloc : memref<!tpu.dma_semaphore, #tpu.memory_space<semaphore_mem>>
      %dma_start3A = arith.constant 0 : i32
      %dma_start3A_43 = tpu.memref_slice %arg3[%arg0, %mul3A_42, %dma_start3A] : memref<2x10240x16xf32, #tpu.memory_space<hbm>> -> memref<1x640x16xf32, #tpu.memory_space<hbm>>
      %dma_start3A_44 = tpu.memref_squeeze %dma_start3A_43 : memref<1x640x16xf32, #tpu.memory_space<hbm>> -> memref<640x16xf32, #tpu.memory_space<hbm>>
      %dma_start3A_45 = arith.constant 0 : i32
      %dma_start3A_46 = tpu.memref_slice %arg6[%mul3A_40, %dma_start3A_45] : memref<10240x16xf32, #tpu.memory_space<vmem_shared>> -> memref<640x16xf32, #tpu.memory_space<vmem_shared>>
      tpu.enqueue_dma source(%dma_start3A_46 : memref<640x16xf32, #tpu.memory_space<vmem_shared>>) target(%dma_start3A_44 : memref<640x16xf32, #tpu.memory_space<hbm>>) target_semaphore(%run_scoped3A : memref<!tpu.dma_semaphore, #tpu.memory_space<semaphore_mem>>)
      %dma_wait3A = arith.constant 0 : i32
      %dma_wait3A_47 = tpu.memref_slice %arg3[%arg0, %mul3A_42, %dma_wait3A] : memref<2x10240x16xf32, #tpu.memory_space<hbm>> -> memref<1x640x16xf32, #tpu.memory_space<hbm>>
      %dma_wait3A_48 = tpu.memref_squeeze %dma_wait3A_47 : memref<1x640x16xf32, #tpu.memory_space<hbm>> -> memref<640x16xf32, #tpu.memory_space<hbm>>
      %dma_wait3A_49 = arith.constant 0 : i32
      %dma_wait3A_50 = tpu.memref_slice %arg6[%mul3A_40, %dma_wait3A_49] : memref<10240x16xf32, #tpu.memory_space<vmem_shared>> -> memref<640x16xf32, #tpu.memory_space<vmem_shared>>
      tpu.wait_dma2 semaphore(%run_scoped3A : memref<!tpu.dma_semaphore, #tpu.memory_space<semaphore_mem>>) src(%dma_wait3A_50 : memref<640x16xf32, #tpu.memory_space<vmem_shared>>) dst(%dma_wait3A_48 : memref<640x16xf32, #tpu.memory_space<hbm>>)
      tpu.yield
    }) : () -> ()
    return
  }
}

#map = affine_map<(d0, d1) -> (0, 0)>
#map1 = affine_map<(d0, d1) -> (0, 0, 0)>
module attributes {stable_mosaic.version = 14 : i64} {
  func.func @agg(%arg0: i32, %arg1: i32, %arg2: memref<10240x16xf32, #tpu.memory_space<hbm>>, %arg3: memref<32x80x128xi32, #tpu.memory_space<hbm>>, %arg4: memref<32x80x128xi32, #tpu.memory_space<hbm>>, %arg5: memref<2x10240x16xf32, #tpu.memory_space<hbm>>, %arg6: memref<80x128xi32, #tpu.memory_space<vmem>>, %arg7: memref<80x128xi32, #tpu.memory_space<vmem>>, %arg8: memref<128x16xf32, #tpu.memory_space<vmem>>, %arg9: memref<128x16xf32, #tpu.memory_space<vmem>>, %arg10: memref<128x16xf32, #tpu.memory_space<vmem>>, %arg11: memref<128x16xf32, #tpu.memory_space<vmem>>, %arg12: memref<128x16xf32, #tpu.memory_space<vmem>>, %arg13: memref<128x16xf32, #tpu.memory_space<vmem>>, %arg14: memref<128x16xf32, #tpu.memory_space<vmem>>, %arg15: memref<128x16xf32, #tpu.memory_space<vmem>>, %arg16: memref<10240x16xf32, #tpu.memory_space<vmem_shared>>, %arg17: memref<10240x16xf32, #tpu.memory_space<vmem_shared>>, %arg18: memref<!tpu.dma_semaphore, #tpu.memory_space<semaphore_mem>>, %arg19: memref<!tpu.dma_semaphore, #tpu.memory_space<semaphore_mem>>, %arg20: memref<!tpu.dma_semaphore, #tpu.memory_space<semaphore_mem>>, %arg21: memref<!tpu.dma_semaphore, #tpu.memory_space<semaphore_mem>>, %arg22: memref<!tpu.dma_semaphore, #tpu.memory_space<semaphore_mem>>, %arg23: memref<!tpu.dma_semaphore, #tpu.memory_space<semaphore_mem>>, %arg24: memref<!tpu.dma_semaphore, #tpu.memory_space<semaphore_mem>>, %arg25: memref<!tpu.dma_semaphore, #tpu.memory_space<semaphore_mem>>, %arg26: memref<!tpu.dma_semaphore, #tpu.memory_space<semaphore_mem>>, %arg27: memref<!tpu.dma_semaphore, #tpu.memory_space<semaphore_mem>>, %arg28: memref<!tpu.dma_semaphore, #tpu.memory_space<semaphore_mem>>, %arg29: memref<!tpu.dma_semaphore, #tpu.memory_space<semaphore_mem>>, %arg30: memref<!tpu.dma_semaphore, #tpu.memory_space<semaphore_mem>>, %arg31: memref<!tpu.dma_semaphore, #tpu.memory_space<semaphore_mem>>, %arg32: memref<!tpu.dma_semaphore, #tpu.memory_space<semaphore_mem>>, %arg33: memref<!tpu.dma_semaphore, #tpu.memory_space<semaphore_mem>>) attributes {dimension_semantics = [#tpu.dimension_semantics<core_parallel>, #tpu.dimension_semantics<subcore_parallel>], iteration_bounds = array<i64: 2, 16>, scalar_prefetch = 0 : i64, scratch_operands = 28 : i64, tpu.core_type = #tpu.core_type<sc_vector_subcore>, window_params = [{transform_indices = #map}, {transform_indices = #map1}, {transform_indices = #map1}, {transform_indices = #map1}]} {
    %mul3A = arith.constant 16 : i32
    %mul3A_0 = arith.muli %arg0, %mul3A : i32
    %add3A = arith.addi %mul3A_0, %arg1 : i32
    %mul3A_1 = arith.constant 640 : i32
    %mul3A_2 = arith.muli %arg1, %mul3A_1 : i32
    %mul3A_3 = arith.constant 640 : i32
    %mul3A_4 = arith.muli %arg1, %mul3A_3 : i32
    "tpu.region"() ({
      %run_scoped3A = tpu.sem_alloc : memref<!tpu.dma_semaphore, #tpu.memory_space<semaphore_mem>>
      %dma_start3A_76 = arith.constant 0 : i32
      %dma_start3A_77 = tpu.memref_slice %arg16[%mul3A_4, %dma_start3A_76] : memref<10240x16xf32, #tpu.memory_space<vmem_shared>> -> memref<640x16xf32, #tpu.memory_space<vmem_shared>>
      %dma_start3A_78 = arith.constant 0 : i32
      %dma_start3A_79 = tpu.memref_slice %arg2[%mul3A_2, %dma_start3A_78] : memref<10240x16xf32, #tpu.memory_space<hbm>> -> memref<640x16xf32, #tpu.memory_space<hbm>>
      tpu.enqueue_dma source(%dma_start3A_79 : memref<640x16xf32, #tpu.memory_space<hbm>>) target(%dma_start3A_77 : memref<640x16xf32, #tpu.memory_space<vmem_shared>>) target_semaphore(%run_scoped3A : memref<!tpu.dma_semaphore, #tpu.memory_space<semaphore_mem>>)
      %dma_wait3A = arith.constant 0 : i32
      %dma_wait3A_80 = tpu.memref_slice %arg16[%mul3A_4, %dma_wait3A] : memref<10240x16xf32, #tpu.memory_space<vmem_shared>> -> memref<640x16xf32, #tpu.memory_space<vmem_shared>>
      %dma_wait3A_81 = arith.constant 0 : i32
      %dma_wait3A_82 = tpu.memref_slice %arg2[%mul3A_2, %dma_wait3A_81] : memref<10240x16xf32, #tpu.memory_space<hbm>> -> memref<640x16xf32, #tpu.memory_space<hbm>>
      tpu.wait_dma2 semaphore(%run_scoped3A : memref<!tpu.dma_semaphore, #tpu.memory_space<semaphore_mem>>) src(%dma_wait3A_82 : memref<640x16xf32, #tpu.memory_space<hbm>>) dst(%dma_wait3A_80 : memref<640x16xf32, #tpu.memory_space<vmem_shared>>)
      tpu.yield
    }) : () -> ()
    %eq3A = arith.constant 0 : i32
    %eq3A_5 = arith.cmpi eq, %arg0, %eq3A : i32
    %convert_element_type3A = arith.extui %eq3A_5 : i1 to i32
    %cond3A = arith.constant 0 : i32
    %cond3A_6 = arith.cmpi ne, %convert_element_type3A, %cond3A : i32
    scf.if %cond3A_6 {
      %mul3A_76 = arith.constant 640 : i32
      %mul3A_77 = arith.muli %arg1, %mul3A_76 : i32
      %mul3A_78 = arith.constant 640 : i32
      %mul3A_79 = arith.muli %arg1, %mul3A_78 : i32
      "tpu.region"() ({
        %run_scoped3A = tpu.sem_alloc : memref<!tpu.dma_semaphore, #tpu.memory_space<semaphore_mem>>
        %dma_start3A_80 = arith.constant 0 : i32
        %dma_start3A_81 = tpu.memref_slice %arg17[%mul3A_79, %dma_start3A_80] : memref<10240x16xf32, #tpu.memory_space<vmem_shared>> -> memref<640x16xf32, #tpu.memory_space<vmem_shared>>
        %dma_start3A_82 = arith.constant 0 : i32
        %dma_start3A_83 = tpu.memref_slice %arg2[%mul3A_77, %dma_start3A_82] : memref<10240x16xf32, #tpu.memory_space<hbm>> -> memref<640x16xf32, #tpu.memory_space<hbm>>
        tpu.enqueue_dma source(%dma_start3A_83 : memref<640x16xf32, #tpu.memory_space<hbm>>) target(%dma_start3A_81 : memref<640x16xf32, #tpu.memory_space<vmem_shared>>) target_semaphore(%run_scoped3A : memref<!tpu.dma_semaphore, #tpu.memory_space<semaphore_mem>>)
        %dma_wait3A = arith.constant 0 : i32
        %dma_wait3A_84 = tpu.memref_slice %arg17[%mul3A_79, %dma_wait3A] : memref<10240x16xf32, #tpu.memory_space<vmem_shared>> -> memref<640x16xf32, #tpu.memory_space<vmem_shared>>
        %dma_wait3A_85 = arith.constant 0 : i32
        %dma_wait3A_86 = tpu.memref_slice %arg2[%mul3A_77, %dma_wait3A_85] : memref<10240x16xf32, #tpu.memory_space<hbm>> -> memref<640x16xf32, #tpu.memory_space<hbm>>
        tpu.wait_dma2 semaphore(%run_scoped3A : memref<!tpu.dma_semaphore, #tpu.memory_space<semaphore_mem>>) src(%dma_wait3A_86 : memref<640x16xf32, #tpu.memory_space<hbm>>) dst(%dma_wait3A_84 : memref<640x16xf32, #tpu.memory_space<vmem_shared>>)
        tpu.yield
      }) : () -> ()
    } else {
    }
    %eq3A_7 = arith.constant 1 : i32
    %eq3A_8 = arith.cmpi eq, %arg0, %eq3A_7 : i32
    %convert_element_type3A_9 = arith.extui %eq3A_8 : i1 to i32
    %cond3A_10 = arith.constant 0 : i32
    %cond3A_11 = arith.cmpi ne, %convert_element_type3A_9, %cond3A_10 : i32
    scf.if %cond3A_11 {
      %broadcast_in_dim3A = arith.constant 0.000000e+00 : f32
      %broadcast_in_dim3A_76 = vector.broadcast %broadcast_in_dim3A : f32 to vector<16xf32>
      %scan3A_77 = arith.constant 0 : i32
      %scan3A_78 = arith.constant 128 : i32
      %scan3A_79 = arith.addi %scan3A_77, %scan3A_78 : i32
      %scan3A_80 = arith.constant 1 : i32
      scf.for %scan3A_102 = %scan3A_77 to %scan3A_79 step %scan3A_80  : i32 {
        %swap3A = arith.index_cast %scan3A_102 : i32 to index
        %swap3A_103 = arith.constant 0 : index
        %swap3A_104 = tpu.vector_load %arg8[%swap3A, %swap3A_103] {strides = array<i32>} : memref<128x16xf32, #tpu.memory_space<vmem>>, vector<1x16xf32>,
        %swap3A_105 = vector.shape_cast %swap3A_104 : vector<1x16xf32> to vector<16xf32>
        %swap3A_106 = vector.shape_cast %broadcast_in_dim3A_76 : vector<16xf32> to vector<1x16xf32>
        tpu.vector_store %arg8[%swap3A, %swap3A_103], %swap3A_106 {strides = array<i32>} : memref<128x16xf32, #tpu.memory_space<vmem>>, vector<1x16xf32>,
      }
      %scan3A_81 = arith.constant 128 : i32
      %mul3A_82 = arith.constant 640 : i32
      %mul3A_83 = arith.muli %arg1, %mul3A_82 : i32
      %add3A_84 = arith.constant 0 : i32
      %add3A_85 = arith.addi %mul3A_83, %add3A_84 : i32
      "tpu.region"() ({
        %run_scoped3A = tpu.sem_alloc : memref<!tpu.dma_semaphore, #tpu.memory_space<semaphore_mem>>
        %dma_start3A_102 = arith.constant 0 : i32
        %dma_start3A_103 = tpu.memref_slice %arg17[%add3A_85, %dma_start3A_102] : memref<10240x16xf32, #tpu.memory_space<vmem_shared>> -> memref<128x16xf32, #tpu.memory_space<vmem_shared>>
        %dma_start3A_104 = arith.constant 0 : i32
        %dma_start3A_105 = tpu.memref_slice %arg17[%add3A_85, %dma_start3A_104] : memref<10240x16xf32, #tpu.memory_space<vmem_shared>> -> memref<128x16xf32, #tpu.memory_space<vmem_shared>>
        tpu.enqueue_dma source(%arg8 : memref<128x16xf32, #tpu.memory_space<vmem>>) target(%dma_start3A_105 : memref<128x16xf32, #tpu.memory_space<vmem_shared>>) target_semaphore(%run_scoped3A : memref<!tpu.dma_semaphore, #tpu.memory_space<semaphore_mem>>)
        %dma_wait3A = arith.constant 0 : i32
        %dma_wait3A_106 = tpu.memref_slice %arg17[%add3A_85, %dma_wait3A] : memref<10240x16xf32, #tpu.memory_space<vmem_shared>> -> memref<128x16xf32, #tpu.memory_space<vmem_shared>>
        %dma_wait3A_107 = arith.constant 0 : i32
        %dma_wait3A_108 = tpu.memref_slice %arg17[%add3A_85, %dma_wait3A_107] : memref<10240x16xf32, #tpu.memory_space<vmem_shared>> -> memref<128x16xf32, #tpu.memory_space<vmem_shared>>
        tpu.wait_dma2 semaphore(%run_scoped3A : memref<!tpu.dma_semaphore, #tpu.memory_space<semaphore_mem>>) src(%arg8 : memref<128x16xf32, #tpu.memory_space<vmem>>) dst(%dma_wait3A_108 : memref<128x16xf32, #tpu.memory_space<vmem_shared>>)
        tpu.yield
      }) : () -> ()
      %mul3A_86 = arith.constant 640 : i32
      %mul3A_87 = arith.muli %arg1, %mul3A_86 : i32
      %add3A_88 = arith.constant 128 : i32
      %add3A_89 = arith.addi %mul3A_87, %add3A_88 : i32
      "tpu.region"() ({
        %run_scoped3A = tpu.sem_alloc : memref<!tpu.dma_semaphore, #tpu.memory_space<semaphore_mem>>
        %dma_start3A_102 = arith.constant 0 : i32
        %dma_start3A_103 = tpu.memref_slice %arg17[%add3A_89, %dma_start3A_102] : memref<10240x16xf32, #tpu.memory_space<vmem_shared>> -> memref<128x16xf32, #tpu.memory_space<vmem_shared>>
        %dma_start3A_104 = arith.constant 0 : i32
        %dma_start3A_105 = tpu.memref_slice %arg17[%add3A_89, %dma_start3A_104] : memref<10240x16xf32, #tpu.memory_space<vmem_shared>> -> memref<128x16xf32, #tpu.memory_space<vmem_shared>>
        tpu.enqueue_dma source(%arg8 : memref<128x16xf32, #tpu.memory_space<vmem>>) target(%dma_start3A_105 : memref<128x16xf32, #tpu.memory_space<vmem_shared>>) target_semaphore(%run_scoped3A : memref<!tpu.dma_semaphore, #tpu.memory_space<semaphore_mem>>)
        %dma_wait3A = arith.constant 0 : i32
        %dma_wait3A_106 = tpu.memref_slice %arg17[%add3A_89, %dma_wait3A] : memref<10240x16xf32, #tpu.memory_space<vmem_shared>> -> memref<128x16xf32, #tpu.memory_space<vmem_shared>>
        %dma_wait3A_107 = arith.constant 0 : i32
        %dma_wait3A_108 = tpu.memref_slice %arg17[%add3A_89, %dma_wait3A_107] : memref<10240x16xf32, #tpu.memory_space<vmem_shared>> -> memref<128x16xf32, #tpu.memory_space<vmem_shared>>
        tpu.wait_dma2 semaphore(%run_scoped3A : memref<!tpu.dma_semaphore, #tpu.memory_space<semaphore_mem>>) src(%arg8 : memref<128x16xf32, #tpu.memory_space<vmem>>) dst(%dma_wait3A_108 : memref<128x16xf32, #tpu.memory_space<vmem_shared>>)
        tpu.yield
      }) : () -> ()
      %mul3A_90 = arith.constant 640 : i32
      %mul3A_91 = arith.muli %arg1, %mul3A_90 : i32
      %add3A_92 = arith.constant 256 : i32
      %add3A_93 = arith.addi %mul3A_91, %add3A_92 : i32
      "tpu.region"() ({
        %run_scoped3A = tpu.sem_alloc : memref<!tpu.dma_semaphore, #tpu.memory_space<semaphore_mem>>
        %dma_start3A_102 = arith.constant 0 : i32
        %dma_start3A_103 = tpu.memref_slice %arg17[%add3A_93, %dma_start3A_102] : memref<10240x16xf32, #tpu.memory_space<vmem_shared>> -> memref<128x16xf32, #tpu.memory_space<vmem_shared>>
        %dma_start3A_104 = arith.constant 0 : i32
        %dma_start3A_105 = tpu.memref_slice %arg17[%add3A_93, %dma_start3A_104] : memref<10240x16xf32, #tpu.memory_space<vmem_shared>> -> memref<128x16xf32, #tpu.memory_space<vmem_shared>>
        tpu.enqueue_dma source(%arg8 : memref<128x16xf32, #tpu.memory_space<vmem>>) target(%dma_start3A_105 : memref<128x16xf32, #tpu.memory_space<vmem_shared>>) target_semaphore(%run_scoped3A : memref<!tpu.dma_semaphore, #tpu.memory_space<semaphore_mem>>)
        %dma_wait3A = arith.constant 0 : i32
        %dma_wait3A_106 = tpu.memref_slice %arg17[%add3A_93, %dma_wait3A] : memref<10240x16xf32, #tpu.memory_space<vmem_shared>> -> memref<128x16xf32, #tpu.memory_space<vmem_shared>>
        %dma_wait3A_107 = arith.constant 0 : i32
        %dma_wait3A_108 = tpu.memref_slice %arg17[%add3A_93, %dma_wait3A_107] : memref<10240x16xf32, #tpu.memory_space<vmem_shared>> -> memref<128x16xf32, #tpu.memory_space<vmem_shared>>
        tpu.wait_dma2 semaphore(%run_scoped3A : memref<!tpu.dma_semaphore, #tpu.memory_space<semaphore_mem>>) src(%arg8 : memref<128x16xf32, #tpu.memory_space<vmem>>) dst(%dma_wait3A_108 : memref<128x16xf32, #tpu.memory_space<vmem_shared>>)
        tpu.yield
      }) : () -> ()
      %mul3A_94 = arith.constant 640 : i32
      %mul3A_95 = arith.muli %arg1, %mul3A_94 : i32
      %add3A_96 = arith.constant 384 : i32
      %add3A_97 = arith.addi %mul3A_95, %add3A_96 : i32
      "tpu.region"() ({
        %run_scoped3A = tpu.sem_alloc : memref<!tpu.dma_semaphore, #tpu.memory_space<semaphore_mem>>
        %dma_start3A_102 = arith.constant 0 : i32
        %dma_start3A_103 = tpu.memref_slice %arg17[%add3A_97, %dma_start3A_102] : memref<10240x16xf32, #tpu.memory_space<vmem_shared>> -> memref<128x16xf32, #tpu.memory_space<vmem_shared>>
        %dma_start3A_104 = arith.constant 0 : i32
        %dma_start3A_105 = tpu.memref_slice %arg17[%add3A_97, %dma_start3A_104] : memref<10240x16xf32, #tpu.memory_space<vmem_shared>> -> memref<128x16xf32, #tpu.memory_space<vmem_shared>>
        tpu.enqueue_dma source(%arg8 : memref<128x16xf32, #tpu.memory_space<vmem>>) target(%dma_start3A_105 : memref<128x16xf32, #tpu.memory_space<vmem_shared>>) target_semaphore(%run_scoped3A : memref<!tpu.dma_semaphore, #tpu.memory_space<semaphore_mem>>)
        %dma_wait3A = arith.constant 0 : i32
        %dma_wait3A_106 = tpu.memref_slice %arg17[%add3A_97, %dma_wait3A] : memref<10240x16xf32, #tpu.memory_space<vmem_shared>> -> memref<128x16xf32, #tpu.memory_space<vmem_shared>>
        %dma_wait3A_107 = arith.constant 0 : i32
        %dma_wait3A_108 = tpu.memref_slice %arg17[%add3A_97, %dma_wait3A_107] : memref<10240x16xf32, #tpu.memory_space<vmem_shared>> -> memref<128x16xf32, #tpu.memory_space<vmem_shared>>
        tpu.wait_dma2 semaphore(%run_scoped3A : memref<!tpu.dma_semaphore, #tpu.memory_space<semaphore_mem>>) src(%arg8 : memref<128x16xf32, #tpu.memory_space<vmem>>) dst(%dma_wait3A_108 : memref<128x16xf32, #tpu.memory_space<vmem_shared>>)
        tpu.yield
      }) : () -> ()
      %mul3A_98 = arith.constant 640 : i32
      %mul3A_99 = arith.muli %arg1, %mul3A_98 : i32
      %add3A_100 = arith.constant 512 : i32
      %add3A_101 = arith.addi %mul3A_99, %add3A_100 : i32
      "tpu.region"() ({
        %run_scoped3A = tpu.sem_alloc : memref<!tpu.dma_semaphore, #tpu.memory_space<semaphore_mem>>
        %dma_start3A_102 = arith.constant 0 : i32
        %dma_start3A_103 = tpu.memref_slice %arg17[%add3A_101, %dma_start3A_102] : memref<10240x16xf32, #tpu.memory_space<vmem_shared>> -> memref<128x16xf32, #tpu.memory_space<vmem_shared>>
        %dma_start3A_104 = arith.constant 0 : i32
        %dma_start3A_105 = tpu.memref_slice %arg17[%add3A_101, %dma_start3A_104] : memref<10240x16xf32, #tpu.memory_space<vmem_shared>> -> memref<128x16xf32, #tpu.memory_space<vmem_shared>>
        tpu.enqueue_dma source(%arg8 : memref<128x16xf32, #tpu.memory_space<vmem>>) target(%dma_start3A_105 : memref<128x16xf32, #tpu.memory_space<vmem_shared>>) target_semaphore(%run_scoped3A : memref<!tpu.dma_semaphore, #tpu.memory_space<semaphore_mem>>)
        %dma_wait3A = arith.constant 0 : i32
        %dma_wait3A_106 = tpu.memref_slice %arg17[%add3A_101, %dma_wait3A] : memref<10240x16xf32, #tpu.memory_space<vmem_shared>> -> memref<128x16xf32, #tpu.memory_space<vmem_shared>>
        %dma_wait3A_107 = arith.constant 0 : i32
        %dma_wait3A_108 = tpu.memref_slice %arg17[%add3A_101, %dma_wait3A_107] : memref<10240x16xf32, #tpu.memory_space<vmem_shared>> -> memref<128x16xf32, #tpu.memory_space<vmem_shared>>
        tpu.wait_dma2 semaphore(%run_scoped3A : memref<!tpu.dma_semaphore, #tpu.memory_space<semaphore_mem>>) src(%arg8 : memref<128x16xf32, #tpu.memory_space<vmem>>) dst(%dma_wait3A_108 : memref<128x16xf32, #tpu.memory_space<vmem_shared>>)
        tpu.yield
      }) : () -> ()
    } else {
    }
    "tpu.region"() ({
      %run_scoped3A = tpu.sem_alloc : memref<!tpu.dma_semaphore, #tpu.memory_space<semaphore_mem>>
      %dma_start3A_76 = arith.constant 0 : i32
      %dma_start3A_77 = arith.constant 0 : i32
      %dma_start3A_78 = tpu.memref_slice %arg3[%add3A, %dma_start3A_76, %dma_start3A_77] : memref<32x80x128xi32, #tpu.memory_space<hbm>> -> memref<1x80x128xi32, #tpu.memory_space<hbm>>
      %dma_start3A_79 = tpu.memref_squeeze %dma_start3A_78 : memref<1x80x128xi32, #tpu.memory_space<hbm>> -> memref<80x128xi32, #tpu.memory_space<hbm>>
      %dma_start3A_80 = arith.constant 0 : i32
      %dma_start3A_81 = arith.constant 0 : i32
      %dma_start3A_82 = tpu.memref_slice %arg3[%add3A, %dma_start3A_80, %dma_start3A_81] : memref<32x80x128xi32, #tpu.memory_space<hbm>> -> memref<1x80x128xi32, #tpu.memory_space<hbm>>
      %dma_start3A_83 = tpu.memref_squeeze %dma_start3A_82 : memref<1x80x128xi32, #tpu.memory_space<hbm>> -> memref<80x128xi32, #tpu.memory_space<hbm>>
      tpu.enqueue_dma source(%dma_start3A_83 : memref<80x128xi32, #tpu.memory_space<hbm>>) target(%arg6 : memref<80x128xi32, #tpu.memory_space<vmem>>) target_semaphore(%run_scoped3A : memref<!tpu.dma_semaphore, #tpu.memory_space<semaphore_mem>>)
      %dma_wait3A = arith.constant 0 : i32
      %dma_wait3A_84 = arith.constant 0 : i32
      %dma_wait3A_85 = tpu.memref_slice %arg3[%add3A, %dma_wait3A, %dma_wait3A_84] : memref<32x80x128xi32, #tpu.memory_space<hbm>> -> memref<1x80x128xi32, #tpu.memory_space<hbm>>
      %dma_wait3A_86 = tpu.memref_squeeze %dma_wait3A_85 : memref<1x80x128xi32, #tpu.memory_space<hbm>> -> memref<80x128xi32, #tpu.memory_space<hbm>>
      %dma_wait3A_87 = arith.constant 0 : i32
      %dma_wait3A_88 = arith.constant 0 : i32
      %dma_wait3A_89 = tpu.memref_slice %arg3[%add3A, %dma_wait3A_87, %dma_wait3A_88] : memref<32x80x128xi32, #tpu.memory_space<hbm>> -> memref<1x80x128xi32, #tpu.memory_space<hbm>>
      %dma_wait3A_90 = tpu.memref_squeeze %dma_wait3A_89 : memref<1x80x128xi32, #tpu.memory_space<hbm>> -> memref<80x128xi32, #tpu.memory_space<hbm>>
      tpu.wait_dma2 semaphore(%run_scoped3A : memref<!tpu.dma_semaphore, #tpu.memory_space<semaphore_mem>>) src(%dma_wait3A_90 : memref<80x128xi32, #tpu.memory_space<hbm>>) dst(%arg6 : memref<80x128xi32, #tpu.memory_space<vmem>>)
      tpu.yield
    }) : () -> ()
    "tpu.region"() ({
      %run_scoped3A = tpu.sem_alloc : memref<!tpu.dma_semaphore, #tpu.memory_space<semaphore_mem>>
      %dma_start3A_76 = arith.constant 0 : i32
      %dma_start3A_77 = arith.constant 0 : i32
      %dma_start3A_78 = tpu.memref_slice %arg4[%add3A, %dma_start3A_76, %dma_start3A_77] : memref<32x80x128xi32, #tpu.memory_space<hbm>> -> memref<1x80x128xi32, #tpu.memory_space<hbm>>
      %dma_start3A_79 = tpu.memref_squeeze %dma_start3A_78 : memref<1x80x128xi32, #tpu.memory_space<hbm>> -> memref<80x128xi32, #tpu.memory_space<hbm>>
      %dma_start3A_80 = arith.constant 0 : i32
      %dma_start3A_81 = arith.constant 0 : i32
      %dma_start3A_82 = tpu.memref_slice %arg4[%add3A, %dma_start3A_80, %dma_start3A_81] : memref<32x80x128xi32, #tpu.memory_space<hbm>> -> memref<1x80x128xi32, #tpu.memory_space<hbm>>
      %dma_start3A_83 = tpu.memref_squeeze %dma_start3A_82 : memref<1x80x128xi32, #tpu.memory_space<hbm>> -> memref<80x128xi32, #tpu.memory_space<hbm>>
      tpu.enqueue_dma source(%dma_start3A_83 : memref<80x128xi32, #tpu.memory_space<hbm>>) target(%arg7 : memref<80x128xi32, #tpu.memory_space<vmem>>) target_semaphore(%run_scoped3A : memref<!tpu.dma_semaphore, #tpu.memory_space<semaphore_mem>>)
      %dma_wait3A = arith.constant 0 : i32
      %dma_wait3A_84 = arith.constant 0 : i32
      %dma_wait3A_85 = tpu.memref_slice %arg4[%add3A, %dma_wait3A, %dma_wait3A_84] : memref<32x80x128xi32, #tpu.memory_space<hbm>> -> memref<1x80x128xi32, #tpu.memory_space<hbm>>
      %dma_wait3A_86 = tpu.memref_squeeze %dma_wait3A_85 : memref<1x80x128xi32, #tpu.memory_space<hbm>> -> memref<80x128xi32, #tpu.memory_space<hbm>>
      %dma_wait3A_87 = arith.constant 0 : i32
      %dma_wait3A_88 = arith.constant 0 : i32
      %dma_wait3A_89 = tpu.memref_slice %arg4[%add3A, %dma_wait3A_87, %dma_wait3A_88] : memref<32x80x128xi32, #tpu.memory_space<hbm>> -> memref<1x80x128xi32, #tpu.memory_space<hbm>>
      %dma_wait3A_90 = tpu.memref_squeeze %dma_wait3A_89 : memref<1x80x128xi32, #tpu.memory_space<hbm>> -> memref<80x128xi32, #tpu.memory_space<hbm>>
      tpu.wait_dma2 semaphore(%run_scoped3A : memref<!tpu.dma_semaphore, #tpu.memory_space<semaphore_mem>>) src(%dma_wait3A_90 : memref<80x128xi32, #tpu.memory_space<hbm>>) dst(%arg7 : memref<80x128xi32, #tpu.memory_space<vmem>>)
      tpu.yield
    }) : () -> ()
    %barrier3A = arith.constant 0 : index
    tpu.barrier barrier_id(%barrier3A)
    %dma_start3A = arith.constant 0 : i32
    %dma_start3A_12 = arith.constant 0 : i32
    %dma_start3A_13 = tpu.memref_slice %arg6[%dma_start3A, %dma_start3A_12] : memref<80x128xi32, #tpu.memory_space<vmem>> -> memref<1x128xi32, #tpu.memory_space<vmem>>
    %dma_start3A_14 = tpu.memref_squeeze %dma_start3A_13 : memref<1x128xi32, #tpu.memory_space<vmem>> -> memref<128xi32, #tpu.memory_space<vmem>>
    %dma_start3A_15 = arith.constant 0 : i32
    %dma_start3A_16 = arith.constant 0 : i32
    %dma_start3A_17 = tpu.memref_slice %arg16[%dma_start3A_15, %dma_start3A_16] : memref<10240x16xf32, #tpu.memory_space<vmem_shared>> -> memref<10240x16xf32, #tpu.memory_space<vmem_shared>>
    tpu.enqueue_indirect_dma source(%dma_start3A_17 : memref<10240x16xf32, #tpu.memory_space<vmem_shared>>) target(%arg8 : memref<128x16xf32, #tpu.memory_space<vmem>>) offsets(%dma_start3A_14 : memref<128xi32, #tpu.memory_space<vmem>>) semaphore(%arg18 : memref<!tpu.dma_semaphore, #tpu.memory_space<semaphore_mem>>)
    %dma_start3A_18 = arith.constant 1 : i32
    %dma_start3A_19 = arith.constant 0 : i32
    %dma_start3A_20 = tpu.memref_slice %arg6[%dma_start3A_18, %dma_start3A_19] : memref<80x128xi32, #tpu.memory_space<vmem>> -> memref<1x128xi32, #tpu.memory_space<vmem>>
    %dma_start3A_21 = tpu.memref_squeeze %dma_start3A_20 : memref<1x128xi32, #tpu.memory_space<vmem>> -> memref<128xi32, #tpu.memory_space<vmem>>
    %dma_start3A_22 = arith.constant 0 : i32
    %dma_start3A_23 = arith.constant 0 : i32
    %dma_start3A_24 = tpu.memref_slice %arg16[%dma_start3A_22, %dma_start3A_23] : memref<10240x16xf32, #tpu.memory_space<vmem_shared>> -> memref<10240x16xf32, #tpu.memory_space<vmem_shared>>
    tpu.enqueue_indirect_dma source(%dma_start3A_24 : memref<10240x16xf32, #tpu.memory_space<vmem_shared>>) target(%arg9 : memref<128x16xf32, #tpu.memory_space<vmem>>) offsets(%dma_start3A_21 : memref<128xi32, #tpu.memory_space<vmem>>) semaphore(%arg19 : memref<!tpu.dma_semaphore, #tpu.memory_space<semaphore_mem>>)
    %dma_start3A_25 = arith.constant 2 : i32
    %dma_start3A_26 = arith.constant 0 : i32
    %dma_start3A_27 = tpu.memref_slice %arg6[%dma_start3A_25, %dma_start3A_26] : memref<80x128xi32, #tpu.memory_space<vmem>> -> memref<1x128xi32, #tpu.memory_space<vmem>>
    %dma_start3A_28 = tpu.memref_squeeze %dma_start3A_27 : memref<1x128xi32, #tpu.memory_space<vmem>> -> memref<128xi32, #tpu.memory_space<vmem>>
    %dma_start3A_29 = arith.constant 0 : i32
    %dma_start3A_30 = arith.constant 0 : i32
    %dma_start3A_31 = tpu.memref_slice %arg16[%dma_start3A_29, %dma_start3A_30] : memref<10240x16xf32, #tpu.memory_space<vmem_shared>> -> memref<10240x16xf32, #tpu.memory_space<vmem_shared>>
    tpu.enqueue_indirect_dma source(%dma_start3A_31 : memref<10240x16xf32, #tpu.memory_space<vmem_shared>>) target(%arg10 : memref<128x16xf32, #tpu.memory_space<vmem>>) offsets(%dma_start3A_28 : memref<128xi32, #tpu.memory_space<vmem>>) semaphore(%arg20 : memref<!tpu.dma_semaphore, #tpu.memory_space<semaphore_mem>>)
    %dma_start3A_32 = arith.constant 3 : i32
    %dma_start3A_33 = arith.constant 0 : i32
    %dma_start3A_34 = tpu.memref_slice %arg6[%dma_start3A_32, %dma_start3A_33] : memref<80x128xi32, #tpu.memory_space<vmem>> -> memref<1x128xi32, #tpu.memory_space<vmem>>
    %dma_start3A_35 = tpu.memref_squeeze %dma_start3A_34 : memref<1x128xi32, #tpu.memory_space<vmem>> -> memref<128xi32, #tpu.memory_space<vmem>>
    %dma_start3A_36 = arith.constant 0 : i32
    %dma_start3A_37 = arith.constant 0 : i32
    %dma_start3A_38 = tpu.memref_slice %arg16[%dma_start3A_36, %dma_start3A_37] : memref<10240x16xf32, #tpu.memory_space<vmem_shared>> -> memref<10240x16xf32, #tpu.memory_space<vmem_shared>>
    tpu.enqueue_indirect_dma source(%dma_start3A_38 : memref<10240x16xf32, #tpu.memory_space<vmem_shared>>) target(%arg11 : memref<128x16xf32, #tpu.memory_space<vmem>>) offsets(%dma_start3A_35 : memref<128xi32, #tpu.memory_space<vmem>>) semaphore(%arg21 : memref<!tpu.dma_semaphore, #tpu.memory_space<semaphore_mem>>)
    %dma_start3A_39 = arith.constant 4 : i32
    %dma_start3A_40 = arith.constant 0 : i32
    %dma_start3A_41 = tpu.memref_slice %arg6[%dma_start3A_39, %dma_start3A_40] : memref<80x128xi32, #tpu.memory_space<vmem>> -> memref<1x128xi32, #tpu.memory_space<vmem>>
    %dma_start3A_42 = tpu.memref_squeeze %dma_start3A_41 : memref<1x128xi32, #tpu.memory_space<vmem>> -> memref<128xi32, #tpu.memory_space<vmem>>
    %dma_start3A_43 = arith.constant 0 : i32
    %dma_start3A_44 = arith.constant 0 : i32
    %dma_start3A_45 = tpu.memref_slice %arg16[%dma_start3A_43, %dma_start3A_44] : memref<10240x16xf32, #tpu.memory_space<vmem_shared>> -> memref<10240x16xf32, #tpu.memory_space<vmem_shared>>
    tpu.enqueue_indirect_dma source(%dma_start3A_45 : memref<10240x16xf32, #tpu.memory_space<vmem_shared>>) target(%arg12 : memref<128x16xf32, #tpu.memory_space<vmem>>) offsets(%dma_start3A_42 : memref<128xi32, #tpu.memory_space<vmem>>) semaphore(%arg22 : memref<!tpu.dma_semaphore, #tpu.memory_space<semaphore_mem>>)
    %dma_start3A_46 = arith.constant 5 : i32
    %dma_start3A_47 = arith.constant 0 : i32
    %dma_start3A_48 = tpu.memref_slice %arg6[%dma_start3A_46, %dma_start3A_47] : memref<80x128xi32, #tpu.memory_space<vmem>> -> memref<1x128xi32, #tpu.memory_space<vmem>>
    %dma_start3A_49 = tpu.memref_squeeze %dma_start3A_48 : memref<1x128xi32, #tpu.memory_space<vmem>> -> memref<128xi32, #tpu.memory_space<vmem>>
    %dma_start3A_50 = arith.constant 0 : i32
    %dma_start3A_51 = arith.constant 0 : i32
    %dma_start3A_52 = tpu.memref_slice %arg16[%dma_start3A_50, %dma_start3A_51] : memref<10240x16xf32, #tpu.memory_space<vmem_shared>> -> memref<10240x16xf32, #tpu.memory_space<vmem_shared>>
    tpu.enqueue_indirect_dma source(%dma_start3A_52 : memref<10240x16xf32, #tpu.memory_space<vmem_shared>>) target(%arg13 : memref<128x16xf32, #tpu.memory_space<vmem>>) offsets(%dma_start3A_49 : memref<128xi32, #tpu.memory_space<vmem>>) semaphore(%arg23 : memref<!tpu.dma_semaphore, #tpu.memory_space<semaphore_mem>>)
    %dma_start3A_53 = arith.constant 6 : i32
    %dma_start3A_54 = arith.constant 0 : i32
    %dma_start3A_55 = tpu.memref_slice %arg6[%dma_start3A_53, %dma_start3A_54] : memref<80x128xi32, #tpu.memory_space<vmem>> -> memref<1x128xi32, #tpu.memory_space<vmem>>
    %dma_start3A_56 = tpu.memref_squeeze %dma_start3A_55 : memref<1x128xi32, #tpu.memory_space<vmem>> -> memref<128xi32, #tpu.memory_space<vmem>>
    %dma_start3A_57 = arith.constant 0 : i32
    %dma_start3A_58 = arith.constant 0 : i32
    %dma_start3A_59 = tpu.memref_slice %arg16[%dma_start3A_57, %dma_start3A_58] : memref<10240x16xf32, #tpu.memory_space<vmem_shared>> -> memref<10240x16xf32, #tpu.memory_space<vmem_shared>>
    tpu.enqueue_indirect_dma source(%dma_start3A_59 : memref<10240x16xf32, #tpu.memory_space<vmem_shared>>) target(%arg14 : memref<128x16xf32, #tpu.memory_space<vmem>>) offsets(%dma_start3A_56 : memref<128xi32, #tpu.memory_space<vmem>>) semaphore(%arg24 : memref<!tpu.dma_semaphore, #tpu.memory_space<semaphore_mem>>)
    %dma_start3A_60 = arith.constant 7 : i32
    %dma_start3A_61 = arith.constant 0 : i32
    %dma_start3A_62 = tpu.memref_slice %arg6[%dma_start3A_60, %dma_start3A_61] : memref<80x128xi32, #tpu.memory_space<vmem>> -> memref<1x128xi32, #tpu.memory_space<vmem>>
    %dma_start3A_63 = tpu.memref_squeeze %dma_start3A_62 : memref<1x128xi32, #tpu.memory_space<vmem>> -> memref<128xi32, #tpu.memory_space<vmem>>
    %dma_start3A_64 = arith.constant 0 : i32
    %dma_start3A_65 = arith.constant 0 : i32
    %dma_start3A_66 = tpu.memref_slice %arg16[%dma_start3A_64, %dma_start3A_65] : memref<10240x16xf32, #tpu.memory_space<vmem_shared>> -> memref<10240x16xf32, #tpu.memory_space<vmem_shared>>
    tpu.enqueue_indirect_dma source(%dma_start3A_66 : memref<10240x16xf32, #tpu.memory_space<vmem_shared>>) target(%arg15 : memref<128x16xf32, #tpu.memory_space<vmem>>) offsets(%dma_start3A_63 : memref<128xi32, #tpu.memory_space<vmem>>) semaphore(%arg25 : memref<!tpu.dma_semaphore, #tpu.memory_space<semaphore_mem>>)
    %scan3A = arith.constant 0 : i32
    %scan3A_67 = arith.constant 10 : i32
    %scan3A_68 = arith.addi %scan3A, %scan3A_67 : i32
    %scan3A_69 = arith.constant 1 : i32
    scf.for %scan3A_76 = %scan3A to %scan3A_68 step %scan3A_69  : i32 {
      %mul3A_77 = arith.constant 8 : i32
      %mul3A_78 = arith.muli %scan3A_76, %mul3A_77 : i32
      %add3A_79 = arith.constant 0 : i32
      %add3A_80 = arith.addi %mul3A_78, %add3A_79 : i32
      %dma_wait3A = arith.constant 0 : i32
      %dma_wait3A_81 = tpu.memref_slice %arg6[%add3A_80, %dma_wait3A] : memref<80x128xi32, #tpu.memory_space<vmem>> -> memref<1x128xi32, #tpu.memory_space<vmem>>
      %dma_wait3A_82 = tpu.memref_squeeze %dma_wait3A_81 : memref<1x128xi32, #tpu.memory_space<vmem>> -> memref<128xi32, #tpu.memory_space<vmem>>
      %dma_wait3A_83 = arith.constant 0 : i32
      %dma_wait3A_84 = arith.constant 0 : i32
      %dma_wait3A_85 = tpu.memref_slice %arg16[%dma_wait3A_83, %dma_wait3A_84] : memref<10240x16xf32, #tpu.memory_space<vmem_shared>> -> memref<10240x16xf32, #tpu.memory_space<vmem_shared>>
      tpu.wait_indirect_dma semaphore(%arg18 : memref<!tpu.dma_semaphore, #tpu.memory_space<semaphore_mem>>) src(%dma_wait3A_85 : memref<10240x16xf32, #tpu.memory_space<vmem_shared>>) dst(%arg8 : memref<128x16xf32, #tpu.memory_space<vmem>>)
      %add3A_86 = arith.constant 0 : i32
      %add3A_87 = arith.addi %mul3A_78, %add3A_86 : i32
      %dma_start3A_88 = arith.constant 0 : i32
      %dma_start3A_89 = tpu.memref_slice %arg7[%add3A_87, %dma_start3A_88] : memref<80x128xi32, #tpu.memory_space<vmem>> -> memref<1x128xi32, #tpu.memory_space<vmem>>
      %dma_start3A_90 = tpu.memref_squeeze %dma_start3A_89 : memref<1x128xi32, #tpu.memory_space<vmem>> -> memref<128xi32, #tpu.memory_space<vmem>>
      %dma_start3A_91 = arith.constant 0 : i32
      %dma_start3A_92 = arith.constant 0 : i32
      %dma_start3A_93 = tpu.memref_slice %arg17[%dma_start3A_91, %dma_start3A_92] : memref<10240x16xf32, #tpu.memory_space<vmem_shared>> -> memref<10240x16xf32, #tpu.memory_space<vmem_shared>>
      tpu.enqueue_indirect_dma source(%arg8 : memref<128x16xf32, #tpu.memory_space<vmem>>) target(%dma_start3A_93 : memref<10240x16xf32, #tpu.memory_space<vmem_shared>>) offsets(%dma_start3A_90 : memref<128xi32, #tpu.memory_space<vmem>>) semaphore(%arg26 : memref<!tpu.dma_semaphore, #tpu.memory_space<semaphore_mem>>) {add = true}
      %add3A_94 = arith.constant 1 : i32
      %add3A_95 = arith.addi %mul3A_78, %add3A_94 : i32
      %dma_wait3A_96 = arith.constant 0 : i32
      %dma_wait3A_97 = tpu.memref_slice %arg6[%add3A_95, %dma_wait3A_96] : memref<80x128xi32, #tpu.memory_space<vmem>> -> memref<1x128xi32, #tpu.memory_space<vmem>>
      %dma_wait3A_98 = tpu.memref_squeeze %dma_wait3A_97 : memref<1x128xi32, #tpu.memory_space<vmem>> -> memref<128xi32, #tpu.memory_space<vmem>>
      %dma_wait3A_99 = arith.constant 0 : i32
      %dma_wait3A_100 = arith.constant 0 : i32
      %dma_wait3A_101 = tpu.memref_slice %arg16[%dma_wait3A_99, %dma_wait3A_100] : memref<10240x16xf32, #tpu.memory_space<vmem_shared>> -> memref<10240x16xf32, #tpu.memory_space<vmem_shared>>
      tpu.wait_indirect_dma semaphore(%arg19 : memref<!tpu.dma_semaphore, #tpu.memory_space<semaphore_mem>>) src(%dma_wait3A_101 : memref<10240x16xf32, #tpu.memory_space<vmem_shared>>) dst(%arg9 : memref<128x16xf32, #tpu.memory_space<vmem>>)
      %add3A_102 = arith.constant 1 : i32
      %add3A_103 = arith.addi %mul3A_78, %add3A_102 : i32
      %dma_start3A_104 = arith.constant 0 : i32
      %dma_start3A_105 = tpu.memref_slice %arg7[%add3A_103, %dma_start3A_104] : memref<80x128xi32, #tpu.memory_space<vmem>> -> memref<1x128xi32, #tpu.memory_space<vmem>>
      %dma_start3A_106 = tpu.memref_squeeze %dma_start3A_105 : memref<1x128xi32, #tpu.memory_space<vmem>> -> memref<128xi32, #tpu.memory_space<vmem>>
      %dma_start3A_107 = arith.constant 0 : i32
      %dma_start3A_108 = arith.constant 0 : i32
      %dma_start3A_109 = tpu.memref_slice %arg17[%dma_start3A_107, %dma_start3A_108] : memref<10240x16xf32, #tpu.memory_space<vmem_shared>> -> memref<10240x16xf32, #tpu.memory_space<vmem_shared>>
      tpu.enqueue_indirect_dma source(%arg9 : memref<128x16xf32, #tpu.memory_space<vmem>>) target(%dma_start3A_109 : memref<10240x16xf32, #tpu.memory_space<vmem_shared>>) offsets(%dma_start3A_106 : memref<128xi32, #tpu.memory_space<vmem>>) semaphore(%arg27 : memref<!tpu.dma_semaphore, #tpu.memory_space<semaphore_mem>>) {add = true}
      %add3A_110 = arith.constant 2 : i32
      %add3A_111 = arith.addi %mul3A_78, %add3A_110 : i32
      %dma_wait3A_112 = arith.constant 0 : i32
      %dma_wait3A_113 = tpu.memref_slice %arg6[%add3A_111, %dma_wait3A_112] : memref<80x128xi32, #tpu.memory_space<vmem>> -> memref<1x128xi32, #tpu.memory_space<vmem>>
      %dma_wait3A_114 = tpu.memref_squeeze %dma_wait3A_113 : memref<1x128xi32, #tpu.memory_space<vmem>> -> memref<128xi32, #tpu.memory_space<vmem>>
      %dma_wait3A_115 = arith.constant 0 : i32
      %dma_wait3A_116 = arith.constant 0 : i32
      %dma_wait3A_117 = tpu.memref_slice %arg16[%dma_wait3A_115, %dma_wait3A_116] : memref<10240x16xf32, #tpu.memory_space<vmem_shared>> -> memref<10240x16xf32, #tpu.memory_space<vmem_shared>>
      tpu.wait_indirect_dma semaphore(%arg20 : memref<!tpu.dma_semaphore, #tpu.memory_space<semaphore_mem>>) src(%dma_wait3A_117 : memref<10240x16xf32, #tpu.memory_space<vmem_shared>>) dst(%arg10 : memref<128x16xf32, #tpu.memory_space<vmem>>)
      %add3A_118 = arith.constant 2 : i32
      %add3A_119 = arith.addi %mul3A_78, %add3A_118 : i32
      %dma_start3A_120 = arith.constant 0 : i32
      %dma_start3A_121 = tpu.memref_slice %arg7[%add3A_119, %dma_start3A_120] : memref<80x128xi32, #tpu.memory_space<vmem>> -> memref<1x128xi32, #tpu.memory_space<vmem>>
      %dma_start3A_122 = tpu.memref_squeeze %dma_start3A_121 : memref<1x128xi32, #tpu.memory_space<vmem>> -> memref<128xi32, #tpu.memory_space<vmem>>
      %dma_start3A_123 = arith.constant 0 : i32
      %dma_start3A_124 = arith.constant 0 : i32
      %dma_start3A_125 = tpu.memref_slice %arg17[%dma_start3A_123, %dma_start3A_124] : memref<10240x16xf32, #tpu.memory_space<vmem_shared>> -> memref<10240x16xf32, #tpu.memory_space<vmem_shared>>
      tpu.enqueue_indirect_dma source(%arg10 : memref<128x16xf32, #tpu.memory_space<vmem>>) target(%dma_start3A_125 : memref<10240x16xf32, #tpu.memory_space<vmem_shared>>) offsets(%dma_start3A_122 : memref<128xi32, #tpu.memory_space<vmem>>) semaphore(%arg28 : memref<!tpu.dma_semaphore, #tpu.memory_space<semaphore_mem>>) {add = true}
      %add3A_126 = arith.constant 3 : i32
      %add3A_127 = arith.addi %mul3A_78, %add3A_126 : i32
      %dma_wait3A_128 = arith.constant 0 : i32
      %dma_wait3A_129 = tpu.memref_slice %arg6[%add3A_127, %dma_wait3A_128] : memref<80x128xi32, #tpu.memory_space<vmem>> -> memref<1x128xi32, #tpu.memory_space<vmem>>
      %dma_wait3A_130 = tpu.memref_squeeze %dma_wait3A_129 : memref<1x128xi32, #tpu.memory_space<vmem>> -> memref<128xi32, #tpu.memory_space<vmem>>
      %dma_wait3A_131 = arith.constant 0 : i32
      %dma_wait3A_132 = arith.constant 0 : i32
      %dma_wait3A_133 = tpu.memref_slice %arg16[%dma_wait3A_131, %dma_wait3A_132] : memref<10240x16xf32, #tpu.memory_space<vmem_shared>> -> memref<10240x16xf32, #tpu.memory_space<vmem_shared>>
      tpu.wait_indirect_dma semaphore(%arg21 : memref<!tpu.dma_semaphore, #tpu.memory_space<semaphore_mem>>) src(%dma_wait3A_133 : memref<10240x16xf32, #tpu.memory_space<vmem_shared>>) dst(%arg11 : memref<128x16xf32, #tpu.memory_space<vmem>>)
      %add3A_134 = arith.constant 3 : i32
      %add3A_135 = arith.addi %mul3A_78, %add3A_134 : i32
      %dma_start3A_136 = arith.constant 0 : i32
      %dma_start3A_137 = tpu.memref_slice %arg7[%add3A_135, %dma_start3A_136] : memref<80x128xi32, #tpu.memory_space<vmem>> -> memref<1x128xi32, #tpu.memory_space<vmem>>
      %dma_start3A_138 = tpu.memref_squeeze %dma_start3A_137 : memref<1x128xi32, #tpu.memory_space<vmem>> -> memref<128xi32, #tpu.memory_space<vmem>>
      %dma_start3A_139 = arith.constant 0 : i32
      %dma_start3A_140 = arith.constant 0 : i32
      %dma_start3A_141 = tpu.memref_slice %arg17[%dma_start3A_139, %dma_start3A_140] : memref<10240x16xf32, #tpu.memory_space<vmem_shared>> -> memref<10240x16xf32, #tpu.memory_space<vmem_shared>>
      tpu.enqueue_indirect_dma source(%arg11 : memref<128x16xf32, #tpu.memory_space<vmem>>) target(%dma_start3A_141 : memref<10240x16xf32, #tpu.memory_space<vmem_shared>>) offsets(%dma_start3A_138 : memref<128xi32, #tpu.memory_space<vmem>>) semaphore(%arg29 : memref<!tpu.dma_semaphore, #tpu.memory_space<semaphore_mem>>) {add = true}
      %add3A_142 = arith.constant 4 : i32
      %add3A_143 = arith.addi %mul3A_78, %add3A_142 : i32
      %dma_wait3A_144 = arith.constant 0 : i32
      %dma_wait3A_145 = tpu.memref_slice %arg6[%add3A_143, %dma_wait3A_144] : memref<80x128xi32, #tpu.memory_space<vmem>> -> memref<1x128xi32, #tpu.memory_space<vmem>>
      %dma_wait3A_146 = tpu.memref_squeeze %dma_wait3A_145 : memref<1x128xi32, #tpu.memory_space<vmem>> -> memref<128xi32, #tpu.memory_space<vmem>>
      %dma_wait3A_147 = arith.constant 0 : i32
      %dma_wait3A_148 = arith.constant 0 : i32
      %dma_wait3A_149 = tpu.memref_slice %arg16[%dma_wait3A_147, %dma_wait3A_148] : memref<10240x16xf32, #tpu.memory_space<vmem_shared>> -> memref<10240x16xf32, #tpu.memory_space<vmem_shared>>
      tpu.wait_indirect_dma semaphore(%arg22 : memref<!tpu.dma_semaphore, #tpu.memory_space<semaphore_mem>>) src(%dma_wait3A_149 : memref<10240x16xf32, #tpu.memory_space<vmem_shared>>) dst(%arg12 : memref<128x16xf32, #tpu.memory_space<vmem>>)
      %add3A_150 = arith.constant 4 : i32
      %add3A_151 = arith.addi %mul3A_78, %add3A_150 : i32
      %dma_start3A_152 = arith.constant 0 : i32
      %dma_start3A_153 = tpu.memref_slice %arg7[%add3A_151, %dma_start3A_152] : memref<80x128xi32, #tpu.memory_space<vmem>> -> memref<1x128xi32, #tpu.memory_space<vmem>>
      %dma_start3A_154 = tpu.memref_squeeze %dma_start3A_153 : memref<1x128xi32, #tpu.memory_space<vmem>> -> memref<128xi32, #tpu.memory_space<vmem>>
      %dma_start3A_155 = arith.constant 0 : i32
      %dma_start3A_156 = arith.constant 0 : i32
      %dma_start3A_157 = tpu.memref_slice %arg17[%dma_start3A_155, %dma_start3A_156] : memref<10240x16xf32, #tpu.memory_space<vmem_shared>> -> memref<10240x16xf32, #tpu.memory_space<vmem_shared>>
      tpu.enqueue_indirect_dma source(%arg12 : memref<128x16xf32, #tpu.memory_space<vmem>>) target(%dma_start3A_157 : memref<10240x16xf32, #tpu.memory_space<vmem_shared>>) offsets(%dma_start3A_154 : memref<128xi32, #tpu.memory_space<vmem>>) semaphore(%arg30 : memref<!tpu.dma_semaphore, #tpu.memory_space<semaphore_mem>>) {add = true}
      %add3A_158 = arith.constant 5 : i32
      %add3A_159 = arith.addi %mul3A_78, %add3A_158 : i32
      %dma_wait3A_160 = arith.constant 0 : i32
      %dma_wait3A_161 = tpu.memref_slice %arg6[%add3A_159, %dma_wait3A_160] : memref<80x128xi32, #tpu.memory_space<vmem>> -> memref<1x128xi32, #tpu.memory_space<vmem>>
      %dma_wait3A_162 = tpu.memref_squeeze %dma_wait3A_161 : memref<1x128xi32, #tpu.memory_space<vmem>> -> memref<128xi32, #tpu.memory_space<vmem>>
      %dma_wait3A_163 = arith.constant 0 : i32
      %dma_wait3A_164 = arith.constant 0 : i32
      %dma_wait3A_165 = tpu.memref_slice %arg16[%dma_wait3A_163, %dma_wait3A_164] : memref<10240x16xf32, #tpu.memory_space<vmem_shared>> -> memref<10240x16xf32, #tpu.memory_space<vmem_shared>>
      tpu.wait_indirect_dma semaphore(%arg23 : memref<!tpu.dma_semaphore, #tpu.memory_space<semaphore_mem>>) src(%dma_wait3A_165 : memref<10240x16xf32, #tpu.memory_space<vmem_shared>>) dst(%arg13 : memref<128x16xf32, #tpu.memory_space<vmem>>)
      %add3A_166 = arith.constant 5 : i32
      %add3A_167 = arith.addi %mul3A_78, %add3A_166 : i32
      %dma_start3A_168 = arith.constant 0 : i32
      %dma_start3A_169 = tpu.memref_slice %arg7[%add3A_167, %dma_start3A_168] : memref<80x128xi32, #tpu.memory_space<vmem>> -> memref<1x128xi32, #tpu.memory_space<vmem>>
      %dma_start3A_170 = tpu.memref_squeeze %dma_start3A_169 : memref<1x128xi32, #tpu.memory_space<vmem>> -> memref<128xi32, #tpu.memory_space<vmem>>
      %dma_start3A_171 = arith.constant 0 : i32
      %dma_start3A_172 = arith.constant 0 : i32
      %dma_start3A_173 = tpu.memref_slice %arg17[%dma_start3A_171, %dma_start3A_172] : memref<10240x16xf32, #tpu.memory_space<vmem_shared>> -> memref<10240x16xf32, #tpu.memory_space<vmem_shared>>
      tpu.enqueue_indirect_dma source(%arg13 : memref<128x16xf32, #tpu.memory_space<vmem>>) target(%dma_start3A_173 : memref<10240x16xf32, #tpu.memory_space<vmem_shared>>) offsets(%dma_start3A_170 : memref<128xi32, #tpu.memory_space<vmem>>) semaphore(%arg31 : memref<!tpu.dma_semaphore, #tpu.memory_space<semaphore_mem>>) {add = true}
      %add3A_174 = arith.constant 6 : i32
      %add3A_175 = arith.addi %mul3A_78, %add3A_174 : i32
      %dma_wait3A_176 = arith.constant 0 : i32
      %dma_wait3A_177 = tpu.memref_slice %arg6[%add3A_175, %dma_wait3A_176] : memref<80x128xi32, #tpu.memory_space<vmem>> -> memref<1x128xi32, #tpu.memory_space<vmem>>
      %dma_wait3A_178 = tpu.memref_squeeze %dma_wait3A_177 : memref<1x128xi32, #tpu.memory_space<vmem>> -> memref<128xi32, #tpu.memory_space<vmem>>
      %dma_wait3A_179 = arith.constant 0 : i32
      %dma_wait3A_180 = arith.constant 0 : i32
      %dma_wait3A_181 = tpu.memref_slice %arg16[%dma_wait3A_179, %dma_wait3A_180] : memref<10240x16xf32, #tpu.memory_space<vmem_shared>> -> memref<10240x16xf32, #tpu.memory_space<vmem_shared>>
      tpu.wait_indirect_dma semaphore(%arg24 : memref<!tpu.dma_semaphore, #tpu.memory_space<semaphore_mem>>) src(%dma_wait3A_181 : memref<10240x16xf32, #tpu.memory_space<vmem_shared>>) dst(%arg14 : memref<128x16xf32, #tpu.memory_space<vmem>>)
      %add3A_182 = arith.constant 6 : i32
      %add3A_183 = arith.addi %mul3A_78, %add3A_182 : i32
      %dma_start3A_184 = arith.constant 0 : i32
      %dma_start3A_185 = tpu.memref_slice %arg7[%add3A_183, %dma_start3A_184] : memref<80x128xi32, #tpu.memory_space<vmem>> -> memref<1x128xi32, #tpu.memory_space<vmem>>
      %dma_start3A_186 = tpu.memref_squeeze %dma_start3A_185 : memref<1x128xi32, #tpu.memory_space<vmem>> -> memref<128xi32, #tpu.memory_space<vmem>>
      %dma_start3A_187 = arith.constant 0 : i32
      %dma_start3A_188 = arith.constant 0 : i32
      %dma_start3A_189 = tpu.memref_slice %arg17[%dma_start3A_187, %dma_start3A_188] : memref<10240x16xf32, #tpu.memory_space<vmem_shared>> -> memref<10240x16xf32, #tpu.memory_space<vmem_shared>>
      tpu.enqueue_indirect_dma source(%arg14 : memref<128x16xf32, #tpu.memory_space<vmem>>) target(%dma_start3A_189 : memref<10240x16xf32, #tpu.memory_space<vmem_shared>>) offsets(%dma_start3A_186 : memref<128xi32, #tpu.memory_space<vmem>>) semaphore(%arg32 : memref<!tpu.dma_semaphore, #tpu.memory_space<semaphore_mem>>) {add = true}
      %add3A_190 = arith.constant 7 : i32
      %add3A_191 = arith.addi %mul3A_78, %add3A_190 : i32
      %dma_wait3A_192 = arith.constant 0 : i32
      %dma_wait3A_193 = tpu.memref_slice %arg6[%add3A_191, %dma_wait3A_192] : memref<80x128xi32, #tpu.memory_space<vmem>> -> memref<1x128xi32, #tpu.memory_space<vmem>>
      %dma_wait3A_194 = tpu.memref_squeeze %dma_wait3A_193 : memref<1x128xi32, #tpu.memory_space<vmem>> -> memref<128xi32, #tpu.memory_space<vmem>>
      %dma_wait3A_195 = arith.constant 0 : i32
      %dma_wait3A_196 = arith.constant 0 : i32
      %dma_wait3A_197 = tpu.memref_slice %arg16[%dma_wait3A_195, %dma_wait3A_196] : memref<10240x16xf32, #tpu.memory_space<vmem_shared>> -> memref<10240x16xf32, #tpu.memory_space<vmem_shared>>
      tpu.wait_indirect_dma semaphore(%arg25 : memref<!tpu.dma_semaphore, #tpu.memory_space<semaphore_mem>>) src(%dma_wait3A_197 : memref<10240x16xf32, #tpu.memory_space<vmem_shared>>) dst(%arg15 : memref<128x16xf32, #tpu.memory_space<vmem>>)
      %add3A_198 = arith.constant 7 : i32
      %add3A_199 = arith.addi %mul3A_78, %add3A_198 : i32
      %dma_start3A_200 = arith.constant 0 : i32
      %dma_start3A_201 = tpu.memref_slice %arg7[%add3A_199, %dma_start3A_200] : memref<80x128xi32, #tpu.memory_space<vmem>> -> memref<1x128xi32, #tpu.memory_space<vmem>>
      %dma_start3A_202 = tpu.memref_squeeze %dma_start3A_201 : memref<1x128xi32, #tpu.memory_space<vmem>> -> memref<128xi32, #tpu.memory_space<vmem>>
      %dma_start3A_203 = arith.constant 0 : i32
      %dma_start3A_204 = arith.constant 0 : i32
      %dma_start3A_205 = tpu.memref_slice %arg17[%dma_start3A_203, %dma_start3A_204] : memref<10240x16xf32, #tpu.memory_space<vmem_shared>> -> memref<10240x16xf32, #tpu.memory_space<vmem_shared>>
      tpu.enqueue_indirect_dma source(%arg15 : memref<128x16xf32, #tpu.memory_space<vmem>>) target(%dma_start3A_205 : memref<10240x16xf32, #tpu.memory_space<vmem_shared>>) offsets(%dma_start3A_202 : memref<128xi32, #tpu.memory_space<vmem>>) semaphore(%arg33 : memref<!tpu.dma_semaphore, #tpu.memory_space<semaphore_mem>>) {add = true}
      %dma_wait3A_206 = arith.constant 0 : i32
      %dma_wait3A_207 = tpu.memref_slice %arg7[%add3A_87, %dma_wait3A_206] : memref<80x128xi32, #tpu.memory_space<vmem>> -> memref<1x128xi32, #tpu.memory_space<vmem>>
      %dma_wait3A_208 = tpu.memref_squeeze %dma_wait3A_207 : memref<1x128xi32, #tpu.memory_space<vmem>> -> memref<128xi32, #tpu.memory_space<vmem>>
      %dma_wait3A_209 = arith.constant 0 : i32
      %dma_wait3A_210 = arith.constant 0 : i32
      %dma_wait3A_211 = tpu.memref_slice %arg17[%dma_wait3A_209, %dma_wait3A_210] : memref<10240x16xf32, #tpu.memory_space<vmem_shared>> -> memref<10240x16xf32, #tpu.memory_space<vmem_shared>>
      tpu.wait_indirect_dma semaphore(%arg26 : memref<!tpu.dma_semaphore, #tpu.memory_space<semaphore_mem>>) src(%arg8 : memref<128x16xf32, #tpu.memory_space<vmem>>) dst(%dma_wait3A_211 : memref<10240x16xf32, #tpu.memory_space<vmem_shared>>)
      %add3A_212 = arith.constant 8 : i32
      %add3A_213 = arith.addi %mul3A_78, %add3A_212 : i32
      %add3A_214 = arith.constant 0 : i32
      %add3A_215 = arith.addi %add3A_213, %add3A_214 : i32
      %lt3A = arith.constant 80 : i32
      %lt3A_216 = arith.cmpi slt, %add3A_215, %lt3A : i32
      %convert_element_type3A_217 = arith.extui %lt3A_216 : i1 to i32
      %cond3A_218 = arith.constant 0 : i32
      %cond3A_219 = arith.cmpi ne, %convert_element_type3A_217, %cond3A_218 : i32
      scf.if %cond3A_219 {
        %dma_start3A_325 = arith.constant 0 : i32
        %dma_start3A_326 = tpu.memref_slice %arg6[%add3A_215, %dma_start3A_325] : memref<80x128xi32, #tpu.memory_space<vmem>> -> memref<1x128xi32, #tpu.memory_space<vmem>>
        %dma_start3A_327 = tpu.memref_squeeze %dma_start3A_326 : memref<1x128xi32, #tpu.memory_space<vmem>> -> memref<128xi32, #tpu.memory_space<vmem>>
        %dma_start3A_328 = arith.constant 0 : i32
        %dma_start3A_329 = arith.constant 0 : i32
        %dma_start3A_330 = tpu.memref_slice %arg16[%dma_start3A_328, %dma_start3A_329] : memref<10240x16xf32, #tpu.memory_space<vmem_shared>> -> memref<10240x16xf32, #tpu.memory_space<vmem_shared>>
        tpu.enqueue_indirect_dma source(%dma_start3A_330 : memref<10240x16xf32, #tpu.memory_space<vmem_shared>>) target(%arg8 : memref<128x16xf32, #tpu.memory_space<vmem>>) offsets(%dma_start3A_327 : memref<128xi32, #tpu.memory_space<vmem>>) semaphore(%arg18 : memref<!tpu.dma_semaphore, #tpu.memory_space<semaphore_mem>>)
      } else {
      }
      %dma_wait3A_220 = arith.constant 0 : i32
      %dma_wait3A_221 = tpu.memref_slice %arg7[%add3A_103, %dma_wait3A_220] : memref<80x128xi32, #tpu.memory_space<vmem>> -> memref<1x128xi32, #tpu.memory_space<vmem>>
      %dma_wait3A_222 = tpu.memref_squeeze %dma_wait3A_221 : memref<1x128xi32, #tpu.memory_space<vmem>> -> memref<128xi32, #tpu.memory_space<vmem>>
      %dma_wait3A_223 = arith.constant 0 : i32
      %dma_wait3A_224 = arith.constant 0 : i32
      %dma_wait3A_225 = tpu.memref_slice %arg17[%dma_wait3A_223, %dma_wait3A_224] : memref<10240x16xf32, #tpu.memory_space<vmem_shared>> -> memref<10240x16xf32, #tpu.memory_space<vmem_shared>>
      tpu.wait_indirect_dma semaphore(%arg27 : memref<!tpu.dma_semaphore, #tpu.memory_space<semaphore_mem>>) src(%arg9 : memref<128x16xf32, #tpu.memory_space<vmem>>) dst(%dma_wait3A_225 : memref<10240x16xf32, #tpu.memory_space<vmem_shared>>)
      %add3A_226 = arith.constant 8 : i32
      %add3A_227 = arith.addi %mul3A_78, %add3A_226 : i32
      %add3A_228 = arith.constant 1 : i32
      %add3A_229 = arith.addi %add3A_227, %add3A_228 : i32
      %lt3A_230 = arith.constant 80 : i32
      %lt3A_231 = arith.cmpi slt, %add3A_229, %lt3A_230 : i32
      %convert_element_type3A_232 = arith.extui %lt3A_231 : i1 to i32
      %cond3A_233 = arith.constant 0 : i32
      %cond3A_234 = arith.cmpi ne, %convert_element_type3A_232, %cond3A_233 : i32
      scf.if %cond3A_234 {
        %dma_start3A_325 = arith.constant 0 : i32
        %dma_start3A_326 = tpu.memref_slice %arg6[%add3A_229, %dma_start3A_325] : memref<80x128xi32, #tpu.memory_space<vmem>> -> memref<1x128xi32, #tpu.memory_space<vmem>>
        %dma_start3A_327 = tpu.memref_squeeze %dma_start3A_326 : memref<1x128xi32, #tpu.memory_space<vmem>> -> memref<128xi32, #tpu.memory_space<vmem>>
        %dma_start3A_328 = arith.constant 0 : i32
        %dma_start3A_329 = arith.constant 0 : i32
        %dma_start3A_330 = tpu.memref_slice %arg16[%dma_start3A_328, %dma_start3A_329] : memref<10240x16xf32, #tpu.memory_space<vmem_shared>> -> memref<10240x16xf32, #tpu.memory_space<vmem_shared>>
        tpu.enqueue_indirect_dma source(%dma_start3A_330 : memref<10240x16xf32, #tpu.memory_space<vmem_shared>>) target(%arg9 : memref<128x16xf32, #tpu.memory_space<vmem>>) offsets(%dma_start3A_327 : memref<128xi32, #tpu.memory_space<vmem>>) semaphore(%arg19 : memref<!tpu.dma_semaphore, #tpu.memory_space<semaphore_mem>>)
      } else {
      }
      %dma_wait3A_235 = arith.constant 0 : i32
      %dma_wait3A_236 = tpu.memref_slice %arg7[%add3A_119, %dma_wait3A_235] : memref<80x128xi32, #tpu.memory_space<vmem>> -> memref<1x128xi32, #tpu.memory_space<vmem>>
      %dma_wait3A_237 = tpu.memref_squeeze %dma_wait3A_236 : memref<1x128xi32, #tpu.memory_space<vmem>> -> memref<128xi32, #tpu.memory_space<vmem>>
      %dma_wait3A_238 = arith.constant 0 : i32
      %dma_wait3A_239 = arith.constant 0 : i32
      %dma_wait3A_240 = tpu.memref_slice %arg17[%dma_wait3A_238, %dma_wait3A_239] : memref<10240x16xf32, #tpu.memory_space<vmem_shared>> -> memref<10240x16xf32, #tpu.memory_space<vmem_shared>>
      tpu.wait_indirect_dma semaphore(%arg28 : memref<!tpu.dma_semaphore, #tpu.memory_space<semaphore_mem>>) src(%arg10 : memref<128x16xf32, #tpu.memory_space<vmem>>) dst(%dma_wait3A_240 : memref<10240x16xf32, #tpu.memory_space<vmem_shared>>)
      %add3A_241 = arith.constant 8 : i32
      %add3A_242 = arith.addi %mul3A_78, %add3A_241 : i32
      %add3A_243 = arith.constant 2 : i32
      %add3A_244 = arith.addi %add3A_242, %add3A_243 : i32
      %lt3A_245 = arith.constant 80 : i32
      %lt3A_246 = arith.cmpi slt, %add3A_244, %lt3A_245 : i32
      %convert_element_type3A_247 = arith.extui %lt3A_246 : i1 to i32
      %cond3A_248 = arith.constant 0 : i32
      %cond3A_249 = arith.cmpi ne, %convert_element_type3A_247, %cond3A_248 : i32
      scf.if %cond3A_249 {
        %dma_start3A_325 = arith.constant 0 : i32
        %dma_start3A_326 = tpu.memref_slice %arg6[%add3A_244, %dma_start3A_325] : memref<80x128xi32, #tpu.memory_space<vmem>> -> memref<1x128xi32, #tpu.memory_space<vmem>>
        %dma_start3A_327 = tpu.memref_squeeze %dma_start3A_326 : memref<1x128xi32, #tpu.memory_space<vmem>> -> memref<128xi32, #tpu.memory_space<vmem>>
        %dma_start3A_328 = arith.constant 0 : i32
        %dma_start3A_329 = arith.constant 0 : i32
        %dma_start3A_330 = tpu.memref_slice %arg16[%dma_start3A_328, %dma_start3A_329] : memref<10240x16xf32, #tpu.memory_space<vmem_shared>> -> memref<10240x16xf32, #tpu.memory_space<vmem_shared>>
        tpu.enqueue_indirect_dma source(%dma_start3A_330 : memref<10240x16xf32, #tpu.memory_space<vmem_shared>>) target(%arg10 : memref<128x16xf32, #tpu.memory_space<vmem>>) offsets(%dma_start3A_327 : memref<128xi32, #tpu.memory_space<vmem>>) semaphore(%arg20 : memref<!tpu.dma_semaphore, #tpu.memory_space<semaphore_mem>>)
      } else {
      }
      %dma_wait3A_250 = arith.constant 0 : i32
      %dma_wait3A_251 = tpu.memref_slice %arg7[%add3A_135, %dma_wait3A_250] : memref<80x128xi32, #tpu.memory_space<vmem>> -> memref<1x128xi32, #tpu.memory_space<vmem>>
      %dma_wait3A_252 = tpu.memref_squeeze %dma_wait3A_251 : memref<1x128xi32, #tpu.memory_space<vmem>> -> memref<128xi32, #tpu.memory_space<vmem>>
      %dma_wait3A_253 = arith.constant 0 : i32
      %dma_wait3A_254 = arith.constant 0 : i32
      %dma_wait3A_255 = tpu.memref_slice %arg17[%dma_wait3A_253, %dma_wait3A_254] : memref<10240x16xf32, #tpu.memory_space<vmem_shared>> -> memref<10240x16xf32, #tpu.memory_space<vmem_shared>>
      tpu.wait_indirect_dma semaphore(%arg29 : memref<!tpu.dma_semaphore, #tpu.memory_space<semaphore_mem>>) src(%arg11 : memref<128x16xf32, #tpu.memory_space<vmem>>) dst(%dma_wait3A_255 : memref<10240x16xf32, #tpu.memory_space<vmem_shared>>)
      %add3A_256 = arith.constant 8 : i32
      %add3A_257 = arith.addi %mul3A_78, %add3A_256 : i32
      %add3A_258 = arith.constant 3 : i32
      %add3A_259 = arith.addi %add3A_257, %add3A_258 : i32
      %lt3A_260 = arith.constant 80 : i32
      %lt3A_261 = arith.cmpi slt, %add3A_259, %lt3A_260 : i32
      %convert_element_type3A_262 = arith.extui %lt3A_261 : i1 to i32
      %cond3A_263 = arith.constant 0 : i32
      %cond3A_264 = arith.cmpi ne, %convert_element_type3A_262, %cond3A_263 : i32
      scf.if %cond3A_264 {
        %dma_start3A_325 = arith.constant 0 : i32
        %dma_start3A_326 = tpu.memref_slice %arg6[%add3A_259, %dma_start3A_325] : memref<80x128xi32, #tpu.memory_space<vmem>> -> memref<1x128xi32, #tpu.memory_space<vmem>>
        %dma_start3A_327 = tpu.memref_squeeze %dma_start3A_326 : memref<1x128xi32, #tpu.memory_space<vmem>> -> memref<128xi32, #tpu.memory_space<vmem>>
        %dma_start3A_328 = arith.constant 0 : i32
        %dma_start3A_329 = arith.constant 0 : i32
        %dma_start3A_330 = tpu.memref_slice %arg16[%dma_start3A_328, %dma_start3A_329] : memref<10240x16xf32, #tpu.memory_space<vmem_shared>> -> memref<10240x16xf32, #tpu.memory_space<vmem_shared>>
        tpu.enqueue_indirect_dma source(%dma_start3A_330 : memref<10240x16xf32, #tpu.memory_space<vmem_shared>>) target(%arg11 : memref<128x16xf32, #tpu.memory_space<vmem>>) offsets(%dma_start3A_327 : memref<128xi32, #tpu.memory_space<vmem>>) semaphore(%arg21 : memref<!tpu.dma_semaphore, #tpu.memory_space<semaphore_mem>>)
      } else {
      }
      %dma_wait3A_265 = arith.constant 0 : i32
      %dma_wait3A_266 = tpu.memref_slice %arg7[%add3A_151, %dma_wait3A_265] : memref<80x128xi32, #tpu.memory_space<vmem>> -> memref<1x128xi32, #tpu.memory_space<vmem>>
      %dma_wait3A_267 = tpu.memref_squeeze %dma_wait3A_266 : memref<1x128xi32, #tpu.memory_space<vmem>> -> memref<128xi32, #tpu.memory_space<vmem>>
      %dma_wait3A_268 = arith.constant 0 : i32
      %dma_wait3A_269 = arith.constant 0 : i32
      %dma_wait3A_270 = tpu.memref_slice %arg17[%dma_wait3A_268, %dma_wait3A_269] : memref<10240x16xf32, #tpu.memory_space<vmem_shared>> -> memref<10240x16xf32, #tpu.memory_space<vmem_shared>>
      tpu.wait_indirect_dma semaphore(%arg30 : memref<!tpu.dma_semaphore, #tpu.memory_space<semaphore_mem>>) src(%arg12 : memref<128x16xf32, #tpu.memory_space<vmem>>) dst(%dma_wait3A_270 : memref<10240x16xf32, #tpu.memory_space<vmem_shared>>)
      %add3A_271 = arith.constant 8 : i32
      %add3A_272 = arith.addi %mul3A_78, %add3A_271 : i32
      %add3A_273 = arith.constant 4 : i32
      %add3A_274 = arith.addi %add3A_272, %add3A_273 : i32
      %lt3A_275 = arith.constant 80 : i32
      %lt3A_276 = arith.cmpi slt, %add3A_274, %lt3A_275 : i32
      %convert_element_type3A_277 = arith.extui %lt3A_276 : i1 to i32
      %cond3A_278 = arith.constant 0 : i32
      %cond3A_279 = arith.cmpi ne, %convert_element_type3A_277, %cond3A_278 : i32
      scf.if %cond3A_279 {
        %dma_start3A_325 = arith.constant 0 : i32
        %dma_start3A_326 = tpu.memref_slice %arg6[%add3A_274, %dma_start3A_325] : memref<80x128xi32, #tpu.memory_space<vmem>> -> memref<1x128xi32, #tpu.memory_space<vmem>>
        %dma_start3A_327 = tpu.memref_squeeze %dma_start3A_326 : memref<1x128xi32, #tpu.memory_space<vmem>> -> memref<128xi32, #tpu.memory_space<vmem>>
        %dma_start3A_328 = arith.constant 0 : i32
        %dma_start3A_329 = arith.constant 0 : i32
        %dma_start3A_330 = tpu.memref_slice %arg16[%dma_start3A_328, %dma_start3A_329] : memref<10240x16xf32, #tpu.memory_space<vmem_shared>> -> memref<10240x16xf32, #tpu.memory_space<vmem_shared>>
        tpu.enqueue_indirect_dma source(%dma_start3A_330 : memref<10240x16xf32, #tpu.memory_space<vmem_shared>>) target(%arg12 : memref<128x16xf32, #tpu.memory_space<vmem>>) offsets(%dma_start3A_327 : memref<128xi32, #tpu.memory_space<vmem>>) semaphore(%arg22 : memref<!tpu.dma_semaphore, #tpu.memory_space<semaphore_mem>>)
      } else {
      }
      %dma_wait3A_280 = arith.constant 0 : i32
      %dma_wait3A_281 = tpu.memref_slice %arg7[%add3A_167, %dma_wait3A_280] : memref<80x128xi32, #tpu.memory_space<vmem>> -> memref<1x128xi32, #tpu.memory_space<vmem>>
      %dma_wait3A_282 = tpu.memref_squeeze %dma_wait3A_281 : memref<1x128xi32, #tpu.memory_space<vmem>> -> memref<128xi32, #tpu.memory_space<vmem>>
      %dma_wait3A_283 = arith.constant 0 : i32
      %dma_wait3A_284 = arith.constant 0 : i32
      %dma_wait3A_285 = tpu.memref_slice %arg17[%dma_wait3A_283, %dma_wait3A_284] : memref<10240x16xf32, #tpu.memory_space<vmem_shared>> -> memref<10240x16xf32, #tpu.memory_space<vmem_shared>>
      tpu.wait_indirect_dma semaphore(%arg31 : memref<!tpu.dma_semaphore, #tpu.memory_space<semaphore_mem>>) src(%arg13 : memref<128x16xf32, #tpu.memory_space<vmem>>) dst(%dma_wait3A_285 : memref<10240x16xf32, #tpu.memory_space<vmem_shared>>)
      %add3A_286 = arith.constant 8 : i32
      %add3A_287 = arith.addi %mul3A_78, %add3A_286 : i32
      %add3A_288 = arith.constant 5 : i32
      %add3A_289 = arith.addi %add3A_287, %add3A_288 : i32
      %lt3A_290 = arith.constant 80 : i32
      %lt3A_291 = arith.cmpi slt, %add3A_289, %lt3A_290 : i32
      %convert_element_type3A_292 = arith.extui %lt3A_291 : i1 to i32
      %cond3A_293 = arith.constant 0 : i32
      %cond3A_294 = arith.cmpi ne, %convert_element_type3A_292, %cond3A_293 : i32
      scf.if %cond3A_294 {
        %dma_start3A_325 = arith.constant 0 : i32
        %dma_start3A_326 = tpu.memref_slice %arg6[%add3A_289, %dma_start3A_325] : memref<80x128xi32, #tpu.memory_space<vmem>> -> memref<1x128xi32, #tpu.memory_space<vmem>>
        %dma_start3A_327 = tpu.memref_squeeze %dma_start3A_326 : memref<1x128xi32, #tpu.memory_space<vmem>> -> memref<128xi32, #tpu.memory_space<vmem>>
        %dma_start3A_328 = arith.constant 0 : i32
        %dma_start3A_329 = arith.constant 0 : i32
        %dma_start3A_330 = tpu.memref_slice %arg16[%dma_start3A_328, %dma_start3A_329] : memref<10240x16xf32, #tpu.memory_space<vmem_shared>> -> memref<10240x16xf32, #tpu.memory_space<vmem_shared>>
        tpu.enqueue_indirect_dma source(%dma_start3A_330 : memref<10240x16xf32, #tpu.memory_space<vmem_shared>>) target(%arg13 : memref<128x16xf32, #tpu.memory_space<vmem>>) offsets(%dma_start3A_327 : memref<128xi32, #tpu.memory_space<vmem>>) semaphore(%arg23 : memref<!tpu.dma_semaphore, #tpu.memory_space<semaphore_mem>>)
      } else {
      }
      %dma_wait3A_295 = arith.constant 0 : i32
      %dma_wait3A_296 = tpu.memref_slice %arg7[%add3A_183, %dma_wait3A_295] : memref<80x128xi32, #tpu.memory_space<vmem>> -> memref<1x128xi32, #tpu.memory_space<vmem>>
      %dma_wait3A_297 = tpu.memref_squeeze %dma_wait3A_296 : memref<1x128xi32, #tpu.memory_space<vmem>> -> memref<128xi32, #tpu.memory_space<vmem>>
      %dma_wait3A_298 = arith.constant 0 : i32
      %dma_wait3A_299 = arith.constant 0 : i32
      %dma_wait3A_300 = tpu.memref_slice %arg17[%dma_wait3A_298, %dma_wait3A_299] : memref<10240x16xf32, #tpu.memory_space<vmem_shared>> -> memref<10240x16xf32, #tpu.memory_space<vmem_shared>>
      tpu.wait_indirect_dma semaphore(%arg32 : memref<!tpu.dma_semaphore, #tpu.memory_space<semaphore_mem>>) src(%arg14 : memref<128x16xf32, #tpu.memory_space<vmem>>) dst(%dma_wait3A_300 : memref<10240x16xf32, #tpu.memory_space<vmem_shared>>)
      %add3A_301 = arith.constant 8 : i32
      %add3A_302 = arith.addi %mul3A_78, %add3A_301 : i32
      %add3A_303 = arith.constant 6 : i32
      %add3A_304 = arith.addi %add3A_302, %add3A_303 : i32
      %lt3A_305 = arith.constant 80 : i32
      %lt3A_306 = arith.cmpi slt, %add3A_304, %lt3A_305 : i32
      %convert_element_type3A_307 = arith.extui %lt3A_306 : i1 to i32
      %cond3A_308 = arith.constant 0 : i32
      %cond3A_309 = arith.cmpi ne, %convert_element_type3A_307, %cond3A_308 : i32
      scf.if %cond3A_309 {
        %dma_start3A_325 = arith.constant 0 : i32
        %dma_start3A_326 = tpu.memref_slice %arg6[%add3A_304, %dma_start3A_325] : memref<80x128xi32, #tpu.memory_space<vmem>> -> memref<1x128xi32, #tpu.memory_space<vmem>>
        %dma_start3A_327 = tpu.memref_squeeze %dma_start3A_326 : memref<1x128xi32, #tpu.memory_space<vmem>> -> memref<128xi32, #tpu.memory_space<vmem>>
        %dma_start3A_328 = arith.constant 0 : i32
        %dma_start3A_329 = arith.constant 0 : i32
        %dma_start3A_330 = tpu.memref_slice %arg16[%dma_start3A_328, %dma_start3A_329] : memref<10240x16xf32, #tpu.memory_space<vmem_shared>> -> memref<10240x16xf32, #tpu.memory_space<vmem_shared>>
        tpu.enqueue_indirect_dma source(%dma_start3A_330 : memref<10240x16xf32, #tpu.memory_space<vmem_shared>>) target(%arg14 : memref<128x16xf32, #tpu.memory_space<vmem>>) offsets(%dma_start3A_327 : memref<128xi32, #tpu.memory_space<vmem>>) semaphore(%arg24 : memref<!tpu.dma_semaphore, #tpu.memory_space<semaphore_mem>>)
      } else {
      }
      %dma_wait3A_310 = arith.constant 0 : i32
      %dma_wait3A_311 = tpu.memref_slice %arg7[%add3A_199, %dma_wait3A_310] : memref<80x128xi32, #tpu.memory_space<vmem>> -> memref<1x128xi32, #tpu.memory_space<vmem>>
      %dma_wait3A_312 = tpu.memref_squeeze %dma_wait3A_311 : memref<1x128xi32, #tpu.memory_space<vmem>> -> memref<128xi32, #tpu.memory_space<vmem>>
      %dma_wait3A_313 = arith.constant 0 : i32
      %dma_wait3A_314 = arith.constant 0 : i32
      %dma_wait3A_315 = tpu.memref_slice %arg17[%dma_wait3A_313, %dma_wait3A_314] : memref<10240x16xf32, #tpu.memory_space<vmem_shared>> -> memref<10240x16xf32, #tpu.memory_space<vmem_shared>>
      tpu.wait_indirect_dma semaphore(%arg33 : memref<!tpu.dma_semaphore, #tpu.memory_space<semaphore_mem>>) src(%arg15 : memref<128x16xf32, #tpu.memory_space<vmem>>) dst(%dma_wait3A_315 : memref<10240x16xf32, #tpu.memory_space<vmem_shared>>)
      %add3A_316 = arith.constant 8 : i32
      %add3A_317 = arith.addi %mul3A_78, %add3A_316 : i32
      %add3A_318 = arith.constant 7 : i32
      %add3A_319 = arith.addi %add3A_317, %add3A_318 : i32
      %lt3A_320 = arith.constant 80 : i32
      %lt3A_321 = arith.cmpi slt, %add3A_319, %lt3A_320 : i32
      %convert_element_type3A_322 = arith.extui %lt3A_321 : i1 to i32
      %cond3A_323 = arith.constant 0 : i32
      %cond3A_324 = arith.cmpi ne, %convert_element_type3A_322, %cond3A_323 : i32
      scf.if %cond3A_324 {
        %dma_start3A_325 = arith.constant 0 : i32
        %dma_start3A_326 = tpu.memref_slice %arg6[%add3A_319, %dma_start3A_325] : memref<80x128xi32, #tpu.memory_space<vmem>> -> memref<1x128xi32, #tpu.memory_space<vmem>>
        %dma_start3A_327 = tpu.memref_squeeze %dma_start3A_326 : memref<1x128xi32, #tpu.memory_space<vmem>> -> memref<128xi32, #tpu.memory_space<vmem>>
        %dma_start3A_328 = arith.constant 0 : i32
        %dma_start3A_329 = arith.constant 0 : i32
        %dma_start3A_330 = tpu.memref_slice %arg16[%dma_start3A_328, %dma_start3A_329] : memref<10240x16xf32, #tpu.memory_space<vmem_shared>> -> memref<10240x16xf32, #tpu.memory_space<vmem_shared>>
        tpu.enqueue_indirect_dma source(%dma_start3A_330 : memref<10240x16xf32, #tpu.memory_space<vmem_shared>>) target(%arg15 : memref<128x16xf32, #tpu.memory_space<vmem>>) offsets(%dma_start3A_327 : memref<128xi32, #tpu.memory_space<vmem>>) semaphore(%arg25 : memref<!tpu.dma_semaphore, #tpu.memory_space<semaphore_mem>>)
      } else {
      }
    }
    %scan3A_70 = arith.constant 10 : i32
    %barrier3A_71 = arith.constant 0 : index
    tpu.barrier barrier_id(%barrier3A_71)
    %mul3A_72 = arith.constant 640 : i32
    %mul3A_73 = arith.muli %arg1, %mul3A_72 : i32
    %mul3A_74 = arith.constant 640 : i32
    %mul3A_75 = arith.muli %arg1, %mul3A_74 : i32
    "tpu.region"() ({
      %run_scoped3A = tpu.sem_alloc : memref<!tpu.dma_semaphore, #tpu.memory_space<semaphore_mem>>
      %dma_start3A_76 = arith.constant 0 : i32
      %dma_start3A_77 = tpu.memref_slice %arg5[%arg0, %mul3A_75, %dma_start3A_76] : memref<2x10240x16xf32, #tpu.memory_space<hbm>> -> memref<1x640x16xf32, #tpu.memory_space<hbm>>
      %dma_start3A_78 = tpu.memref_squeeze %dma_start3A_77 : memref<1x640x16xf32, #tpu.memory_space<hbm>> -> memref<640x16xf32, #tpu.memory_space<hbm>>
      %dma_start3A_79 = arith.constant 0 : i32
      %dma_start3A_80 = tpu.memref_slice %arg17[%mul3A_73, %dma_start3A_79] : memref<10240x16xf32, #tpu.memory_space<vmem_shared>> -> memref<640x16xf32, #tpu.memory_space<vmem_shared>>
      tpu.enqueue_dma source(%dma_start3A_80 : memref<640x16xf32, #tpu.memory_space<vmem_shared>>) target(%dma_start3A_78 : memref<640x16xf32, #tpu.memory_space<hbm>>) target_semaphore(%run_scoped3A : memref<!tpu.dma_semaphore, #tpu.memory_space<semaphore_mem>>)
      %dma_wait3A = arith.constant 0 : i32
      %dma_wait3A_81 = tpu.memref_slice %arg5[%arg0, %mul3A_75, %dma_wait3A] : memref<2x10240x16xf32, #tpu.memory_space<hbm>> -> memref<1x640x16xf32, #tpu.memory_space<hbm>>
      %dma_wait3A_82 = tpu.memref_squeeze %dma_wait3A_81 : memref<1x640x16xf32, #tpu.memory_space<hbm>> -> memref<640x16xf32, #tpu.memory_space<hbm>>
      %dma_wait3A_83 = arith.constant 0 : i32
      %dma_wait3A_84 = tpu.memref_slice %arg17[%mul3A_73, %dma_wait3A_83] : memref<10240x16xf32, #tpu.memory_space<vmem_shared>> -> memref<640x16xf32, #tpu.memory_space<vmem_shared>>
      tpu.wait_dma2 semaphore(%run_scoped3A : memref<!tpu.dma_semaphore, #tpu.memory_space<semaphore_mem>>) src(%dma_wait3A_84 : memref<640x16xf32, #tpu.memory_space<vmem_shared>>) dst(%dma_wait3A_82 : memref<640x16xf32, #tpu.memory_space<hbm>>)
      tpu.yield
    }) : () -> ()
    return
  }
}

module attributes {stable_mosaic.version = 14 : i64} {
  func.func @_tc_a_body(%arg0: i32, %arg1: memref<2000x128xf32, #tpu.memory_space<vmem>>, %arg2: memref<128x64xf32, #tpu.memory_space<vmem>>, %arg3: memref<2x2000x16xf32, #tpu.memory_space<vmem>>, %arg4: memref<2000x64xf32, #tpu.memory_space<vmem>>, %arg5: memref<2000x1xf32, #tpu.memory_space<vmem>>) attributes {dimension_semantics = [#tpu.dimension_semantics<arbitrary>], iteration_bounds = array<i64: 5>, scalar_prefetch = 0 : i64, scratch_operands = 0 : i64, tpu.core_type = #tpu.core_type<tc>, window_params = [{transform_indices = @transform_0, window_bounds = array<i64: 2000, 128>}, {pipeline_mode = #tpu.pipeline_mode<synchronous>, transform_indices = @transform_1, window_bounds = array<i64: 128, 64>}, {transform_indices = @transform_2, window_bounds = array<i64: 2, 2000, 16>}, {transform_indices = @transform_3, window_bounds = array<i64: 2000, 64>}, {transform_indices = @transform_4, window_bounds = array<i64: 2000, 1>}]} {
    %get3A = arith.constant 0 : index
    %get3A_0 = arith.constant 0 : index
    %get3A_1 = arith.constant 0 : index
    %get3A_2 = vector.load %arg3[%get3A, %get3A_0, %get3A_1] : memref<2x2000x16xf32, #tpu.memory_space<vmem>>, vector<1x2000x1xf32>
    %get3A_3 = vector.shape_cast %get3A_2 : vector<1x2000x1xf32> to vector<2000xf32>
    %get3A_4 = arith.constant 1 : index
    %get3A_5 = arith.constant 0 : index
    %get3A_6 = arith.constant 0 : index
    %get3A_7 = vector.load %arg3[%get3A_4, %get3A_5, %get3A_6] : memref<2x2000x16xf32, #tpu.memory_space<vmem>>, vector<1x2000x1xf32>
    %get3A_8 = vector.shape_cast %get3A_7 : vector<1x2000x1xf32> to vector<2000xf32>
    %add3A = arith.addf %get3A_3, %get3A_8 : vector<2000xf32>
    %add3A_9 = arith.constant 1.000000e+00 : f32
    %add3A_10 = vector.broadcast %add3A_9 : f32 to vector<2000xf32>
    %add3A_11 = arith.addf %add3A, %add3A_10 : vector<2000xf32>
    %rsqrt3A = math.rsqrt %add3A_11 : vector<2000xf32>
    %broadcast_in_dim3A = vector.shape_cast %rsqrt3A : vector<2000xf32> to vector<2000x1xf32>
    %swap3A = arith.constant 0 : index
    %swap3A_12 = arith.constant 0 : index
    %swap3A_13 = vector.load %arg5[%swap3A, %swap3A_12] : memref<2000x1xf32, #tpu.memory_space<vmem>>, vector<2000x1xf32>
    tpu.vector_store %arg5[%swap3A, %swap3A_12], %broadcast_in_dim3A {strides = array<i32>} : memref<2000x1xf32, #tpu.memory_space<vmem>>, vector<2000x1xf32>,
    %get3A_14 = arith.constant 0 : index
    %get3A_15 = arith.constant 0 : index
    %get3A_16 = vector.load %arg1[%get3A_14, %get3A_15] : memref<2000x128xf32, #tpu.memory_space<vmem>>, vector<2000x128xf32>
    %get3A_17 = arith.constant 0 : index
    %get3A_18 = arith.constant 0 : index
    %get3A_19 = vector.load %arg2[%get3A_17, %get3A_18] : memref<128x64xf32, #tpu.memory_space<vmem>>, vector<128x64xf32>
    %dot_general3A = arith.constant dense<0.000000e+00> : vector<2000x64xf32>
    %dot_general3A_20 = tpu.matmul %get3A_16, %get3A_19, %dot_general3A {dimension_numbers = #tpu.dot_dimension_numbers<[1], [0], [0], [1], [0, 0, 1, 1], [], []>, transpose_lhs_hint = false} : vector<2000x128xf32>, vector<128x64xf32>, vector<2000x64xf32> -> vector<2000x64xf32>
    %broadcast_in_dim3A_21 = vector.shape_cast %rsqrt3A : vector<2000xf32> to vector<2000x1xf32>
    %mul3A = vector.broadcast %broadcast_in_dim3A_21 : vector<2000x1xf32> to vector<2000x64xf32>
    %mul3A_22 = arith.mulf %dot_general3A_20, %mul3A : vector<2000x64xf32>
    %swap3A_23 = arith.constant 0 : index
    %swap3A_24 = arith.constant 0 : index
    %swap3A_25 = vector.load %arg4[%swap3A_23, %swap3A_24] : memref<2000x64xf32, #tpu.memory_space<vmem>>, vector<2000x64xf32>
    tpu.vector_store %arg4[%swap3A_23, %swap3A_24], %mul3A_22 {strides = array<i32>} : memref<2000x64xf32, #tpu.memory_space<vmem>>, vector<2000x64xf32>,
    return
  }
  func.func @transform_0(%arg0: i32) -> (i32, i32) {
    %c0_i32 = arith.constant 0 : i32
    %c0_i32_0 = arith.constant 0 : i32
    return %arg0, %c0_i32 : i32, i32
  }
  func.func @transform_1(%arg0: i32) -> (i32, i32) {
    %c0_i32 = arith.constant 0 : i32
    %c0_i32_0 = arith.constant 0 : i32
    %c0_i32_1 = arith.constant 0 : i32
    return %c0_i32, %c0_i32_0 : i32, i32
  }
  func.func @transform_2(%arg0: i32) -> (i32, i32, i32) {
    %c0_i32 = arith.constant 0 : i32
    %c0_i32_0 = arith.constant 0 : i32
    %c0_i32_1 = arith.constant 0 : i32
    return %c0_i32, %arg0, %c0_i32_0 : i32, i32, i32
  }
  func.func @transform_3(%arg0: i32) -> (i32, i32) {
    %c0_i32 = arith.constant 0 : i32
    %c0_i32_0 = arith.constant 0 : i32
    return %arg0, %c0_i32 : i32, i32
  }
  func.func @transform_4(%arg0: i32) -> (i32, i32) {
    %c0_i32 = arith.constant 0 : i32
    %c0_i32_0 = arith.constant 0 : i32
    return %arg0, %c0_i32 : i32, i32
  }
}

module attributes {stable_mosaic.version = 14 : i64} {
  func.func @_tc_b_body(%arg0: i32, %arg1: memref<2x2000x64xf32, #tpu.memory_space<vmem>>, %arg2: memref<2000x1xf32, #tpu.memory_space<vmem>>, %arg3: memref<64x16xf32, #tpu.memory_space<vmem>>, %arg4: memref<64xf32, #tpu.memory_space<vmem>>, %arg5: memref<2000x16xf32, #tpu.memory_space<vmem>>) attributes {dimension_semantics = [#tpu.dimension_semantics<arbitrary>], iteration_bounds = array<i64: 5>, scalar_prefetch = 0 : i64, scratch_operands = 0 : i64, tpu.core_type = #tpu.core_type<tc>, window_params = [{transform_indices = @transform_0, window_bounds = array<i64: 2, 2000, 64>}, {transform_indices = @transform_1, window_bounds = array<i64: 2000, 1>}, {pipeline_mode = #tpu.pipeline_mode<synchronous>, transform_indices = @transform_2, window_bounds = array<i64: 64, 16>}, {pipeline_mode = #tpu.pipeline_mode<synchronous>, transform_indices = @transform_3, window_bounds = array<i64: 64>}, {transform_indices = @transform_4, window_bounds = array<i64: 2000, 16>}]} {
    %get3A = arith.constant 0 : index
    %get3A_0 = arith.constant 0 : index
    %get3A_1 = arith.constant 0 : index
    %get3A_2 = vector.load %arg1[%get3A, %get3A_0, %get3A_1] : memref<2x2000x64xf32, #tpu.memory_space<vmem>>, vector<1x2000x64xf32>
    %get3A_3 = vector.shape_cast %get3A_2 : vector<1x2000x64xf32> to vector<2000x64xf32>
    %get3A_4 = arith.constant 1 : index
    %get3A_5 = arith.constant 0 : index
    %get3A_6 = arith.constant 0 : index
    %get3A_7 = vector.load %arg1[%get3A_4, %get3A_5, %get3A_6] : memref<2x2000x64xf32, #tpu.memory_space<vmem>>, vector<1x2000x64xf32>
    %get3A_8 = vector.shape_cast %get3A_7 : vector<1x2000x64xf32> to vector<2000x64xf32>
    %add3A = arith.addf %get3A_3, %get3A_8 : vector<2000x64xf32>
    %get3A_9 = arith.constant 0 : index
    %get3A_10 = arith.constant 0 : index
    %get3A_11 = vector.load %arg2[%get3A_9, %get3A_10] : memref<2000x1xf32, #tpu.memory_space<vmem>>, vector<2000x1xf32>
    %mul3A = vector.broadcast %get3A_11 : vector<2000x1xf32> to vector<2000x64xf32>
    %mul3A_12 = arith.mulf %add3A, %mul3A : vector<2000x64xf32>
    %get3A_13 = arith.constant 0 : index
    %get3A_14 = vector.load %arg4[%get3A_13] : memref<64xf32, #tpu.memory_space<vmem>>, vector<64xf32>
    %broadcast_in_dim3A = vector.shape_cast %get3A_14 : vector<64xf32> to vector<1x64xf32>
    %add3A_15 = vector.broadcast %broadcast_in_dim3A : vector<1x64xf32> to vector<2000x64xf32>
    %add3A_16 = arith.addf %mul3A_12, %add3A_15 : vector<2000x64xf32>
    %max3A = arith.constant 0.000000e+00 : f32
    %max3A_17 = vector.broadcast %max3A : f32 to vector<2000x64xf32>
    %max3A_18 = arith.maximumf %add3A_16, %max3A_17 : vector<2000x64xf32>
    %get3A_19 = arith.constant 0 : index
    %get3A_20 = arith.constant 0 : index
    %get3A_21 = vector.load %arg3[%get3A_19, %get3A_20] : memref<64x16xf32, #tpu.memory_space<vmem>>, vector<64x16xf32>
    %dot_general3A = arith.constant dense<0.000000e+00> : vector<2000x16xf32>
    %dot_general3A_22 = tpu.matmul %max3A_18, %get3A_21, %dot_general3A {dimension_numbers = #tpu.dot_dimension_numbers<[1], [0], [0], [1], [0, 0, 1, 1], [], []>, transpose_lhs_hint = false} : vector<2000x64xf32>, vector<64x16xf32>, vector<2000x16xf32> -> vector<2000x16xf32>
    %mul3A_23 = vector.broadcast %get3A_11 : vector<2000x1xf32> to vector<2000x16xf32>
    %mul3A_24 = arith.mulf %dot_general3A_22, %mul3A_23 : vector<2000x16xf32>
    %swap3A = arith.constant 0 : index
    %swap3A_25 = arith.constant 0 : index
    %swap3A_26 = vector.load %arg5[%swap3A, %swap3A_25] : memref<2000x16xf32, #tpu.memory_space<vmem>>, vector<2000x16xf32>
    tpu.vector_store %arg5[%swap3A, %swap3A_25], %mul3A_24 {strides = array<i32>} : memref<2000x16xf32, #tpu.memory_space<vmem>>, vector<2000x16xf32>,
    return
  }
  func.func @transform_0(%arg0: i32) -> (i32, i32, i32) {
    %c0_i32 = arith.constant 0 : i32
    %c0_i32_0 = arith.constant 0 : i32
    %c0_i32_1 = arith.constant 0 : i32
    return %c0_i32, %arg0, %c0_i32_0 : i32, i32, i32
  }
  func.func @transform_1(%arg0: i32) -> (i32, i32) {
    %c0_i32 = arith.constant 0 : i32
    %c0_i32_0 = arith.constant 0 : i32
    return %arg0, %c0_i32 : i32, i32
  }
  func.func @transform_2(%arg0: i32) -> (i32, i32) {
    %c0_i32 = arith.constant 0 : i32
    %c0_i32_0 = arith.constant 0 : i32
    %c0_i32_1 = arith.constant 0 : i32
    return %c0_i32, %c0_i32_0 : i32, i32
  }
  func.func @transform_3(%arg0: i32) -> i32 {
    %c0_i32 = arith.constant 0 : i32
    %c0_i32_0 = arith.constant 0 : i32
    return %c0_i32 : i32
  }
  func.func @transform_4(%arg0: i32) -> (i32, i32) {
    %c0_i32 = arith.constant 0 : i32
    %c0_i32_0 = arith.constant 0 : i32
    return %arg0, %c0_i32 : i32, i32
  }
}

module attributes {stable_mosaic.version = 14 : i64} {
  func.func @_tc_c_body(%arg0: i32, %arg1: memref<2x256x128xf32, #tpu.memory_space<vmem>>, %arg2: memref<2x256x128xf32, #tpu.memory_space<vmem>>, %arg3: memref<128xf32, #tpu.memory_space<vmem>>, %arg4: memref<256x128xf32, #tpu.memory_space<vmem>>) attributes {dimension_semantics = [#tpu.dimension_semantics<arbitrary>], iteration_bounds = array<i64: 5>, scalar_prefetch = 0 : i64, scratch_operands = 0 : i64, tpu.core_type = #tpu.core_type<tc>, window_params = [{transform_indices = @transform_0, window_bounds = array<i64: 2, 256, 128>}, {transform_indices = @transform_1, window_bounds = array<i64: 2, 256, 128>}, {pipeline_mode = #tpu.pipeline_mode<synchronous>, transform_indices = @transform_2, window_bounds = array<i64: 128>}, {transform_indices = @transform_3, window_bounds = array<i64: 256, 128>}]} {
    %get3A = arith.constant 0 : index
    %get3A_0 = arith.constant 0 : index
    %get3A_1 = arith.constant 0 : index
    %get3A_2 = vector.load %arg1[%get3A, %get3A_0, %get3A_1] : memref<2x256x128xf32, #tpu.memory_space<vmem>>, vector<1x256x128xf32>
    %get3A_3 = vector.shape_cast %get3A_2 : vector<1x256x128xf32> to vector<256x128xf32>
    %get3A_4 = arith.constant 1 : index
    %get3A_5 = arith.constant 0 : index
    %get3A_6 = arith.constant 0 : index
    %get3A_7 = vector.load %arg1[%get3A_4, %get3A_5, %get3A_6] : memref<2x256x128xf32, #tpu.memory_space<vmem>>, vector<1x256x128xf32>
    %get3A_8 = vector.shape_cast %get3A_7 : vector<1x256x128xf32> to vector<256x128xf32>
    %add3A = arith.addf %get3A_3, %get3A_8 : vector<256x128xf32>
    %get3A_9 = arith.constant 0 : index
    %get3A_10 = arith.constant 0 : index
    %get3A_11 = arith.constant 0 : index
    %get3A_12 = vector.load %arg2[%get3A_9, %get3A_10, %get3A_11] : memref<2x256x128xf32, #tpu.memory_space<vmem>>, vector<1x256x128xf32>
    %get3A_13 = vector.shape_cast %get3A_12 : vector<1x256x128xf32> to vector<256x128xf32>
    %get3A_14 = arith.constant 1 : index
    %get3A_15 = arith.constant 0 : index
    %get3A_16 = arith.constant 0 : index
    %get3A_17 = vector.load %arg2[%get3A_14, %get3A_15, %get3A_16] : memref<2x256x128xf32, #tpu.memory_space<vmem>>, vector<1x256x128xf32>
    %get3A_18 = vector.shape_cast %get3A_17 : vector<1x256x128xf32> to vector<256x128xf32>
    %add3A_19 = arith.addf %get3A_13, %get3A_18 : vector<256x128xf32>
    %add3A_20 = arith.constant 1.000000e+00 : f32
    %add3A_21 = vector.broadcast %add3A_20 : f32 to vector<256x128xf32>
    %add3A_22 = arith.addf %add3A_19, %add3A_21 : vector<256x128xf32>
    %rsqrt3A = math.rsqrt %add3A_22 : vector<256x128xf32>
    %mul3A = arith.mulf %add3A, %rsqrt3A : vector<256x128xf32>
    %get3A_23 = arith.constant 0 : index
    %get3A_24 = vector.load %arg3[%get3A_23] : memref<128xf32, #tpu.memory_space<vmem>>, vector<128xf32>
    %broadcast_in_dim3A = vector.shape_cast %get3A_24 : vector<128xf32> to vector<1x128xf32>
    %add3A_25 = vector.broadcast %broadcast_in_dim3A : vector<1x128xf32> to vector<256x128xf32>
    %add3A_26 = arith.addf %mul3A, %add3A_25 : vector<256x128xf32>
    %reduce_max3A = arith.constant dense<0xFF800000> : vector<256xf32>
    %reduce_max3A_27 = vector.multi_reduction <maximumf>, %add3A_26, %reduce_max3A [1] : vector<256x128xf32> to vector<256xf32>
    %broadcast_in_dim3A_28 = vector.shape_cast %reduce_max3A_27 : vector<256xf32> to vector<256x1xf32>
    %sub3A = vector.broadcast %broadcast_in_dim3A_28 : vector<256x1xf32> to vector<256x128xf32>
    %sub3A_29 = arith.subf %add3A_26, %sub3A : vector<256x128xf32>
    %exp3A = math.exp %sub3A_29 : vector<256x128xf32>
    %iota3A = tpu.iota {dimensions = array<i32: 0>} : vector<128x8xi32>
    %jit3A = arith.constant 16 : i32
    %div3A = vector.broadcast %jit3A : i32 to vector<128x8xi32>
    %div3A_30 = arith.divsi %iota3A, %div3A : vector<128x8xi32>
    %sign3A = arith.constant 0 : i32
    %sign3A_31 = vector.broadcast %sign3A : i32 to vector<128x8xi32>
    %sign3A_32 = arith.cmpi sgt, %iota3A, %sign3A_31 : vector<128x8xi32>
    %sign3A_33 = arith.extui %sign3A_32 : vector<128x8xi1> to vector<128x8xi32>
    %sign3A_34 = arith.constant 0 : i32
    %sign3A_35 = vector.broadcast %sign3A_34 : i32 to vector<128x8xi32>
    %sign3A_36 = arith.cmpi slt, %iota3A, %sign3A_35 : vector<128x8xi32>
    %sign3A_37 = arith.extui %sign3A_36 : vector<128x8xi1> to vector<128x8xi32>
    %sign3A_38 = arith.subi %sign3A_33, %sign3A_37 : vector<128x8xi32>
    %sign3A_39 = arith.constant 0 : i32
    %sign3A_40 = arith.cmpi sgt, %jit3A, %sign3A_39 : i32
    %sign3A_41 = arith.extui %sign3A_40 : i1 to i32
    %sign3A_42 = arith.constant 0 : i32
    %sign3A_43 = arith.cmpi slt, %jit3A, %sign3A_42 : i32
    %sign3A_44 = arith.extui %sign3A_43 : i1 to i32
    %sign3A_45 = arith.subi %sign3A_41, %sign3A_44 : i32
    %ne3A = vector.broadcast %sign3A_45 : i32 to vector<128x8xi32>
    %ne3A_46 = arith.cmpi ne, %sign3A_38, %ne3A : vector<128x8xi32>
    %rem3A = vector.broadcast %jit3A : i32 to vector<128x8xi32>
    %rem3A_47 = arith.remsi %iota3A, %rem3A : vector<128x8xi32>
    %ne3A_48 = arith.constant 0 : i32
    %ne3A_49 = vector.broadcast %ne3A_48 : i32 to vector<128x8xi32>
    %ne3A_50 = arith.cmpi ne, %rem3A_47, %ne3A_49 : vector<128x8xi32>
    %and3A = arith.andi %ne3A_46, %ne3A_50 : vector<128x8xi1>
    %sub3A_51 = arith.constant 1 : i32
    %sub3A_52 = vector.broadcast %sub3A_51 : i32 to vector<128x8xi32>
    %sub3A_53 = arith.subi %div3A_30, %sub3A_52 : vector<128x8xi32>
    %select_n3A = arith.select %and3A, %sub3A_53, %div3A_30 : vector<128x8xi1>, vector<128x8xi32>
    %iota3A_54 = tpu.iota {dimensions = array<i32: 1>} : vector<128x8xi32>
    %eq3A = arith.cmpi eq, %select_n3A, %iota3A_54 : vector<128x8xi32>
    %convert_element_type3A = arith.extui %eq3A : vector<128x8xi1> to vector<128x8xi32>
    %convert_element_type3A_55 = arith.sitofp %convert_element_type3A : vector<128x8xi32> to vector<128x8xf32>
    %iota3A_56 = tpu.iota {dimensions = array<i32: 0>} : vector<8x128xi32>
    %iota3A_57 = tpu.iota {dimensions = array<i32: 1>} : vector<8x128xi32>
    %jit3A_58 = arith.constant 16 : i32
    %div3A_59 = vector.broadcast %jit3A_58 : i32 to vector<8x128xi32>
    %div3A_60 = arith.divsi %iota3A_57, %div3A_59 : vector<8x128xi32>
    %sign3A_61 = arith.constant 0 : i32
    %sign3A_62 = vector.broadcast %sign3A_61 : i32 to vector<8x128xi32>
    %sign3A_63 = arith.cmpi sgt, %iota3A_57, %sign3A_62 : vector<8x128xi32>
    %sign3A_64 = arith.extui %sign3A_63 : vector<8x128xi1> to vector<8x128xi32>
    %sign3A_65 = arith.constant 0 : i32
    %sign3A_66 = vector.broadcast %sign3A_65 : i32 to vector<8x128xi32>
    %sign3A_67 = arith.cmpi slt, %iota3A_57, %sign3A_66 : vector<8x128xi32>
    %sign3A_68 = arith.extui %sign3A_67 : vector<8x128xi1> to vector<8x128xi32>
    %sign3A_69 = arith.subi %sign3A_64, %sign3A_68 : vector<8x128xi32>
    %sign3A_70 = arith.constant 0 : i32
    %sign3A_71 = arith.cmpi sgt, %jit3A_58, %sign3A_70 : i32
    %sign3A_72 = arith.extui %sign3A_71 : i1 to i32
    %sign3A_73 = arith.constant 0 : i32
    %sign3A_74 = arith.cmpi slt, %jit3A_58, %sign3A_73 : i32
    %sign3A_75 = arith.extui %sign3A_74 : i1 to i32
    %sign3A_76 = arith.subi %sign3A_72, %sign3A_75 : i32
    %ne3A_77 = vector.broadcast %sign3A_76 : i32 to vector<8x128xi32>
    %ne3A_78 = arith.cmpi ne, %sign3A_69, %ne3A_77 : vector<8x128xi32>
    %rem3A_79 = vector.broadcast %jit3A_58 : i32 to vector<8x128xi32>
    %rem3A_80 = arith.remsi %iota3A_57, %rem3A_79 : vector<8x128xi32>
    %ne3A_81 = arith.constant 0 : i32
    %ne3A_82 = vector.broadcast %ne3A_81 : i32 to vector<8x128xi32>
    %ne3A_83 = arith.cmpi ne, %rem3A_80, %ne3A_82 : vector<8x128xi32>
    %and3A_84 = arith.andi %ne3A_78, %ne3A_83 : vector<8x128xi1>
    %sub3A_85 = arith.constant 1 : i32
    %sub3A_86 = vector.broadcast %sub3A_85 : i32 to vector<8x128xi32>
    %sub3A_87 = arith.subi %div3A_60, %sub3A_86 : vector<8x128xi32>
    %select_n3A_88 = arith.select %and3A_84, %sub3A_87, %div3A_60 : vector<8x128xi1>, vector<8x128xi32>
    %eq3A_89 = arith.cmpi eq, %iota3A_56, %select_n3A_88 : vector<8x128xi32>
    %convert_element_type3A_90 = arith.extui %eq3A_89 : vector<8x128xi1> to vector<8x128xi32>
    %convert_element_type3A_91 = arith.sitofp %convert_element_type3A_90 : vector<8x128xi32> to vector<8x128xf32>
    %dot_general3A = arith.constant dense<0.000000e+00> : vector<256x8xf32>
    %dot_general3A_92 = tpu.matmul %exp3A, %convert_element_type3A_55, %dot_general3A {dimension_numbers = #tpu.dot_dimension_numbers<[1], [0], [0], [1], [0, 0, 1, 1], [], []>, precision = #tpu.contract_precision<fp32>, transpose_lhs_hint = false} : vector<256x128xf32>, vector<128x8xf32>, vector<256x8xf32> -> vector<256x8xf32>
    %log3A = math.log %dot_general3A_92 : vector<256x8xf32>
    %dot_general3A_93 = arith.constant dense<0.000000e+00> : vector<256x128xf32>
    %dot_general3A_94 = tpu.matmul %log3A, %convert_element_type3A_91, %dot_general3A_93 {dimension_numbers = #tpu.dot_dimension_numbers<[1], [0], [0], [1], [0, 0, 1, 1], [], []>, precision = #tpu.contract_precision<fp32>, transpose_lhs_hint = false} : vector<256x8xf32>, vector<8x128xf32>, vector<256x128xf32> -> vector<256x128xf32>
    %sub3A_95 = vector.broadcast %broadcast_in_dim3A_28 : vector<256x1xf32> to vector<256x128xf32>
    %sub3A_96 = arith.subf %add3A_26, %sub3A_95 : vector<256x128xf32>
    %sub3A_97 = arith.subf %sub3A_96, %dot_general3A_94 : vector<256x128xf32>
    %swap3A = arith.constant 0 : index
    %swap3A_98 = arith.constant 0 : index
    %swap3A_99 = vector.load %arg4[%swap3A, %swap3A_98] : memref<256x128xf32, #tpu.memory_space<vmem>>, vector<256x128xf32>
    tpu.vector_store %arg4[%swap3A, %swap3A_98], %sub3A_97 {strides = array<i32>} : memref<256x128xf32, #tpu.memory_space<vmem>>, vector<256x128xf32>,
    return
  }
  func.func @transform_0(%arg0: i32) -> (i32, i32, i32) {
    %c0_i32 = arith.constant 0 : i32
    %c0_i32_0 = arith.constant 0 : i32
    %c0_i32_1 = arith.constant 0 : i32
    return %c0_i32, %arg0, %c0_i32_0 : i32, i32, i32
  }
  func.func @transform_1(%arg0: i32) -> (i32, i32, i32) {
    %c0_i32 = arith.constant 0 : i32
    %c0_i32_0 = arith.constant 0 : i32
    %c0_i32_1 = arith.constant 0 : i32
    return %c0_i32, %arg0, %c0_i32_0 : i32, i32, i32
  }
  func.func @transform_2(%arg0: i32) -> i32 {
    %c0_i32 = arith.constant 0 : i32
    %c0_i32_0 = arith.constant 0 : i32
    return %c0_i32 : i32
  }
  func.func @transform_3(%arg0: i32) -> (i32, i32) {
    %c0_i32 = arith.constant 0 : i32
    %c0_i32_0 = arith.constant 0 : i32
    return %arg0, %c0_i32 : i32, i32
  }
}

</mosaic_0001>

<sc_bundles>
// kernel: kernel.11.cloned.1.call-start
scs
__scs_entry_jumppad:
0x0: {  	(pc) =	sbr.rel $0x88, $3  }
0x1: {  	(tag) =	ssettag $0x0;
	lr =	simm.s32 $0x1  }
0x2: {  	[smem:$0x3F9B] =	sst lr;
	_ =	strace $0xD0000000  }
0x3: {  	_ = 	snop  }
0x4: {  	_ = 	snop  }
0x5: {  	_ = 	snop  }
0x6: {  	_ = 	snop  }
0x7: {  	_ = 	snop  }
__scs_overlays_trampoline_lowered:
0x8: {  	[smem:$0x3FAA] =	sst s0  }
0x9: {  	[smem:$0x3FAB] =	sst s1  }
0xa: {  	[smem:$0x3FAC] =	sst s2  }
0xb: {  	[smem:$0x3FAD] =	sst s3  }
0xc: {  	[smem:$0x3FAE] =	sst s4  }
0xd: {  	[smem:$0x3FAF] =	sst s5  }
0xe: {  	[smem:$0x3FB0] =	sst s6  }
0xf: {  	[smem:$0x3FB1] =	sst s7  }
0x10: {  	[smem:$0x3FB2] =	sst s8  }
0x11: {  	[smem:$0x3FB3] =	sst s9;
	s0 =	simm.s32 @!p0 $0x0  }
0x12: {  	s1 =	sld [smem:$0x3F99];
	s0 =	simm.s32 @p0 $0x1  }
0x13: {  	[smem:$0x3FB4] =	sst s0;
	s0 =	simm.s32 @!p1 $0x0  }
0x14: {  	s2 =	sld [smem:$0x3F98];
	s0 =	simm.s32 @p1 $0x1  }
0x15: {  	[smem:$0x3FB5] =	sst s0;
	s0 =	simm.s32 @!p2 $0x0  }
0x16: {  	s3 =	sld [smem:$0x3FDB];
	s0 =	simm.s32 @p2 $0x1  }
0x17: {  	s4 =	simm.s32 $0x1BF5;
	[smem:$0x3FB7] =	sst s0  }
0x18: {  	s0 =	sld [smem:$0x3F9A];
	_ =	swait.ge [sflag:s4], $0x0  }
0x19: {  	s7 =	sld [smem:$0x3F9B]  }
0x1a: {  	s8 =	sadd.s32 $0xFFFFE003, lr  }
0x1b: {  	s9 =	sadd.s32 $0xFFFFFEF7, lr;
	s5 =	simm.s32 $0xFFFFFFFF;
	p2 =	slt.u32 s8, $0xFFFFF086  }
0x1c: {  	p1 =	slt.u32 s9, $0xF7A;
	s5 =	simm.s32 @!p2 $0x0  }
0x1d: {  	s5 =	simm.s32 @p1 $0x1;
	p0 =	seq.s32 s7, s2  }
0x1e: {  	s7 =	smul.u32 @!p0 $0xF7A, s2;
	p2 =	seq.s32 @!p0 s5, $0x0  }
0x1f: {  	s9 =	smul.u32 $0xF7A, s1;
	s8 =	simm.s32 @!p0 $0x1BF5;
	p2 =	por !p2, p0  }
0x20: {  	[sflag:s8] =	ssyncset.s32 @!p0 $0xFFFFF086;
	s6 =	sadd.s32 @!p0 s3, s7;
	s7 =	simm.s32 @!p0 $0x108  }
0x21: {  	s3 =	sadd.s32 s3, s9;
	s6 =	sadd.s32 @!p0 $0x88, s6;
	s7 =	simm.s32 @p2 $0x1082  }
0x22: {  	[simem:s7], [sflag:s8] =	dma.local @!p0 [hbm:s6], $0xF7A  }
0x23: {  	s9 =	sor.u32 $0xD0000000, s2;
	s6 =	simm.s32 $0x108;
	_ =	swait.ge @!p0 [sflag:s8], $0x0  }
0x24: {  	s3 =	sadd.s32 $0x88, s3;
	s6 =	simm.s32 @!p1 $0x1082;
	[sflag:s4] =	ssyncset.s32 $0xFFFFF086  }
0x25: {  	[simem:s6], [sflag:s4] =	dma.local [hbm:s3], $0xF7A  }
0x26: {  	[smem:$0x3F9B] =	sst s1;
	(tag) =	ssettag s2;
	_ =	strace s9  }
0x27: {  	s1 =	sld [smem:$0x3FAB]  }
0x28: {  	s2 =	sld [smem:$0x3FAC]  }
0x29: {  	s4 =	sld [smem:$0x3FAE]  }
0x2a: {  	p0 =	seq.s32 s5, $0x0;
	s5 =	sld [smem:$0x3FAF]  }
0x2b: {  	s6 =	sld [smem:$0x3FB0]  }
0x2c: {  	s7 =	sld [smem:$0x3FB1]  }
0x2d: {  	s3 =	simm.s32 $0x108;
	s8 =	sld [smem:$0x3FB2]  }
0x2e: {  	s3 =	simm.s32 @!p0 $0x1082;
	s9 =	sld [smem:$0x3FB3]  }
0x2f: {  	lr =	sadd.s32 s0, s3;
	s0 =	sld [smem:$0x3FAA]  }
0x30: {  	s3 =	sld [smem:$0x3FAD]  }
0x31: {  	[smem:$0x3FB6] =	sst s10  }
0x32: {  	s10 =	sld [smem:$0x3FB4];
	_ =	sdelay $0x3  }
0x33: {  	p0 =	seq.s32 s10, $0x1;
	s10 =	sld [smem:$0x3FB6];
	_ =	sdelay $0x3  }
0x34: {  	[smem:$0x3FB6] =	sst s10  }
0x35: {  	s10 =	sld [smem:$0x3FB5];
	_ =	sdelay $0x3  }
0x36: {  	p1 =	seq.s32 s10, $0x1;
	s10 =	sld [smem:$0x3FB6];
	_ =	sdelay $0x3  }
0x37: {  	[smem:$0x3FB6] =	sst s10  }
0x38: {  	s10 =	sld [smem:$0x3FB7]  }
0x39: {  	_ = 	snop;
	(pc) =	sbr.ind lr, $3  }
0x3a: {  	_ = 	snop  }
0x3b: {  	_ = 	snop  }
0x3c: {  	p2 =	seq.s32 s10, $0x1;
	s10 =	sld [smem:$0x3FB6]  }
0x3d: {  	_ =	shalt  }
0x3e: {  	_ =	shalt  }
0x3f: {  	_ =	shalt  }
0x40: {  	_ =	shalt  }
0x41: {  	_ =	shalt  }
0x42: {  	_ =	shalt  }
0x43: {  	_ =	shalt  }
0x44: {  	_ =	shalt  }
0x45: {  	_ =	shalt  }
0x46: {  	_ =	shalt  }
0x47: {  	_ =	shalt  }
0x48: {  	_ =	shalt  }
0x49: {  	_ =	shalt  }
0x4a: {  	_ =	shalt  }
0x4b: {  	_ =	shalt  }
0x4c: {  	_ =	shalt  }
0x4d: {  	_ =	shalt  }
0x4e: {  	_ =	shalt  }
0x4f: {  	_ =	shalt  }
0x50: {  	_ =	shalt  }
0x51: {  	_ =	shalt  }
0x52: {  	_ =	shalt  }
0x53: {  	_ =	shalt  }
0x54: {  	_ =	shalt  }
0x55: {  	_ =	shalt  }
0x56: {  	_ =	shalt  }
0x57: {  	_ =	shalt  }
0x58: {  	_ =	shalt  }
0x59: {  	_ =	shalt  }
0x5a: {  	_ =	shalt  }
0x5b: {  	_ =	shalt  }
0x5c: {  	_ =	shalt  }
0x5d: {  	_ =	shalt  }
0x5e: {  	_ =	shalt  }
0x5f: {  	_ =	shalt  }
0x60: {  	_ =	shalt  }
0x61: {  	_ =	shalt  }
0x62: {  	_ =	shalt  }
0x63: {  	_ =	shalt  }
0x64: {  	_ =	shalt  }
0x65: {  	_ =	shalt  }
0x66: {  	_ =	shalt  }
0x67: {  	_ =	shalt  }
0x68: {  	_ =	shalt  }
0x69: {  	_ =	shalt  }
0x6a: {  	_ =	shalt  }
0x6b: {  	_ =	shalt  }
0x6c: {  	_ =	shalt  }
0x6d: {  	_ =	shalt  }
0x6e: {  	_ =	shalt  }
0x6f: {  	_ =	shalt  }
0x70: {  	_ =	shalt  }
0x71: {  	_ =	shalt  }
0x72: {  	_ =	shalt  }
0x73: {  	_ =	shalt  }
0x74: {  	_ =	shalt  }
0x75: {  	_ =	shalt  }
0x76: {  	_ =	shalt  }
0x77: {  	_ =	shalt  }
0x78: {  	_ =	shalt  }
0x79: {  	_ =	shalt  }
0x7a: {  	_ =	shalt  }
0x7b: {  	_ =	shalt  }
0x7c: {  	_ =	shalt  }
0x7d: {  	_ =	shalt  }
0x7e: {  	_ =	shalt  }
0x7f: {  	_ =	shalt  }
0x80: {  	_ =	shalt  }
0x81: {  	_ =	shalt  }
0x82: {  	_ =	shalt  }
0x83: {  	_ =	shalt  }
0x84: {  	_ =	shalt  }
0x85: {  	_ =	shalt  }
0x86: {  	_ =	shalt  }
0x87: {  	_ =	shalt  }
.Lfunc_end0:
.L_simem_size_0:
called_computation.1_lowered:
.L_overlay_start_0:
0x88: {  	s2 =	sld [smem:$0x3FD9]  }
0x89: {  	s3 =	sld [smem:$0x3FFE];
	_ =	sdelay $0x1  }
0x8a: {  	s1 =	srdreg.scid  }
0x8b: {  	s0 =	sand.u32 $0x1, s1  }
0x8c: {  	s16 =	sshll.u32 s0, $0xA;
	s2 =	sadd.s32 s3, s2  }
0x8d: {  	s2 =	sadd.s32 s2, s16  }
0x8e: {  	[smem:$0x3FC2] =	sst s2  }
0x8f: {  	_ = 	snop  }
0x90: {  	(tm) =	ssettm $0x1  }
0x91: {  	s17 =	sld [smem:$0x3FFB];
	_ =	sdelay $0x3  }
0x92: {  	_ =	strace s17  }
0x93: {  	s2 =	sld [smem:$0x3FFC];
	_ =	sdelay $0x3  }
0x94: {  	_ =	strace s2  }
0x95: {  	s2 =	sld [smem:$0x3FFD];
	_ =	sdelay $0x3  }
0x96: {  	_ =	strace s2  }
0x97: {  	_ =	strace $0x8FFFFFFF  }
0x98: {  	s18 =	sld [smem:$0x3FDB];
	_ =	sdelay $0x1  }
0x99: {  	s19 =	simm.s32 $_scs_section_size  }
0x9a: {  	s4 =	simm.s32 $_size__tile_overlayer_lowered;
	s5 =	simm.s32 $_tile_overlayer_lowered  }
0x9b: {  	s22 =	simm.s32 $0x1BFF;
	s21 =	sshll.u32 s5, $0x1;
	s2 =	sadd.s32 s19, s18  }
0x9c: {  	s6 =	simm.s32 $0x0;
	s20 =	sshll.u32 s4, $0x1;
	s4 =	sadd.s32 s21, s2  }
0x9d: {  	[timem:s6], [sflag:s22] =	dma.local [hbm:s4], s20  }
0x9e: {  	_ =	swait.ge [sflag:s22], s20  }
0x9f: {  	s3 =	ssub.s32 $0x0, s20;
	[sflag:s22] =	ssyncset.done $0x0  }
0xa0: {  	[sflag:s22] =	ssyncadd.s32 s3;
	_ =	sdelay $0x1  }
0xa1: {  	s23 =	simm.s32 $0x1B8B  }
0xa2: {  	_ =	swait.ge [sflag:s23], $0x1  }
0xa3: {  	[sflag:s23] =	ssyncset.done $0x0  }
0xa4: {  	s25 =	simm.s32 $0x1B8E;
	s24 =	sld [smem:$0x3FFE];
	[sflag:s23] =	ssyncadd.s32 $0xFFFFFFFF  }
0xa5: {  	s26 =	simm.s32 $execute0_lowered;
	[smem:$0x3FD2] =	sst s25  }
0xa6: {  	s4 =	sshll.u32 s26, $0x1;
	_ =	strace $0x80000049;
	[dreg:$0x1] =	wrdreg $0xFFFFFFFF  }
0xa7: {  	s28 =	simm.s32 $_size_execute0_lowered;
	s2 =	sadd.s32 s2, s4;
	[dreg:$0x0] =	wrdreg $0x0  }
0xa8: {  	s4 =	sshll.u32 s28, $0x1;
	[dreg:$0x2] =	wrdreg s2  }
0xa9: {  	[dreg:$0x3] =	wrdreg s4  }
0xaa: {  	[dreg:$0x4] =	wrdreg $0xC0  }
0xab: {  	_ =	task [dreg:s6], $0x5FFFF  }
0xac: {  	[dreg:$0x1] =	wrdreg $0xFFFFFFFF  }
0xad: {  	[dreg:$0x0] =	wrdreg $0x60  }
0xae: {  	[dreg:$0x2] =	wrdreg s24  }
0xaf: {  	[dreg:$0x3] =	wrdreg $0x150000  }
0xb0: {  	[dreg:$0x4] =	wrdreg $0x9  }
0xb1: {  	_ =	task.clear_ibuf [dreg:s6], $0x5FFFF;
	_ =	strace $0x90000049  }
0xb2: {  	s29 =	simm.s32 $0x9;
	_ =	strace $0x8000004B  }
0xb3: {  	_ =	swait.ge [sflag:s29], $0x1  }
0xb4: {  	[sflag:s29] =	ssyncadd.s32 $0xFFFFFFFF  }
0xb5: {  	_ =	strace $0x9000004B  }
0xb6: {  	_ =	sfence  }
0xb7: {  	s30 =	sld [smem:$0x0];
	_ =	sdelay $0x2  }
0xb8: {  	s31 =	sshll.u32 s1, $0xD;
	s1 =	sshrl.u32 s1, $0x2  }
0xb9: {  	s3 =	sand.u32 $0x4000, s31;
	s1 =	sadd.s32 s1, s30  }
0xba: {  	s0 =	sor.u32 s3, s0;
	s1 =	sshll.u32 s1, $0x11  }
0xbb: {  	s0 =	sor.u32 s1, s0  }
0xbc: {  	s0 =	sadd.s32 $0x8F2B, s0  }
0xbd: {  	[sflag:s0] =	ssyncadd.remote.s32 $0x1  }
0xbe: {  	_ =	sfence.sel $0xFFFF  }
0xbf: {  	[dreg:$0x0] =	wrdreg $0xFFFFFFFF;
	(pc) =	sbr.abs _section_cstart, $3  }
0xc0: {  	[dreg:$0x1] =	wrdreg $0xFFFFFFFF  }
0xc1: {  	_ =	task.clear_ibuf [dreg:s6], $0x2FFFF;
	_ =	strace $0x9FFFFFFF  }
0xc2: {  	(tm) =	ssettm $0x7FFFFFFF  }
0xc3: {  	_ =	shalt  }
tec
execute0_lowered:
.L_overlay_start_1:
0x0: {  	(tag) =	ssettag $0x1  }
0x1: {  	s0 =	rddreg [dreg:$0x0]  }
0x2: {  	s2 =	rddreg [dreg:$0x1]  }
0x3: {  	s1 =	srdreg.scid;
	s3 =	stileid.u32;
	s15 =	simm.s32 $0x0  }
0x4: {  	s16 =	simm.s32 $0x5000;
	s29 =	simm.s32 $0xF000;
	s31 =	simm.s32 $0x11000  }
0x5: {  	s10 =	simm.s32 $0x3;
	s11 =	simm.s32 $0x5;
	s28 =	simm.s32 $0x9  }
0x6: {  	s30 =	simm.s32 $0xA;
	s12 =	simm.s32 $0xE;
	s13 =	simm.s32 $0xF  }
0x7: {  	s14 =	simm.s32 $0x10;
	s1 =	sand.u32 $0x1, s1;
	s5 =	smul.u32 $0xA000, s3  }
0x8: {  	[smem:$0x7FF] =	sst s15;
	s9 =	smul.u32 $0x28000, s3;
	s4 =	sshll.u32 s1, $0x4  }
0x9: {  	s6 =	smul.u32 $0xA0000, s1;
	_ =	strace $0x8000004A;
	s8 =	ssub.s32 $0x2, s1  }
0xa: {  	p0 =	seq.s32 s1, $0x1;
	s7 =	sor.u32 s3, s4;
	s4 =	sadd.s32 $0x1FC00, s0  }
0xb: {  	s17 =	sshrl.u32 s8, $0x1;
	s18 =	sshrl.u32 s9, $0x2;
	s19 =	sadd.s32 s5, s2  }
0xc: {  	s9 =	simm.s32 $0x2;
	s7 =	smul.u32 $0x500, s7;
	s6 =	sadd.s32 s5, s6  }
0xd: {  	[dreg:$0x4] =	wrdreg s19;
	s5 =	sshrl.u32 s5, $0x3;
	s1 =	sadd.s32 s18, s2  }
0xe: {  	s19 =	simm.s32 $0x80;
	s20 =	sadd.s32 s4, s5;
	[dreg:$0x5] =	wrdreg s1  }
0xf: {  	s18 =	simm.s32 $0x4;
	s21 =	sadd.s32 $0x2000, s1;
	[dreg:$0x6] =	wrdreg s20  }
0x10: {  	s6 =	sshrl.u32 s6, $0x3;
	s22 =	sadd.s32 $0x4000, s1;
	[dreg:$0x7] =	wrdreg s21  }
0x11: {  	s23 =	sadd.s32 $0x6000, s1;
	s1 =	sadd.s32 $0x8000, s1;
	[dreg:$0x8] =	wrdreg s22  }
0x12: {  	s7 =	sadd.s32 s7, s0;
	s0 =	sadd.s32 s6, s0;
	[dreg:$0x9] =	wrdreg s23  }
0x13: {  	s6 =	ssub.s32 s8, s17;
	[dreg:$0xa] =	wrdreg s1;
	s17 =	simm.s32 $0x11  }
0x14: {  	s20 =	simm.s32 $0x7000;
	s22 =	simm.s32 $0x9000;
	s8 =	simm.s32 $0x1  }
0x15: {  	s21 =	simm.s32 $0x6;
	s23 =	simm.s32 $0x7;
	s24 =	sadd.s32 $0xBC00, s7  }
.Ltmp0:
0x16: {  	s25 =	sadd.s32 $0x1C00, s7;
	[dreg:$0xb] =	wrdreg s24;
	(pc) =	sbr.rel .LBB2_1-.Ltmp0, $4  }
0x17: {  	s1 =	simm.s32 $0xD;
	s0 =	sadd.s32 $0x33C00, s0;
	[dreg:$0xc] =	wrdreg s25  }
0x18: {  	s26 =	smax.u32 s6, $0x1;
	s7 =	simm.s32 $0x13000;
	[dreg:$0xd] =	wrdreg s0  }
0x19: {  	s6 =	simm.s32 $0xC;
	[dreg:$0xe] =	wrdreg s26;
	s24 =	simm.s32 $0xB000  }
0x1a: {  	v0 =	vimm.f32 $0.0e+00;
	s26 =	simm.s32 $0xD000;
	s25 =	simm.s32 $0x8;
	s0 =	simm.s32 $0xB  }
.LBB2_9:
0x1b: {  	_ =	swait.ge [sflag:s30], $0x2000  }
0x1c: {  	[sflag:s30] =	ssyncset.done $0x0  }
0x1d: {  	[sflag:s30] =	ssyncadd.s32 $0xFFFFE000  }
0x1e: {  	_ =	swait.ge [sflag:s0], $0x2000  }
0x1f: {  	[sflag:s0] =	ssyncset.done $0x0  }
0x20: {  	[sflag:s0] =	ssyncadd.s32 $0xFFFFE000  }
0x21: {  	_ =	swait.ge [sflag:s6], $0x2000  }
0x22: {  	[sflag:s6] =	ssyncset.done $0x0  }
0x23: {  	[sflag:s6] =	ssyncadd.s32 $0xFFFFE000  }
0x24: {  	_ =	swait.ge [sflag:s1], $0x2000  }
0x25: {  	[sflag:s1] =	ssyncset.done $0x0  }
0x26: {  	[sflag:s1] =	ssyncadd.s32 $0xFFFFE000  }
0x27: {  	_ =	swait.ge [sflag:s12], $0x2000  }
0x28: {  	[sflag:s12] =	ssyncset.done $0x0  }
0x29: {  	[sflag:s12] =	ssyncadd.s32 $0xFFFFE000  }
0x2a: {  	_ =	swait.ge [sflag:s13], $0x2000  }
0x2b: {  	[sflag:s13] =	ssyncset.done $0x0  }
0x2c: {  	[sflag:s13] =	ssyncadd.s32 $0xFFFFE000  }
0x2d: {  	_ =	swait.ge [sflag:s14], $0x2000  }
0x2e: {  	[sflag:s14] =	ssyncset.done $0x0  }
0x2f: {  	[sflag:s14] =	ssyncadd.s32 $0xFFFFE000  }
0x30: {  	s3 =	stileid.u32;
	[bflag:$0x0] =	sbarrier.arrive $0xFFFF  }
0x31: {  	s3 =	sshll.u32 s3, $0x6;
	s5 =	rddreg [dreg:$0x4]  }
0x32: {  	s3 =	sor.u32 $0x1C11, s3;
	s15 =	rddreg [dreg:$0xd];
	s5 =	sshrl.u32 s5, $0x3  }
0x33: {  	[hbm:s15], [sflag:s3] =	dma.local [spmem:s5], $0x1400  }
0x34: {  	_ =	swait.ge [sflag:s17], $0x1400  }
0x35: {  	s3 =	rddreg [dreg:$0x3]  }
0x36: {  	s5 =	rddreg [dreg:$0xe];
	s15 =	sadd.s32 $0x1, s3  }
0x37: {  	p1 =	sne.s32 s15, s5  }
.Ltmp1:
0x38: {  	_ = 	snop;
	(pc) =	sbr.rel @!p1 .LBB2_10-.Ltmp1, $3  }
0x39: {  	_ =	sdelay $0x1  }
0x3a: {  	[sflag:s17] =	ssyncset.done $0x0  }
0x3b: {  	[sflag:s17] =	ssyncadd.s32 $0xFFFFEC00  }
.LBB2_1:
.Ltmp2:
0x3c: {  	(pc) =	sbr.rel @!p0 .LBB2_2-.Ltmp2, $2  }
0x3d: {  	_ =	sdelay $0x2  }
0x3e: {  	[dreg:$0x3] =	wrdreg s15  }
0x3f: {  	s15 =	simm.s32 $0x100;
	s5 =	simm.s32 $0x0  }
.LBB2_4:
0x40: {  	p1 =	sne.s32 s15, $0x7F00;
	[tilespmem:s5+$0x5030] =	vst v0;
	s3 =	smov.u32 s15;
	s15 =	sadd.s32 $0x100, s15  }
.Ltmp3:
0x41: {  	[tilespmem:s5+$0x5020] =	vst v0;
	(pc) =	sbr.rel @p1 .LBB2_4-.Ltmp3, $3  }
0x42: {  	[tilespmem:s5+$0x5000] =	vst v0  }
0x43: {  	[tilespmem:s5+$0x5010] =	vst v0;
	_ =	sdelay $0x1  }
0x44: {  	s5 =	sshra.s32 s3, $0x2  }
0x45: {  	[tilespmem:s5+$0x5030] =	vst v0  }
0x46: {  	[tilespmem:s5+$0x5020] =	vst v0  }
0x47: {  	[tilespmem:s5+$0x5000] =	vst v0  }
0x48: {  	[tilespmem:s5+$0x5010] =	vst v0;
	s3 =	rddreg [dreg:$0x5]  }
0x49: {  	[spmem:s3] =	stream.linear.scatter [tilespmem:s16], [sflag:$0x11], $0x2000, $0x38;
	[tilespmem:$0x1F000] =	vst v63  }
0x4a: {  	_ =	swait.ge [sflag:s17], $0x2000  }
0x4b: {  	[sflag:s17] =	ssyncset.done $0x0  }
0x4c: {  	s5 =	rddreg [dreg:$0x7];
	[sflag:s17] =	ssyncadd.s32 $0xFFFFE000  }
0x4d: {  	[spmem:s5] =	stream.linear.scatter [tilespmem:s16], [sflag:$0x11], $0x2000, $0x38;
	[tilespmem:$0x1F000] =	vst v63  }
0x4e: {  	_ =	swait.ge [sflag:s17], $0x2000  }
0x4f: {  	[sflag:s17] =	ssyncset.done $0x0  }
0x50: {  	s15 =	rddreg [dreg:$0x8];
	[sflag:s17] =	ssyncadd.s32 $0xFFFFE000  }
0x51: {  	[spmem:s15] =	stream.linear.scatter [tilespmem:s16], [sflag:$0x11], $0x2000, $0x38;
	[tilespmem:$0x1F000] =	vst v63  }
0x52: {  	_ =	swait.ge [sflag:s17], $0x2000  }
0x53: {  	[sflag:s17] =	ssyncset.done $0x0  }
0x54: {  	s5 =	rddreg [dreg:$0x9];
	[sflag:s17] =	ssyncadd.s32 $0xFFFFE000  }
0x55: {  	[spmem:s5] =	stream.linear.scatter [tilespmem:s16], [sflag:$0x11], $0x2000, $0x38;
	[tilespmem:$0x1F000] =	vst v63  }
0x56: {  	_ =	swait.ge [sflag:s17], $0x2000  }
0x57: {  	[sflag:s17] =	ssyncset.done $0x0  }
.Ltmp4:
0x58: {  	s15 =	rddreg [dreg:$0xa];
	[sflag:s17] =	ssyncadd.s32 $0xFFFFE000;
	(pc) =	sbr.rel .LBB2_6-.Ltmp4, $4  }
0x59: {  	[spmem:s15] =	stream.linear.scatter [tilespmem:s16], [sflag:$0x11], $0x2000, $0x38;
	[tilespmem:$0x1F000] =	vst v63  }
0x5a: {  	_ =	swait.ge [sflag:s17], $0x2000  }
0x5b: {  	[sflag:s17] =	ssyncset.done $0x0  }
0x5c: {  	[sflag:s17] =	ssyncadd.s32 $0xFFFFE000  }
.LBB2_2:
0x5d: {  	s3 =	stileid.u32  }
0x5e: {  	s15 =	rddreg [dreg:$0x4];
	s5 =	sshll.u32 s3, $0x6  }
0x5f: {  	s15 =	sshrl.u32 s15, $0x3;
	s3 =	rddreg [dreg:$0x6];
	s5 =	sor.u32 $0x1C11, s5  }
0x60: {  	[spmem:s15], [sflag:s5] =	dma.local [hbm:s3], $0x1400  }
0x61: {  	_ =	swait.ge [sflag:s17], $0x1400  }
0x62: {  	[sflag:s17] =	ssyncset.done $0x0  }
0x63: {  	[sflag:s17] =	ssyncadd.s32 $0xFFFFEC00  }
.LBB2_6:
0x64: {  	s15 =	simm.s32 $0x0;
	s3 =	rddreg [dreg:$0xb]  }
0x65: {  	[tilespmem:s15], [sflag:$0x11] =	stream.linear.gather [hbm4b:s3+s15], $0x2800, $0x38;
	[tilespmem:$0x1F000] =	vst v63  }
0x66: {  	_ =	swait.ge [sflag:s17], $0x2800  }
0x67: {  	[sflag:s17] =	ssyncset.done $0x0  }
0x68: {  	s5 =	simm.s32 $0x2800;
	s3 =	rddreg [dreg:$0xc];
	[sflag:s17] =	ssyncadd.s32 $0xFFFFD800  }
0x69: {  	[tilespmem:s5], [sflag:$0x11] =	stream.linear.gather [hbm4b:s3+s15], $0x2800, $0x38;
	[tilespmem:$0x1F000] =	vst v63  }
0x6a: {  	_ =	swait.ge [sflag:s17], $0x2800  }
0x6b: {  	[sflag:s17] =	ssyncset.done $0x0  }
0x6c: {  	[sflag:s17] =	ssyncadd.s32 $0xFFFFD800  }
0x6d: {  	[bflag:$0x0] =	sbarrier.arrive $0xFFFF  }
0x6e: {  	[tilespmem:s16], [sflag:$0x1] =	stream.indirect.gather [hbm4b:s4+s19], $0x40, s15, s19, $0xb8;
	[tilespmem:$0x1F000] =	vst v63  }
0x6f: {  	_ = 	snop  }
0x70: {  	[tilespmem:s20], [sflag:$0x2] =	stream.indirect.gather [hbm4b:s4+s19], $0x40, s19, s19, $0xb8;
	[tilespmem:$0x1F000] =	vst v63  }
0x71: {  	s5 =	simm.s32 $0x100  }
0x72: {  	[tilespmem:s22], [sflag:$0x3] =	stream.indirect.gather [hbm4b:s4+s19], $0x40, s5, s19, $0xb8;
	[tilespmem:$0x1F000] =	vst v63  }
0x73: {  	s5 =	simm.s32 $0x180  }
0x74: {  	[tilespmem:s24], [sflag:$0x4] =	stream.indirect.gather [hbm4b:s4+s19], $0x40, s5, s19, $0xb8;
	[tilespmem:$0x1F000] =	vst v63  }
0x75: {  	s5 =	simm.s32 $0x200  }
0x76: {  	[tilespmem:s26], [sflag:$0x5] =	stream.indirect.gather [hbm4b:s4+s19], $0x40, s5, s19, $0xb8;
	[tilespmem:$0x1F000] =	vst v63  }
0x77: {  	s5 =	simm.s32 $0x280  }
0x78: {  	[tilespmem:s29], [sflag:$0x6] =	stream.indirect.gather [hbm4b:s4+s19], $0x40, s5, s19, $0xb8;
	[tilespmem:$0x1F000] =	vst v63  }
0x79: {  	s5 =	simm.s32 $0x300  }
0x7a: {  	[tilespmem:s31], [sflag:$0x7] =	stream.indirect.gather [hbm4b:s4+s19], $0x40, s5, s19, $0xb8;
	[tilespmem:$0x1F000] =	vst v63  }
0x7b: {  	s5 =	simm.s32 $0x380  }
0x7c: {  	[tilespmem:s7], [sflag:$0x8] =	stream.indirect.gather [hbm4b:s4+s19], $0x40, s5, s19, $0xb8;
	[tilespmem:$0x1F000] =	vst v63  }
.LBB2_7:
0x7d: {  	_ =	swait.ge [sflag:s8], $0x2000  }
0x7e: {  	s5 =	sshra.s32 s15, $0x2;
	[sflag:s8] =	ssyncset.done $0x0  }
0x7f: {  	s3 =	sadd.s32 $0x2800, s5;
	[sflag:s8] =	ssyncadd.s32 $0xFFFFE000  }
0x80: {  	[spmem:s2] =	stream.indirect.scatter.add.f32 [tilespmem:s16], [sflag:$0x9], $0x40, s3, s19, $0xb8;
	[tilespmem:$0x1F000] =	vst v63  }
0x81: {  	_ =	swait.ge [sflag:s9], $0x2000  }
0x82: {  	[sflag:s9] =	ssyncset.done $0x0  }
0x83: {  	s3 =	sadd.s32 $0x2880, s5;
	[sflag:s9] =	ssyncadd.s32 $0xFFFFE000  }
0x84: {  	[spmem:s2] =	stream.indirect.scatter.add.f32 [tilespmem:s20], [sflag:$0xA], $0x40, s3, s19, $0xb8;
	[tilespmem:$0x1F000] =	vst v63  }
0x85: {  	_ =	swait.ge [sflag:s10], $0x2000  }
0x86: {  	[sflag:s10] =	ssyncset.done $0x0  }
0x87: {  	s3 =	sadd.s32 $0x2900, s5;
	[sflag:s10] =	ssyncadd.s32 $0xFFFFE000  }
0x88: {  	[spmem:s2] =	stream.indirect.scatter.add.f32 [tilespmem:s22], [sflag:$0xB], $0x40, s3, s19, $0xb8;
	[tilespmem:$0x1F000] =	vst v63  }
0x89: {  	_ =	swait.ge [sflag:s18], $0x2000  }
0x8a: {  	[sflag:s18] =	ssyncset.done $0x0  }
0x8b: {  	s3 =	sadd.s32 $0x2980, s5;
	[sflag:s18] =	ssyncadd.s32 $0xFFFFE000  }
0x8c: {  	[spmem:s2] =	stream.indirect.scatter.add.f32 [tilespmem:s24], [sflag:$0xC], $0x40, s3, s19, $0xb8;
	[tilespmem:$0x1F000] =	vst v63  }
0x8d: {  	_ =	swait.ge [sflag:s11], $0x2000  }
0x8e: {  	[sflag:s11] =	ssyncset.done $0x0  }
0x8f: {  	s3 =	sadd.s32 $0x2A00, s5;
	[sflag:s11] =	ssyncadd.s32 $0xFFFFE000  }
0x90: {  	[spmem:s2] =	stream.indirect.scatter.add.f32 [tilespmem:s26], [sflag:$0xD], $0x40, s3, s19, $0xb8;
	[tilespmem:$0x1F000] =	vst v63  }
0x91: {  	_ =	swait.ge [sflag:s21], $0x2000  }
0x92: {  	[sflag:s21] =	ssyncset.done $0x0  }
0x93: {  	s3 =	sadd.s32 $0x2A80, s5;
	[sflag:s21] =	ssyncadd.s32 $0xFFFFE000  }
0x94: {  	[spmem:s2] =	stream.indirect.scatter.add.f32 [tilespmem:s29], [sflag:$0xE], $0x40, s3, s19, $0xb8;
	[tilespmem:$0x1F000] =	vst v63  }
0x95: {  	_ =	swait.ge [sflag:s23], $0x2000  }
0x96: {  	[sflag:s23] =	ssyncset.done $0x0  }
0x97: {  	s3 =	sadd.s32 $0x2B00, s5;
	[sflag:s23] =	ssyncadd.s32 $0xFFFFE000  }
0x98: {  	[spmem:s2] =	stream.indirect.scatter.add.f32 [tilespmem:s31], [sflag:$0xF], $0x40, s3, s19, $0xb8;
	[tilespmem:$0x1F000] =	vst v63  }
0x99: {  	_ =	swait.ge [sflag:s25], $0x2000  }
0x9a: {  	p1 =	seq.s32 s15, $0x9000;
	[sflag:s25] =	ssyncset.done $0x0  }
.Ltmp5:
0x9b: {  	s3 =	sadd.s32 $0x2B80, s5;
	[sflag:s25] =	ssyncadd.s32 $0xFFFFE000;
	(pc) =	sbr.rel @p1 .LBB2_9-.Ltmp5, $4  }
0x9c: {  	[spmem:s2] =	stream.indirect.scatter.add.f32 [tilespmem:s7], [sflag:$0x10], $0x40, s3, s19, $0xb8;
	[tilespmem:$0x1F000] =	vst v63  }
0x9d: {  	_ =	swait.ge [sflag:s28], $0x2000  }
0x9e: {  	[sflag:s28] =	ssyncset.done $0x0  }
0x9f: {  	[sflag:s28] =	ssyncadd.s32 $0xFFFFE000  }
0xa0: {  	s3 =	sadd.s32 $0x400, s5  }
0xa1: {  	[tilespmem:s16], [sflag:$0x1] =	stream.indirect.gather [hbm4b:s4+s19], $0x40, s3, s19, $0xb8;
	[tilespmem:$0x1F000] =	vst v63  }
0xa2: {  	_ =	swait.ge [sflag:s30], $0x2000  }
0xa3: {  	[sflag:s30] =	ssyncset.done $0x0  }
0xa4: {  	s3 =	sadd.s32 $0x480, s5;
	[sflag:s30] =	ssyncadd.s32 $0xFFFFE000  }
0xa5: {  	[tilespmem:s20], [sflag:$0x2] =	stream.indirect.gather [hbm4b:s4+s19], $0x40, s3, s19, $0xb8;
	[tilespmem:$0x1F000] =	vst v63  }
0xa6: {  	_ =	swait.ge [sflag:s0], $0x2000  }
0xa7: {  	[sflag:s0] =	ssyncset.done $0x0  }
0xa8: {  	s3 =	sadd.s32 $0x500, s5;
	[sflag:s0] =	ssyncadd.s32 $0xFFFFE000  }
0xa9: {  	[tilespmem:s22], [sflag:$0x3] =	stream.indirect.gather [hbm4b:s4+s19], $0x40, s3, s19, $0xb8;
	[tilespmem:$0x1F000] =	vst v63  }
0xaa: {  	_ =	swait.ge [sflag:s6], $0x2000  }
0xab: {  	[sflag:s6] =	ssyncset.done $0x0  }
0xac: {  	s3 =	sadd.s32 $0x580, s5;
	[sflag:s6] =	ssyncadd.s32 $0xFFFFE000  }
0xad: {  	[tilespmem:s24], [sflag:$0x4] =	stream.indirect.gather [hbm4b:s4+s19], $0x40, s3, s19, $0xb8;
	[tilespmem:$0x1F000] =	vst v63  }
0xae: {  	_ =	swait.ge [sflag:s1], $0x2000  }
0xaf: {  	[sflag:s1] =	ssyncset.done $0x0  }
0xb0: {  	s3 =	sadd.s32 $0x600, s5;
	[sflag:s1] =	ssyncadd.s32 $0xFFFFE000  }
0xb1: {  	[tilespmem:s26], [sflag:$0x5] =	stream.indirect.gather [hbm4b:s4+s19], $0x40, s3, s19, $0xb8;
	[tilespmem:$0x1F000] =	vst v63  }
0xb2: {  	_ =	swait.ge [sflag:s12], $0x2000  }
0xb3: {  	[sflag:s12] =	ssyncset.done $0x0  }
0xb4: {  	s3 =	sadd.s32 $0x680, s5;
	[sflag:s12] =	ssyncadd.s32 $0xFFFFE000  }
0xb5: {  	[tilespmem:s29], [sflag:$0x6] =	stream.indirect.gather [hbm4b:s4+s19], $0x40, s3, s19, $0xb8;
	[tilespmem:$0x1F000] =	vst v63  }
0xb6: {  	_ =	swait.ge [sflag:s13], $0x2000  }
0xb7: {  	[sflag:s13] =	ssyncset.done $0x0  }
0xb8: {  	s3 =	sadd.s32 $0x700, s5;
	[sflag:s13] =	ssyncadd.s32 $0xFFFFE000  }
0xb9: {  	[tilespmem:s31], [sflag:$0x7] =	stream.indirect.gather [hbm4b:s4+s19], $0x40, s3, s19, $0xb8;
	[tilespmem:$0x1F000] =	vst v63  }
.Ltmp6:
0xba: {  	_ = 	snop;
	(pc) =	sbr.rel .LBB2_7-.Ltmp6, $4  }
0xbb: {  	_ =	swait.ge [sflag:s14], $0x2000  }
0xbc: {  	[sflag:s14] =	ssyncset.done $0x0  }
0xbd: {  	s15 =	sadd.s32 $0x1000, s15;
	s5 =	sadd.s32 $0x780, s5;
	[sflag:s14] =	ssyncadd.s32 $0xFFFFE000  }
0xbe: {  	[tilespmem:s7], [sflag:$0x8] =	stream.indirect.gather [hbm4b:s4+s19], $0x40, s5, s19, $0xb8;
	[tilespmem:$0x1F000] =	vst v63  }
.LBB2_10:
0xbf: {  	_ =	sfence.sel $0x180000  }
0xc0: {  	[bflag:$0x0] =	sbarrier.arrive $0xFFFF  }
0xc1: {  	_ =	strace $0x9000004A  }
0xc2: {  	s0 =	stileid.u32;
	[bflag:$0x2] =	sbarrier.arrive $0xFFFF  }
0xc3: {  	p0 =	sne.s32 s0, $0x0;
	s0 =	rddreg [dreg:$0x2]  }
0xc4: {  	s0 =	sadd.s32 @!p0 $0x100000, s0  }
0xc5: {  	[sflag:s0] =	ssyncadd.tile.s32 @!p0 $0x1;
	_ =	shalt  }
.Lfunc_end2:
_tile_overlayer_lowered:
.L_overlay_start_2:
0xc6: {  	(tag) =	ssettag $0x2  }
0xc7: {  	s0 =	rddreg [dreg:$0x0];
	s2 =	stileid.u32  }
0xc8: {  	s1 =	rddreg [dreg:$0x1];
	p0 =	sne.s32 s2, $0x0  }
0xc9: {  	s3 =	rddreg [dreg:$0x2];
	[bflag:$0x3] =	sbarrier.arrive $0xFFFF;
	s2 =	simm.s32 @!p0 $0x1C11  }
0xca: {  	[timem:s3], [sflag:s2] =	dma.local @!p0 [hbm:s0], s1  }
0xcb: {  	s0 =	simm.s32 @!p0 $0x11  }
0xcc: {  	_ =	swait.ge @!p0 [sflag:s0], s1  }
0xcd: {  	s1 =	ssub.s32 @!p0 $0x0, s1;
	[sflag:s0] =	ssyncset.done @!p0 $0x0  }
0xce: {  	[sflag:s0] =	ssyncadd.s32 @!p0 s1  }
0xcf: {  	[bflag:$0x3] =	sbarrier.arrive $0xFFFF  }
0xd0: {  	_ =	shalt  }

// kernel: kernel.14.cloned.1.call-start
scs
__scs_entry_jumppad:
0x0: {  	(pc) =	sbr.rel $0x88, $3  }
0x1: {  	(tag) =	ssettag $0x0;
	lr =	simm.s32 $0x1  }
0x2: {  	[smem:$0x3F9B] =	sst lr;
	_ =	strace $0xD0000000  }
0x3: {  	_ = 	snop  }
0x4: {  	_ = 	snop  }
0x5: {  	_ = 	snop  }
0x6: {  	_ = 	snop  }
0x7: {  	_ = 	snop  }
__scs_overlays_trampoline_lowered:
0x8: {  	[smem:$0x3FAA] =	sst s0  }
0x9: {  	[smem:$0x3FAB] =	sst s1  }
0xa: {  	[smem:$0x3FAC] =	sst s2  }
0xb: {  	[smem:$0x3FAD] =	sst s3  }
0xc: {  	[smem:$0x3FAE] =	sst s4  }
0xd: {  	[smem:$0x3FAF] =	sst s5  }
0xe: {  	[smem:$0x3FB0] =	sst s6  }
0xf: {  	[smem:$0x3FB1] =	sst s7  }
0x10: {  	[smem:$0x3FB2] =	sst s8  }
0x11: {  	[smem:$0x3FB3] =	sst s9;
	s0 =	simm.s32 @!p0 $0x0  }
0x12: {  	s1 =	sld [smem:$0x3F99];
	s0 =	simm.s32 @p0 $0x1  }
0x13: {  	[smem:$0x3FB4] =	sst s0;
	s0 =	simm.s32 @!p1 $0x0  }
0x14: {  	s2 =	sld [smem:$0x3F98];
	s0 =	simm.s32 @p1 $0x1  }
0x15: {  	[smem:$0x3FB5] =	sst s0;
	s0 =	simm.s32 @!p2 $0x0  }
0x16: {  	s3 =	sld [smem:$0x3FDB];
	s0 =	simm.s32 @p2 $0x1  }
0x17: {  	s4 =	simm.s32 $0x1BF5;
	[smem:$0x3FB7] =	sst s0  }
0x18: {  	s0 =	sld [smem:$0x3F9A];
	_ =	swait.ge [sflag:s4], $0x0  }
0x19: {  	s7 =	sld [smem:$0x3F9B]  }
0x1a: {  	s8 =	sadd.s32 $0xFFFFE003, lr  }
0x1b: {  	s9 =	sadd.s32 $0xFFFFFEF7, lr;
	s5 =	simm.s32 $0xFFFFFFFF;
	p2 =	slt.u32 s8, $0xFFFFF086  }
0x1c: {  	p1 =	slt.u32 s9, $0xF7A;
	s5 =	simm.s32 @!p2 $0x0  }
0x1d: {  	s5 =	simm.s32 @p1 $0x1;
	p0 =	seq.s32 s7, s2  }
0x1e: {  	s7 =	smul.u32 @!p0 $0xF7A, s2;
	p2 =	seq.s32 @!p0 s5, $0x0  }
0x1f: {  	s9 =	smul.u32 $0xF7A, s1;
	s8 =	simm.s32 @!p0 $0x1BF5;
	p2 =	por !p2, p0  }
0x20: {  	[sflag:s8] =	ssyncset.s32 @!p0 $0xFFFFF086;
	s6 =	sadd.s32 @!p0 s3, s7;
	s7 =	simm.s32 @!p0 $0x108  }
0x21: {  	s3 =	sadd.s32 s3, s9;
	s6 =	sadd.s32 @!p0 $0x88, s6;
	s7 =	simm.s32 @p2 $0x1082  }
0x22: {  	[simem:s7], [sflag:s8] =	dma.local @!p0 [hbm:s6], $0xF7A  }
0x23: {  	s9 =	sor.u32 $0xD0000000, s2;
	s6 =	simm.s32 $0x108;
	_ =	swait.ge @!p0 [sflag:s8], $0x0  }
0x24: {  	s3 =	sadd.s32 $0x88, s3;
	s6 =	simm.s32 @!p1 $0x1082;
	[sflag:s4] =	ssyncset.s32 $0xFFFFF086  }
0x25: {  	[simem:s6], [sflag:s4] =	dma.local [hbm:s3], $0xF7A  }
0x26: {  	[smem:$0x3F9B] =	sst s1;
	(tag) =	ssettag s2;
	_ =	strace s9  }
0x27: {  	s1 =	sld [smem:$0x3FAB]  }
0x28: {  	s2 =	sld [smem:$0x3FAC]  }
0x29: {  	s4 =	sld [smem:$0x3FAE]  }
0x2a: {  	p0 =	seq.s32 s5, $0x0;
	s5 =	sld [smem:$0x3FAF]  }
0x2b: {  	s6 =	sld [smem:$0x3FB0]  }
0x2c: {  	s7 =	sld [smem:$0x3FB1]  }
0x2d: {  	s3 =	simm.s32 $0x108;
	s8 =	sld [smem:$0x3FB2]  }
0x2e: {  	s3 =	simm.s32 @!p0 $0x1082;
	s9 =	sld [smem:$0x3FB3]  }
0x2f: {  	lr =	sadd.s32 s0, s3;
	s0 =	sld [smem:$0x3FAA]  }
0x30: {  	s3 =	sld [smem:$0x3FAD]  }
0x31: {  	[smem:$0x3FB6] =	sst s10  }
0x32: {  	s10 =	sld [smem:$0x3FB4];
	_ =	sdelay $0x3  }
0x33: {  	p0 =	seq.s32 s10, $0x1;
	s10 =	sld [smem:$0x3FB6];
	_ =	sdelay $0x3  }
0x34: {  	[smem:$0x3FB6] =	sst s10  }
0x35: {  	s10 =	sld [smem:$0x3FB5];
	_ =	sdelay $0x3  }
0x36: {  	p1 =	seq.s32 s10, $0x1;
	s10 =	sld [smem:$0x3FB6];
	_ =	sdelay $0x3  }
0x37: {  	[smem:$0x3FB6] =	sst s10  }
0x38: {  	s10 =	sld [smem:$0x3FB7]  }
0x39: {  	_ = 	snop;
	(pc) =	sbr.ind lr, $3  }
0x3a: {  	_ = 	snop  }
0x3b: {  	_ = 	snop  }
0x3c: {  	p2 =	seq.s32 s10, $0x1;
	s10 =	sld [smem:$0x3FB6]  }
0x3d: {  	_ =	shalt  }
0x3e: {  	_ =	shalt  }
0x3f: {  	_ =	shalt  }
0x40: {  	_ =	shalt  }
0x41: {  	_ =	shalt  }
0x42: {  	_ =	shalt  }
0x43: {  	_ =	shalt  }
0x44: {  	_ =	shalt  }
0x45: {  	_ =	shalt  }
0x46: {  	_ =	shalt  }
0x47: {  	_ =	shalt  }
0x48: {  	_ =	shalt  }
0x49: {  	_ =	shalt  }
0x4a: {  	_ =	shalt  }
0x4b: {  	_ =	shalt  }
0x4c: {  	_ =	shalt  }
0x4d: {  	_ =	shalt  }
0x4e: {  	_ =	shalt  }
0x4f: {  	_ =	shalt  }
0x50: {  	_ =	shalt  }
0x51: {  	_ =	shalt  }
0x52: {  	_ =	shalt  }
0x53: {  	_ =	shalt  }
0x54: {  	_ =	shalt  }
0x55: {  	_ =	shalt  }
0x56: {  	_ =	shalt  }
0x57: {  	_ =	shalt  }
0x58: {  	_ =	shalt  }
0x59: {  	_ =	shalt  }
0x5a: {  	_ =	shalt  }
0x5b: {  	_ =	shalt  }
0x5c: {  	_ =	shalt  }
0x5d: {  	_ =	shalt  }
0x5e: {  	_ =	shalt  }
0x5f: {  	_ =	shalt  }
0x60: {  	_ =	shalt  }
0x61: {  	_ =	shalt  }
0x62: {  	_ =	shalt  }
0x63: {  	_ =	shalt  }
0x64: {  	_ =	shalt  }
0x65: {  	_ =	shalt  }
0x66: {  	_ =	shalt  }
0x67: {  	_ =	shalt  }
0x68: {  	_ =	shalt  }
0x69: {  	_ =	shalt  }
0x6a: {  	_ =	shalt  }
0x6b: {  	_ =	shalt  }
0x6c: {  	_ =	shalt  }
0x6d: {  	_ =	shalt  }
0x6e: {  	_ =	shalt  }
0x6f: {  	_ =	shalt  }
0x70: {  	_ =	shalt  }
0x71: {  	_ =	shalt  }
0x72: {  	_ =	shalt  }
0x73: {  	_ =	shalt  }
0x74: {  	_ =	shalt  }
0x75: {  	_ =	shalt  }
0x76: {  	_ =	shalt  }
0x77: {  	_ =	shalt  }
0x78: {  	_ =	shalt  }
0x79: {  	_ =	shalt  }
0x7a: {  	_ =	shalt  }
0x7b: {  	_ =	shalt  }
0x7c: {  	_ =	shalt  }
0x7d: {  	_ =	shalt  }
0x7e: {  	_ =	shalt  }
0x7f: {  	_ =	shalt  }
0x80: {  	_ =	shalt  }
0x81: {  	_ =	shalt  }
0x82: {  	_ =	shalt  }
0x83: {  	_ =	shalt  }
0x84: {  	_ =	shalt  }
0x85: {  	_ =	shalt  }
0x86: {  	_ =	shalt  }
0x87: {  	_ =	shalt  }
.Lfunc_end0:
.L_simem_size_0:
called_computation.2_lowered:
.L_overlay_start_0:
0x88: {  	s2 =	sld [smem:$0x3FD9]  }
0x89: {  	s3 =	sld [smem:$0x3FFE];
	_ =	sdelay $0x1  }
0x8a: {  	s1 =	srdreg.scid  }
0x8b: {  	s0 =	sand.u32 $0x1, s1  }
0x8c: {  	s16 =	sshll.u32 s0, $0xA;
	s2 =	sadd.s32 s3, s2  }
0x8d: {  	s2 =	sadd.s32 s2, s16  }
0x8e: {  	[smem:$0x3FC2] =	sst s2  }
0x8f: {  	_ = 	snop  }
0x90: {  	(tm) =	ssettm $0x1  }
0x91: {  	s17 =	sld [smem:$0x3FFB];
	_ =	sdelay $0x3  }
0x92: {  	_ =	strace s17  }
0x93: {  	s2 =	sld [smem:$0x3FFC];
	_ =	sdelay $0x3  }
0x94: {  	_ =	strace s2  }
0x95: {  	s2 =	sld [smem:$0x3FFD];
	_ =	sdelay $0x3  }
0x96: {  	_ =	strace s2  }
0x97: {  	_ =	strace $0x8FFFFFFF  }
0x98: {  	s18 =	sld [smem:$0x3FDB];
	_ =	sdelay $0x1  }
0x99: {  	s19 =	simm.s32 $_scs_section_size  }
0x9a: {  	s4 =	simm.s32 $_size__tile_overlayer_lowered;
	s5 =	simm.s32 $_tile_overlayer_lowered  }
0x9b: {  	s22 =	simm.s32 $0x1BFF;
	s21 =	sshll.u32 s5, $0x1;
	s2 =	sadd.s32 s19, s18  }
0x9c: {  	s6 =	simm.s32 $0x0;
	s20 =	sshll.u32 s4, $0x1;
	s4 =	sadd.s32 s21, s2  }
0x9d: {  	[timem:s6], [sflag:s22] =	dma.local [hbm:s4], s20  }
0x9e: {  	_ =	swait.ge [sflag:s22], s20  }
0x9f: {  	s3 =	ssub.s32 $0x0, s20;
	[sflag:s22] =	ssyncset.done $0x0  }
0xa0: {  	[sflag:s22] =	ssyncadd.s32 s3;
	_ =	sdelay $0x1  }
0xa1: {  	s23 =	simm.s32 $0x1B8B  }
0xa2: {  	_ =	swait.ge [sflag:s23], $0x1  }
0xa3: {  	[sflag:s23] =	ssyncset.done $0x0  }
0xa4: {  	s25 =	simm.s32 $0x1B8E;
	s24 =	sld [smem:$0x3FFE];
	[sflag:s23] =	ssyncadd.s32 $0xFFFFFFFF  }
0xa5: {  	s26 =	simm.s32 $execute0_lowered;
	[smem:$0x3FD2] =	sst s25  }
0xa6: {  	s4 =	sshll.u32 s26, $0x1;
	_ =	strace $0x8000004C;
	[dreg:$0x1] =	wrdreg $0xFFFFFFFF  }
0xa7: {  	s28 =	simm.s32 $_size_execute0_lowered;
	s2 =	sadd.s32 s2, s4;
	[dreg:$0x0] =	wrdreg $0x0  }
0xa8: {  	s4 =	sshll.u32 s28, $0x1;
	[dreg:$0x2] =	wrdreg s2  }
0xa9: {  	[dreg:$0x3] =	wrdreg s4  }
0xaa: {  	[dreg:$0x4] =	wrdreg $0xC0  }
0xab: {  	_ =	task [dreg:s6], $0x5FFFF  }
0xac: {  	[dreg:$0x1] =	wrdreg $0xFFFFFFFF  }
0xad: {  	[dreg:$0x0] =	wrdreg $0x60  }
0xae: {  	[dreg:$0x2] =	wrdreg s24  }
0xaf: {  	[dreg:$0x3] =	wrdreg $0x90000  }
0xb0: {  	[dreg:$0x4] =	wrdreg $0xB8000  }
0xb1: {  	[dreg:$0x5] =	wrdreg $0x9  }
0xb2: {  	_ =	task.clear_ibuf [dreg:s6], $0x6FFFF;
	_ =	strace $0x9000004C  }
0xb3: {  	s29 =	simm.s32 $0x9;
	_ =	strace $0x8000004E  }
0xb4: {  	_ =	swait.ge [sflag:s29], $0x1  }
0xb5: {  	[sflag:s29] =	ssyncadd.s32 $0xFFFFFFFF  }
0xb6: {  	_ =	strace $0x9000004E  }
0xb7: {  	_ =	sfence  }
0xb8: {  	s30 =	sld [smem:$0x0];
	_ =	sdelay $0x2  }
0xb9: {  	s31 =	sshll.u32 s1, $0xD;
	s1 =	sshrl.u32 s1, $0x2  }
0xba: {  	s3 =	sand.u32 $0x4000, s31;
	s1 =	sadd.s32 s1, s30  }
0xbb: {  	s0 =	sor.u32 s3, s0;
	s1 =	sshll.u32 s1, $0x11  }
0xbc: {  	s0 =	sor.u32 s1, s0  }
0xbd: {  	s0 =	sadd.s32 $0x8F2B, s0  }
0xbe: {  	[sflag:s0] =	ssyncadd.remote.s32 $0x1  }
0xbf: {  	_ =	sfence.sel $0xFFFF  }
0xc0: {  	[dreg:$0x0] =	wrdreg $0xFFFFFFFF;
	(pc) =	sbr.abs _section_cstart, $3  }
0xc1: {  	[dreg:$0x1] =	wrdreg $0xFFFFFFFF  }
0xc2: {  	_ =	task.clear_ibuf [dreg:s6], $0x2FFFF;
	_ =	strace $0x9FFFFFFF  }
0xc3: {  	(tm) =	ssettm $0x7FFFFFFF  }
tec
execute0_lowered:
.L_overlay_start_1:
0x0: {  	(tag) =	ssettag $0x1  }
0x1: {  	s0 =	rddreg [dreg:$0x0]  }
0x2: {  	s2 =	rddreg [dreg:$0x1];
	s1 =	srdreg.scid  }
0x3: {  	s3 =	rddreg [dreg:$0x2];
	s4 =	stileid.u32  }
0x4: {  	s9 =	simm.s32 $0x0;
	s8 =	simm.s32 $0x0;
	s28 =	simm.s32 $0x7000  }
0x5: {  	s30 =	simm.s32 $0x7800;
	s29 =	simm.s32 $0x8;
	s31 =	simm.s32 $0x9  }
0x6: {  	s12 =	simm.s32 $0xB;
	s5 =	smul.u32 $0x2800, s4;
	[dreg:$0x4] =	wrdreg s8  }
0x7: {  	s1 =	sand.u32 $0x1, s1;
	[smem:$0x7FF] =	sst s9;
	s10 =	smul.u32 $0xA000, s4  }
0x8: {  	s11 =	sshll.u32 s4, $0x6;
	s9 =	simm.s32 $0x1;
	s6 =	sshll.u32 s1, $0x4  }
0x9: {  	s7 =	smul.u32 $0x28000, s1;
	_ =	strace $0x8000004D;
	s14 =	ssub.s32 $0x2, s1  }
0xa: {  	s11 =	sor.u32 $0x1C11, s11;
	p0 =	seq.s32 s1, $0x1;
	s6 =	sor.u32 s4, s6  }
0xb: {  	s13 =	sshrl.u32 s5, $0x3;
	s15 =	sshrl.u32 s14, $0x1;
	s16 =	sadd.s32 s5, s2  }
0xc: {  	s17 =	sshrl.u32 s10, $0x2;
	s18 =	sadd.s32 s5, s3;
	s10 =	simm.s32 $0x2  }
0xd: {  	s6 =	smul.u32 $0x500, s6;
	s8 =	sadd.s32 s13, s0;
	s7 =	sadd.s32 s5, s7  }
0xe: {  	[dreg:$0x7] =	wrdreg s18;
	s19 =	sadd.s32 s17, s3;
	s26 =	sshrl.u32 s16, $0x3  }
0xf: {  	s17 =	simm.s32 $0x11;
	s18 =	simm.s32 $0x5000;
	s13 =	simm.s32 $0xC  }
0x10: {  	s16 =	simm.s32 $0xF;
	s5 =	simm.s32 $0x10;
	s7 =	sshrl.u32 s7, $0x3  }
0x11: {  	s4 =	sadd.s32 $0x1FC00, s8;
	s20 =	sadd.s32 $0x800, s19;
	s21 =	sadd.s32 $0x1000, s19  }
0x12: {  	s22 =	sadd.s32 $0x1800, s19;
	s1 =	sadd.s32 $0x2000, s19;
	[dreg:$0x10] =	wrdreg s26  }
0x13: {  	s8 =	simm.s32 $0x8800;
	s19 =	simm.s32 $0x4;
	[dreg:$0x8] =	wrdreg s20  }
0x14: {  	s26 =	simm.s32 $0x7;
	s6 =	sadd.s32 s6, s0;
	[dreg:$0x9] =	wrdreg s21  }
0x15: {  	s0 =	sadd.s32 s7, s0;
	s7 =	ssub.s32 s14, s15;
	[dreg:$0xa] =	wrdreg s22  }
0x16: {  	[dreg:$0xb] =	wrdreg s1;
	s20 =	simm.s32 $0x80;
	s21 =	simm.s32 $0x5800  }
0x17: {  	s22 =	simm.s32 $0x5;
	s1 =	simm.s32 $0xA;
	s14 =	simm.s32 $0xD  }
0x18: {  	s15 =	simm.s32 $0xE;
	[dreg:$0x5] =	wrdreg s4;
	s23 =	sadd.s32 $0xBC00, s6  }
.Ltmp0:
0x19: {  	s24 =	sadd.s32 $0x1C00, s6;
	[dreg:$0xc] =	wrdreg s23;
	(pc) =	sbr.rel .LBB2_1-.Ltmp0, $4  }
0x1a: {  	s0 =	sadd.s32 $0x24C00, s0;
	s25 =	smax.u32 s7, $0x1;
	[dreg:$0xd] =	wrdreg s24  }
0x1b: {  	s7 =	smov.u32 s11;
	s11 =	simm.s32 $0x3;
	[dreg:$0xe] =	wrdreg s0  }
0x1c: {  	[dreg:$0xf] =	wrdreg s25;
	s23 =	simm.s32 $0x6000;
	s25 =	simm.s32 $0x6800  }
0x1d: {  	v0 =	vimm.f32 $0.0e+00;
	s0 =	simm.s32 $0x8000;
	s24 =	simm.s32 $0x6;
	[dreg:$0x6] =	wrdreg s7  }
.LBB2_9:
0x1e: {  	_ =	swait.ge [sflag:s1], $0x800  }
0x1f: {  	[sflag:s1] =	ssyncset.done $0x0  }
0x20: {  	[sflag:s1] =	ssyncadd.s32 $0xFFFFF800  }
0x21: {  	_ =	swait.ge [sflag:s12], $0x800  }
0x22: {  	[sflag:s12] =	ssyncset.done $0x0  }
0x23: {  	[sflag:s12] =	ssyncadd.s32 $0xFFFFF800  }
0x24: {  	_ =	swait.ge [sflag:s13], $0x800  }
0x25: {  	[sflag:s13] =	ssyncset.done $0x0  }
0x26: {  	[sflag:s13] =	ssyncadd.s32 $0xFFFFF800  }
0x27: {  	_ =	swait.ge [sflag:s14], $0x800  }
0x28: {  	[sflag:s14] =	ssyncset.done $0x0  }
0x29: {  	[sflag:s14] =	ssyncadd.s32 $0xFFFFF800  }
0x2a: {  	_ =	swait.ge [sflag:s15], $0x800  }
0x2b: {  	[sflag:s15] =	ssyncset.done $0x0  }
0x2c: {  	[sflag:s15] =	ssyncadd.s32 $0xFFFFF800  }
0x2d: {  	_ =	swait.ge [sflag:s16], $0x800  }
0x2e: {  	[sflag:s16] =	ssyncset.done $0x0  }
0x2f: {  	[sflag:s16] =	ssyncadd.s32 $0xFFFFF800  }
0x30: {  	_ =	swait.ge [sflag:s5], $0x800  }
0x31: {  	[sflag:s5] =	ssyncset.done $0x0  }
0x32: {  	[sflag:s5] =	ssyncadd.s32 $0xFFFFF800  }
0x33: {  	[bflag:$0x0] =	sbarrier.arrive $0xFFFF  }
0x34: {  	s4 =	rddreg [dreg:$0x7]  }
0x35: {  	s7 =	rddreg [dreg:$0x6]  }
0x36: {  	s6 =	rddreg [dreg:$0xe];
	s4 =	sshrl.u32 s4, $0x3  }
0x37: {  	[hbm:s6], [sflag:s7] =	dma.local [spmem:s4], $0x500  }
0x38: {  	_ =	swait.ge [sflag:s17], $0x500  }
0x39: {  	s6 =	rddreg [dreg:$0x4]  }
0x3a: {  	s4 =	sadd.s32 $0x1, s6;
	s6 =	rddreg [dreg:$0xf]  }
0x3b: {  	p1 =	sne.s32 s4, s6  }
.Ltmp1:
0x3c: {  	_ = 	snop;
	(pc) =	sbr.rel @!p1 .LBB2_10-.Ltmp1, $3  }
0x3d: {  	_ =	sdelay $0x1  }
0x3e: {  	[sflag:s17] =	ssyncset.done $0x0;
	[dreg:$0x4] =	wrdreg s4  }
0x3f: {  	[sflag:s17] =	ssyncadd.s32 $0xFFFFFB00;
	s4 =	rddreg [dreg:$0x5]  }
.LBB2_1:
.Ltmp2:
0x40: {  	s6 =	rddreg [dreg:$0x10];
	(pc) =	sbr.rel @!p0 .LBB2_2-.Ltmp2, $4  }
0x41: {  	[spmem:s6], [sflag:s7] =	dma.local [hbm:s4], $0x500  }
0x42: {  	_ =	swait.ge [sflag:s17], $0x500  }
0x43: {  	[sflag:s17] =	ssyncset.done $0x0  }
0x44: {  	[sflag:s17] =	ssyncadd.s32 $0xFFFFFB00  }
0x45: {  	s6 =	simm.s32 $0x40;
	s7 =	simm.s32 $0x0  }
.LBB2_4:
0x46: {  	p1 =	sne.s32 s6, $0x1FC0;
	[tilespmem:s7+$0x5000] =	vst v0;
	s7 =	smov.u32 s6;
	s6 =	sadd.s32 $0x40, s6  }
.Ltmp3:
0x47: {  	(pc) =	sbr.rel @p1 .LBB2_4-.Ltmp3, $2  }
0x48: {  	_ =	sdelay $0x2  }
0x49: {  	s7 =	sshra.s32 s7, $0x2  }
0x4a: {  	[tilespmem:s7+$0x5000] =	vst v0;
	s4 =	rddreg [dreg:$0x7]  }
0x4b: {  	[spmem:s4] =	stream.linear.scatter [tilespmem:s18], [sflag:$0x11], $0x800, $0x38;
	[tilespmem:$0xE000] =	vst v63  }
0x4c: {  	_ =	swait.ge [sflag:s17], $0x800  }
0x4d: {  	[sflag:s17] =	ssyncset.done $0x0  }
0x4e: {  	s6 =	rddreg [dreg:$0x8];
	[sflag:s17] =	ssyncadd.s32 $0xFFFFF800  }
0x4f: {  	[spmem:s6] =	stream.linear.scatter [tilespmem:s18], [sflag:$0x11], $0x800, $0x38;
	[tilespmem:$0xE000] =	vst v63  }
0x50: {  	_ =	swait.ge [sflag:s17], $0x800  }
0x51: {  	[sflag:s17] =	ssyncset.done $0x0  }
0x52: {  	s7 =	rddreg [dreg:$0x9];
	[sflag:s17] =	ssyncadd.s32 $0xFFFFF800  }
0x53: {  	[spmem:s7] =	stream.linear.scatter [tilespmem:s18], [sflag:$0x11], $0x800, $0x38;
	[tilespmem:$0xE000] =	vst v63  }
0x54: {  	_ =	swait.ge [sflag:s17], $0x800  }
0x55: {  	[sflag:s17] =	ssyncset.done $0x0  }
0x56: {  	s6 =	rddreg [dreg:$0xa];
	[sflag:s17] =	ssyncadd.s32 $0xFFFFF800  }
0x57: {  	[spmem:s6] =	stream.linear.scatter [tilespmem:s18], [sflag:$0x11], $0x800, $0x38;
	[tilespmem:$0xE000] =	vst v63  }
0x58: {  	_ =	swait.ge [sflag:s17], $0x800  }
0x59: {  	[sflag:s17] =	ssyncset.done $0x0  }
.Ltmp4:
0x5a: {  	s7 =	rddreg [dreg:$0xb];
	[sflag:s17] =	ssyncadd.s32 $0xFFFFF800;
	(pc) =	sbr.rel .LBB2_6-.Ltmp4, $4  }
0x5b: {  	[spmem:s7] =	stream.linear.scatter [tilespmem:s18], [sflag:$0x11], $0x800, $0x38;
	[tilespmem:$0xE000] =	vst v63  }
0x5c: {  	_ =	swait.ge [sflag:s17], $0x800  }
0x5d: {  	[sflag:s17] =	ssyncset.done $0x0  }
0x5e: {  	[sflag:s17] =	ssyncadd.s32 $0xFFFFF800  }
.LBB2_2:
0x5f: {  	s6 =	rddreg [dreg:$0x7]  }
0x60: {  	s6 =	sshrl.u32 s6, $0x3  }
0x61: {  	[spmem:s6], [sflag:s7] =	dma.local [hbm:s4], $0x500  }
0x62: {  	_ =	swait.ge [sflag:s17], $0x500  }
0x63: {  	[sflag:s17] =	ssyncset.done $0x0  }
0x64: {  	[sflag:s17] =	ssyncadd.s32 $0xFFFFFB00  }
.LBB2_6:
0x65: {  	s7 =	simm.s32 $0x0;
	s4 =	rddreg [dreg:$0xc]  }
0x66: {  	[tilespmem:s7], [sflag:$0x11] =	stream.linear.gather [hbm4b:s4+s7], $0x2800, $0x38;
	[tilespmem:$0xE000] =	vst v63  }
0x67: {  	_ =	swait.ge [sflag:s17], $0x2800  }
0x68: {  	[sflag:s17] =	ssyncset.done $0x0  }
0x69: {  	s6 =	simm.s32 $0x2800;
	s4 =	rddreg [dreg:$0xd];
	[sflag:s17] =	ssyncadd.s32 $0xFFFFD800  }
0x6a: {  	[tilespmem:s6], [sflag:$0x11] =	stream.linear.gather [hbm4b:s4+s7], $0x2800, $0x38;
	[tilespmem:$0xE000] =	vst v63  }
0x6b: {  	_ =	swait.ge [sflag:s17], $0x2800  }
0x6c: {  	[sflag:s17] =	ssyncset.done $0x0  }
0x6d: {  	[sflag:s17] =	ssyncadd.s32 $0xFFFFD800  }
0x6e: {  	[bflag:$0x0] =	sbarrier.arrive $0xFFFF  }
0x6f: {  	[tilespmem:s18], [sflag:$0x1] =	stream.indirect.gather [spmem:s2], $0x10, s7, s20, $0xb8;
	[tilespmem:$0xE000] =	vst v63  }
0x70: {  	_ = 	snop  }
0x71: {  	[tilespmem:s21], [sflag:$0x2] =	stream.indirect.gather [spmem:s2], $0x10, s20, s20, $0xb8;
	[tilespmem:$0xE000] =	vst v63  }
0x72: {  	s6 =	simm.s32 $0x100  }
0x73: {  	[tilespmem:s23], [sflag:$0x3] =	stream.indirect.gather [spmem:s2], $0x10, s6, s20, $0xb8;
	[tilespmem:$0xE000] =	vst v63  }
0x74: {  	s6 =	simm.s32 $0x180  }
0x75: {  	[tilespmem:s25], [sflag:$0x4] =	stream.indirect.gather [spmem:s2], $0x10, s6, s20, $0xb8;
	[tilespmem:$0xE000] =	vst v63  }
0x76: {  	s6 =	simm.s32 $0x200  }
0x77: {  	[tilespmem:s28], [sflag:$0x5] =	stream.indirect.gather [spmem:s2], $0x10, s6, s20, $0xb8;
	[tilespmem:$0xE000] =	vst v63  }
0x78: {  	s6 =	simm.s32 $0x280  }
0x79: {  	[tilespmem:s30], [sflag:$0x6] =	stream.indirect.gather [spmem:s2], $0x10, s6, s20, $0xb8;
	[tilespmem:$0xE000] =	vst v63  }
0x7a: {  	s6 =	simm.s32 $0x300  }
0x7b: {  	[tilespmem:s0], [sflag:$0x7] =	stream.indirect.gather [spmem:s2], $0x10, s6, s20, $0xb8;
	[tilespmem:$0xE000] =	vst v63  }
0x7c: {  	s6 =	simm.s32 $0x380  }
0x7d: {  	[tilespmem:s8], [sflag:$0x8] =	stream.indirect.gather [spmem:s2], $0x10, s6, s20, $0xb8;
	[tilespmem:$0xE000] =	vst v63  }
.LBB2_7:
0x7e: {  	_ =	swait.ge [sflag:s9], $0x800  }
0x7f: {  	s6 =	sshra.s32 s7, $0x2;
	[sflag:s9] =	ssyncset.done $0x0  }
0x80: {  	s4 =	sadd.s32 $0x2800, s6;
	[sflag:s9] =	ssyncadd.s32 $0xFFFFF800  }
0x81: {  	[spmem:s3] =	stream.indirect.scatter.add.f32 [tilespmem:s18], [sflag:$0x9], $0x10, s4, s20, $0xb8;
	[tilespmem:$0xE000] =	vst v63  }
0x82: {  	_ =	swait.ge [sflag:s10], $0x800  }
0x83: {  	[sflag:s10] =	ssyncset.done $0x0  }
0x84: {  	s4 =	sadd.s32 $0x2880, s6;
	[sflag:s10] =	ssyncadd.s32 $0xFFFFF800  }
0x85: {  	[spmem:s3] =	stream.indirect.scatter.add.f32 [tilespmem:s21], [sflag:$0xA], $0x10, s4, s20, $0xb8;
	[tilespmem:$0xE000] =	vst v63  }
0x86: {  	_ =	swait.ge [sflag:s11], $0x800  }
0x87: {  	[sflag:s11] =	ssyncset.done $0x0  }
0x88: {  	s4 =	sadd.s32 $0x2900, s6;
	[sflag:s11] =	ssyncadd.s32 $0xFFFFF800  }
0x89: {  	[spmem:s3] =	stream.indirect.scatter.add.f32 [tilespmem:s23], [sflag:$0xB], $0x10, s4, s20, $0xb8;
	[tilespmem:$0xE000] =	vst v63  }
0x8a: {  	_ =	swait.ge [sflag:s19], $0x800  }
0x8b: {  	[sflag:s19] =	ssyncset.done $0x0  }
0x8c: {  	s4 =	sadd.s32 $0x2980, s6;
	[sflag:s19] =	ssyncadd.s32 $0xFFFFF800  }
0x8d: {  	[spmem:s3] =	stream.indirect.scatter.add.f32 [tilespmem:s25], [sflag:$0xC], $0x10, s4, s20, $0xb8;
	[tilespmem:$0xE000] =	vst v63  }
0x8e: {  	_ =	swait.ge [sflag:s22], $0x800  }
0x8f: {  	[sflag:s22] =	ssyncset.done $0x0  }
0x90: {  	s4 =	sadd.s32 $0x2A00, s6;
	[sflag:s22] =	ssyncadd.s32 $0xFFFFF800  }
0x91: {  	[spmem:s3] =	stream.indirect.scatter.add.f32 [tilespmem:s28], [sflag:$0xD], $0x10, s4, s20, $0xb8;
	[tilespmem:$0xE000] =	vst v63  }
0x92: {  	_ =	swait.ge [sflag:s24], $0x800  }
0x93: {  	[sflag:s24] =	ssyncset.done $0x0  }
0x94: {  	s4 =	sadd.s32 $0x2A80, s6;
	[sflag:s24] =	ssyncadd.s32 $0xFFFFF800  }
0x95: {  	[spmem:s3] =	stream.indirect.scatter.add.f32 [tilespmem:s30], [sflag:$0xE], $0x10, s4, s20, $0xb8;
	[tilespmem:$0xE000] =	vst v63  }
0x96: {  	_ =	swait.ge [sflag:s26], $0x800  }
0x97: {  	[sflag:s26] =	ssyncset.done $0x0  }
0x98: {  	s4 =	sadd.s32 $0x2B00, s6;
	[sflag:s26] =	ssyncadd.s32 $0xFFFFF800  }
0x99: {  	[spmem:s3] =	stream.indirect.scatter.add.f32 [tilespmem:s0], [sflag:$0xF], $0x10, s4, s20, $0xb8;
	[tilespmem:$0xE000] =	vst v63  }
0x9a: {  	_ =	swait.ge [sflag:s29], $0x800  }
0x9b: {  	p1 =	seq.s32 s7, $0x9000;
	[sflag:s29] =	ssyncset.done $0x0  }
.Ltmp5:
0x9c: {  	s4 =	sadd.s32 $0x2B80, s6;
	[sflag:s29] =	ssyncadd.s32 $0xFFFFF800;
	(pc) =	sbr.rel @p1 .LBB2_9-.Ltmp5, $4  }
0x9d: {  	[spmem:s3] =	stream.indirect.scatter.add.f32 [tilespmem:s8], [sflag:$0x10], $0x10, s4, s20, $0xb8;
	[tilespmem:$0xE000] =	vst v63  }
0x9e: {  	_ =	swait.ge [sflag:s31], $0x800  }
0x9f: {  	[sflag:s31] =	ssyncset.done $0x0  }
0xa0: {  	[sflag:s31] =	ssyncadd.s32 $0xFFFFF800  }
0xa1: {  	s4 =	sadd.s32 $0x400, s6  }
0xa2: {  	[tilespmem:s18], [sflag:$0x1] =	stream.indirect.gather [spmem:s2], $0x10, s4, s20, $0xb8;
	[tilespmem:$0xE000] =	vst v63  }
0xa3: {  	_ =	swait.ge [sflag:s1], $0x800  }
0xa4: {  	[sflag:s1] =	ssyncset.done $0x0  }
0xa5: {  	s4 =	sadd.s32 $0x480, s6;
	[sflag:s1] =	ssyncadd.s32 $0xFFFFF800  }
0xa6: {  	[tilespmem:s21], [sflag:$0x2] =	stream.indirect.gather [spmem:s2], $0x10, s4, s20, $0xb8;
	[tilespmem:$0xE000] =	vst v63  }
0xa7: {  	_ =	swait.ge [sflag:s12], $0x800  }
0xa8: {  	[sflag:s12] =	ssyncset.done $0x0  }
0xa9: {  	s4 =	sadd.s32 $0x500, s6;
	[sflag:s12] =	ssyncadd.s32 $0xFFFFF800  }
0xaa: {  	[tilespmem:s23], [sflag:$0x3] =	stream.indirect.gather [spmem:s2], $0x10, s4, s20, $0xb8;
	[tilespmem:$0xE000] =	vst v63  }
0xab: {  	_ =	swait.ge [sflag:s13], $0x800  }
0xac: {  	[sflag:s13] =	ssyncset.done $0x0  }
0xad: {  	s4 =	sadd.s32 $0x580, s6;
	[sflag:s13] =	ssyncadd.s32 $0xFFFFF800  }
0xae: {  	[tilespmem:s25], [sflag:$0x4] =	stream.indirect.gather [spmem:s2], $0x10, s4, s20, $0xb8;
	[tilespmem:$0xE000] =	vst v63  }
0xaf: {  	_ =	swait.ge [sflag:s14], $0x800  }
0xb0: {  	[sflag:s14] =	ssyncset.done $0x0  }
0xb1: {  	s4 =	sadd.s32 $0x600, s6;
	[sflag:s14] =	ssyncadd.s32 $0xFFFFF800  }
0xb2: {  	[tilespmem:s28], [sflag:$0x5] =	stream.indirect.gather [spmem:s2], $0x10, s4, s20, $0xb8;
	[tilespmem:$0xE000] =	vst v63  }
0xb3: {  	_ =	swait.ge [sflag:s15], $0x800  }
0xb4: {  	[sflag:s15] =	ssyncset.done $0x0  }
0xb5: {  	s4 =	sadd.s32 $0x680, s6;
	[sflag:s15] =	ssyncadd.s32 $0xFFFFF800  }
0xb6: {  	[tilespmem:s30], [sflag:$0x6] =	stream.indirect.gather [spmem:s2], $0x10, s4, s20, $0xb8;
	[tilespmem:$0xE000] =	vst v63  }
0xb7: {  	_ =	swait.ge [sflag:s16], $0x800  }
0xb8: {  	[sflag:s16] =	ssyncset.done $0x0  }
0xb9: {  	s4 =	sadd.s32 $0x700, s6;
	[sflag:s16] =	ssyncadd.s32 $0xFFFFF800  }
0xba: {  	[tilespmem:s0], [sflag:$0x7] =	stream.indirect.gather [spmem:s2], $0x10, s4, s20, $0xb8;
	[tilespmem:$0xE000] =	vst v63  }
.Ltmp6:
0xbb: {  	_ = 	snop;
	(pc) =	sbr.rel .LBB2_7-.Ltmp6, $4  }
0xbc: {  	_ =	swait.ge [sflag:s5], $0x800  }
0xbd: {  	[sflag:s5] =	ssyncset.done $0x0  }
0xbe: {  	s7 =	sadd.s32 $0x1000, s7;
	s6 =	sadd.s32 $0x780, s6;
	[sflag:s5] =	ssyncadd.s32 $0xFFFFF800  }
0xbf: {  	[tilespmem:s8], [sflag:$0x8] =	stream.indirect.gather [spmem:s2], $0x10, s6, s20, $0xb8;
	[tilespmem:$0xE000] =	vst v63  }
.LBB2_10:
0xc0: {  	_ =	sfence.sel $0x180000  }
0xc1: {  	[bflag:$0x0] =	sbarrier.arrive $0xFFFF  }
0xc2: {  	_ =	strace $0x9000004D  }
0xc3: {  	s0 =	stileid.u32;
	[bflag:$0x2] =	sbarrier.arrive $0xFFFF  }
0xc4: {  	p0 =	sne.s32 s0, $0x0;
	s0 =	rddreg [dreg:$0x3]  }
0xc5: {  	s0 =	sadd.s32 @!p0 $0x100000, s0  }
0xc6: {  	[sflag:s0] =	ssyncadd.tile.s32 @!p0 $0x1;
	_ =	shalt  }
.Lfunc_end2:
_tile_overlayer_lowered:
.L_overlay_start_2:
0xc7: {  	(tag) =	ssettag $0x2  }
0xc8: {  	s0 =	rddreg [dreg:$0x0];
	s2 =	stileid.u32  }
0xc9: {  	s1 =	rddreg [dreg:$0x1];
	p0 =	sne.s32 s2, $0x0  }
0xca: {  	s3 =	rddreg [dreg:$0x2];
	[bflag:$0x3] =	sbarrier.arrive $0xFFFF;
	s2 =	simm.s32 @!p0 $0x1C11  }
0xcb: {  	[timem:s3], [sflag:s2] =	dma.local @!p0 [hbm:s0], s1  }
0xcc: {  	s0 =	simm.s32 @!p0 $0x11  }
0xcd: {  	_ =	swait.ge @!p0 [sflag:s0], s1  }
0xce: {  	s1 =	ssub.s32 @!p0 $0x0, s1;
	[sflag:s0] =	ssyncset.done @!p0 $0x0  }
0xcf: {  	[sflag:s0] =	ssyncadd.s32 @!p0 s1  }
0xd0: {  	[bflag:$0x3] =	sbarrier.arrive $0xFFFF  }
0xd1: {  	_ =	shalt  }

// kernel: kernel.8.cloned.1.call-start
scs
__scs_entry_jumppad:
0x0: {  	(pc) =	sbr.rel $0x88, $3  }
0x1: {  	(tag) =	ssettag $0x0;
	lr =	simm.s32 $0x1  }
0x2: {  	[smem:$0x3F9B] =	sst lr;
	_ =	strace $0xD0000000  }
0x3: {  	_ = 	snop  }
0x4: {  	_ = 	snop  }
0x5: {  	_ = 	snop  }
0x6: {  	_ = 	snop  }
0x7: {  	_ = 	snop  }
__scs_overlays_trampoline_lowered:
0x8: {  	[smem:$0x3FAA] =	sst s0  }
0x9: {  	[smem:$0x3FAB] =	sst s1  }
0xa: {  	[smem:$0x3FAC] =	sst s2  }
0xb: {  	[smem:$0x3FAD] =	sst s3  }
0xc: {  	[smem:$0x3FAE] =	sst s4  }
0xd: {  	[smem:$0x3FAF] =	sst s5  }
0xe: {  	[smem:$0x3FB0] =	sst s6  }
0xf: {  	[smem:$0x3FB1] =	sst s7  }
0x10: {  	[smem:$0x3FB2] =	sst s8  }
0x11: {  	[smem:$0x3FB3] =	sst s9;
	s0 =	simm.s32 @!p0 $0x0  }
0x12: {  	s1 =	sld [smem:$0x3F99];
	s0 =	simm.s32 @p0 $0x1  }
0x13: {  	[smem:$0x3FB4] =	sst s0;
	s0 =	simm.s32 @!p1 $0x0  }
0x14: {  	s2 =	sld [smem:$0x3F98];
	s0 =	simm.s32 @p1 $0x1  }
0x15: {  	[smem:$0x3FB5] =	sst s0;
	s0 =	simm.s32 @!p2 $0x0  }
0x16: {  	s3 =	sld [smem:$0x3FDB];
	s0 =	simm.s32 @p2 $0x1  }
0x17: {  	s4 =	simm.s32 $0x1BF5;
	[smem:$0x3FB7] =	sst s0  }
0x18: {  	s0 =	sld [smem:$0x3F9A];
	_ =	swait.ge [sflag:s4], $0x0  }
0x19: {  	s7 =	sld [smem:$0x3F9B]  }
0x1a: {  	s8 =	sadd.s32 $0xFFFFE003, lr  }
0x1b: {  	s9 =	sadd.s32 $0xFFFFFEF7, lr;
	s5 =	simm.s32 $0xFFFFFFFF;
	p2 =	slt.u32 s8, $0xFFFFF086  }
0x1c: {  	p1 =	slt.u32 s9, $0xF7A;
	s5 =	simm.s32 @!p2 $0x0  }
0x1d: {  	s5 =	simm.s32 @p1 $0x1;
	p0 =	seq.s32 s7, s2  }
0x1e: {  	s7 =	smul.u32 @!p0 $0xF7A, s2;
	p2 =	seq.s32 @!p0 s5, $0x0  }
0x1f: {  	s9 =	smul.u32 $0xF7A, s1;
	s8 =	simm.s32 @!p0 $0x1BF5;
	p2 =	por !p2, p0  }
0x20: {  	[sflag:s8] =	ssyncset.s32 @!p0 $0xFFFFF086;
	s6 =	sadd.s32 @!p0 s3, s7;
	s7 =	simm.s32 @!p0 $0x108  }
0x21: {  	s3 =	sadd.s32 s3, s9;
	s6 =	sadd.s32 @!p0 $0x88, s6;
	s7 =	simm.s32 @p2 $0x1082  }
0x22: {  	[simem:s7], [sflag:s8] =	dma.local @!p0 [hbm:s6], $0xF7A  }
0x23: {  	s9 =	sor.u32 $0xD0000000, s2;
	s6 =	simm.s32 $0x108;
	_ =	swait.ge @!p0 [sflag:s8], $0x0  }
0x24: {  	s3 =	sadd.s32 $0x88, s3;
	s6 =	simm.s32 @!p1 $0x1082;
	[sflag:s4] =	ssyncset.s32 $0xFFFFF086  }
0x25: {  	[simem:s6], [sflag:s4] =	dma.local [hbm:s3], $0xF7A  }
0x26: {  	[smem:$0x3F9B] =	sst s1;
	(tag) =	ssettag s2;
	_ =	strace s9  }
0x27: {  	s1 =	sld [smem:$0x3FAB]  }
0x28: {  	s2 =	sld [smem:$0x3FAC]  }
0x29: {  	s4 =	sld [smem:$0x3FAE]  }
0x2a: {  	p0 =	seq.s32 s5, $0x0;
	s5 =	sld [smem:$0x3FAF]  }
0x2b: {  	s6 =	sld [smem:$0x3FB0]  }
0x2c: {  	s7 =	sld [smem:$0x3FB1]  }
0x2d: {  	s3 =	simm.s32 $0x108;
	s8 =	sld [smem:$0x3FB2]  }
0x2e: {  	s3 =	simm.s32 @!p0 $0x1082;
	s9 =	sld [smem:$0x3FB3]  }
0x2f: {  	lr =	sadd.s32 s0, s3;
	s0 =	sld [smem:$0x3FAA]  }
0x30: {  	s3 =	sld [smem:$0x3FAD]  }
0x31: {  	[smem:$0x3FB6] =	sst s10  }
0x32: {  	s10 =	sld [smem:$0x3FB4];
	_ =	sdelay $0x3  }
0x33: {  	p0 =	seq.s32 s10, $0x1;
	s10 =	sld [smem:$0x3FB6];
	_ =	sdelay $0x3  }
0x34: {  	[smem:$0x3FB6] =	sst s10  }
0x35: {  	s10 =	sld [smem:$0x3FB5];
	_ =	sdelay $0x3  }
0x36: {  	p1 =	seq.s32 s10, $0x1;
	s10 =	sld [smem:$0x3FB6];
	_ =	sdelay $0x3  }
0x37: {  	[smem:$0x3FB6] =	sst s10  }
0x38: {  	s10 =	sld [smem:$0x3FB7]  }
0x39: {  	_ = 	snop;
	(pc) =	sbr.ind lr, $3  }
0x3a: {  	_ = 	snop  }
0x3b: {  	_ = 	snop  }
0x3c: {  	p2 =	seq.s32 s10, $0x1;
	s10 =	sld [smem:$0x3FB6]  }
0x3d: {  	_ =	shalt  }
0x3e: {  	_ =	shalt  }
0x3f: {  	_ =	shalt  }
0x40: {  	_ =	shalt  }
0x41: {  	_ =	shalt  }
0x42: {  	_ =	shalt  }
0x43: {  	_ =	shalt  }
0x44: {  	_ =	shalt  }
0x45: {  	_ =	shalt  }
0x46: {  	_ =	shalt  }
0x47: {  	_ =	shalt  }
0x48: {  	_ =	shalt  }
0x49: {  	_ =	shalt  }
0x4a: {  	_ =	shalt  }
0x4b: {  	_ =	shalt  }
0x4c: {  	_ =	shalt  }
0x4d: {  	_ =	shalt  }
0x4e: {  	_ =	shalt  }
0x4f: {  	_ =	shalt  }
0x50: {  	_ =	shalt  }
0x51: {  	_ =	shalt  }
0x52: {  	_ =	shalt  }
0x53: {  	_ =	shalt  }
0x54: {  	_ =	shalt  }
0x55: {  	_ =	shalt  }
0x56: {  	_ =	shalt  }
0x57: {  	_ =	shalt  }
0x58: {  	_ =	shalt  }
0x59: {  	_ =	shalt  }
0x5a: {  	_ =	shalt  }
0x5b: {  	_ =	shalt  }
0x5c: {  	_ =	shalt  }
0x5d: {  	_ =	shalt  }
0x5e: {  	_ =	shalt  }
0x5f: {  	_ =	shalt  }
0x60: {  	_ =	shalt  }
0x61: {  	_ =	shalt  }
0x62: {  	_ =	shalt  }
0x63: {  	_ =	shalt  }
0x64: {  	_ =	shalt  }
0x65: {  	_ =	shalt  }
0x66: {  	_ =	shalt  }
0x67: {  	_ =	shalt  }
0x68: {  	_ =	shalt  }
0x69: {  	_ =	shalt  }
0x6a: {  	_ =	shalt  }
0x6b: {  	_ =	shalt  }
0x6c: {  	_ =	shalt  }
0x6d: {  	_ =	shalt  }
0x6e: {  	_ =	shalt  }
0x6f: {  	_ =	shalt  }
0x70: {  	_ =	shalt  }
0x71: {  	_ =	shalt  }
0x72: {  	_ =	shalt  }
0x73: {  	_ =	shalt  }
0x74: {  	_ =	shalt  }
0x75: {  	_ =	shalt  }
0x76: {  	_ =	shalt  }
0x77: {  	_ =	shalt  }
0x78: {  	_ =	shalt  }
0x79: {  	_ =	shalt  }
0x7a: {  	_ =	shalt  }
0x7b: {  	_ =	shalt  }
0x7c: {  	_ =	shalt  }
0x7d: {  	_ =	shalt  }
0x7e: {  	_ =	shalt  }
0x7f: {  	_ =	shalt  }
0x80: {  	_ =	shalt  }
0x81: {  	_ =	shalt  }
0x82: {  	_ =	shalt  }
0x83: {  	_ =	shalt  }
0x84: {  	_ =	shalt  }
0x85: {  	_ =	shalt  }
0x86: {  	_ =	shalt  }
0x87: {  	_ =	shalt  }
.Lfunc_end0:
.L_simem_size_0:
called_computation_lowered:
.L_overlay_start_0:
0x88: {  	s2 =	sld [smem:$0x3FD9]  }
0x89: {  	s3 =	sld [smem:$0x3FFE];
	_ =	sdelay $0x1  }
0x8a: {  	s1 =	srdreg.scid  }
0x8b: {  	s0 =	sand.u32 $0x1, s1  }
0x8c: {  	s16 =	sshll.u32 s0, $0xA;
	s2 =	sadd.s32 s3, s2  }
0x8d: {  	s2 =	sadd.s32 s2, s16  }
0x8e: {  	[smem:$0x3FC2] =	sst s2  }
0x8f: {  	_ = 	snop  }
0x90: {  	(tm) =	ssettm $0x1  }
0x91: {  	s17 =	sld [smem:$0x3FFB];
	_ =	sdelay $0x3  }
0x92: {  	_ =	strace s17  }
0x93: {  	s2 =	sld [smem:$0x3FFC];
	_ =	sdelay $0x3  }
0x94: {  	_ =	strace s2  }
0x95: {  	s2 =	sld [smem:$0x3FFD];
	_ =	sdelay $0x3  }
0x96: {  	_ =	strace s2  }
0x97: {  	_ =	strace $0x8FFFFFFF  }
0x98: {  	s18 =	sld [smem:$0x3FDB];
	_ =	sdelay $0x1  }
0x99: {  	s19 =	simm.s32 $_scs_section_size  }
0x9a: {  	s4 =	simm.s32 $_size__tile_overlayer_lowered;
	s5 =	simm.s32 $_tile_overlayer_lowered  }
0x9b: {  	s22 =	simm.s32 $0x1BFF;
	s21 =	sshll.u32 s5, $0x1;
	s2 =	sadd.s32 s19, s18  }
0x9c: {  	s6 =	simm.s32 $0x0;
	s20 =	sshll.u32 s4, $0x1;
	s4 =	sadd.s32 s21, s2  }
0x9d: {  	[timem:s6], [sflag:s22] =	dma.local [hbm:s4], s20  }
0x9e: {  	_ =	swait.ge [sflag:s22], s20  }
0x9f: {  	s3 =	ssub.s32 $0x0, s20;
	[sflag:s22] =	ssyncset.done $0x0  }
0xa0: {  	[sflag:s22] =	ssyncadd.s32 s3;
	_ =	sdelay $0x1  }
0xa1: {  	s23 =	simm.s32 $0x1B8B  }
0xa2: {  	_ =	swait.ge [sflag:s23], $0x1  }
0xa3: {  	[sflag:s23] =	ssyncset.done $0x0  }
0xa4: {  	s25 =	simm.s32 $0x1B8E;
	s24 =	sld [smem:$0x3FFE];
	[sflag:s23] =	ssyncadd.s32 $0xFFFFFFFF  }
0xa5: {  	s26 =	simm.s32 $execute0_lowered;
	[smem:$0x3FD2] =	sst s25  }
0xa6: {  	s4 =	sshll.u32 s26, $0x1;
	_ =	strace $0x80000046;
	[dreg:$0x1] =	wrdreg $0xFFFFFFFF  }
0xa7: {  	s28 =	simm.s32 $_size_execute0_lowered;
	s2 =	sadd.s32 s2, s4;
	[dreg:$0x0] =	wrdreg $0x0  }
0xa8: {  	s4 =	sshll.u32 s28, $0x1;
	[dreg:$0x2] =	wrdreg s2  }
0xa9: {  	[dreg:$0x3] =	wrdreg s4  }
0xaa: {  	[dreg:$0x4] =	wrdreg $0xC0  }
0xab: {  	_ =	task [dreg:s6], $0x5FFFF  }
0xac: {  	[dreg:$0x1] =	wrdreg $0xFFFFFFFF  }
0xad: {  	[dreg:$0x0] =	wrdreg $0x60  }
0xae: {  	[dreg:$0x2] =	wrdreg s24  }
0xaf: {  	[dreg:$0x3] =	wrdreg $0x30000  }
0xb0: {  	[dreg:$0x4] =	wrdreg $0x9  }
0xb1: {  	_ =	task.clear_ibuf [dreg:s6], $0x5FFFF;
	_ =	strace $0x90000046  }
0xb2: {  	s29 =	simm.s32 $0x9;
	_ =	strace $0x80000048  }
0xb3: {  	_ =	swait.ge [sflag:s29], $0x1  }
0xb4: {  	[sflag:s29] =	ssyncadd.s32 $0xFFFFFFFF  }
0xb5: {  	_ =	strace $0x90000048  }
0xb6: {  	_ =	sfence  }
0xb7: {  	s30 =	sld [smem:$0x0];
	_ =	sdelay $0x2  }
0xb8: {  	s31 =	sshll.u32 s1, $0xD;
	s1 =	sshrl.u32 s1, $0x2  }
0xb9: {  	s3 =	sand.u32 $0x4000, s31;
	s1 =	sadd.s32 s1, s30  }
0xba: {  	s0 =	sor.u32 s3, s0;
	s1 =	sshll.u32 s1, $0x11  }
0xbb: {  	s0 =	sor.u32 s1, s0  }
0xbc: {  	s0 =	sadd.s32 $0x8F2B, s0  }
0xbd: {  	[sflag:s0] =	ssyncadd.remote.s32 $0x1  }
0xbe: {  	_ =	sfence.sel $0xFFFF  }
0xbf: {  	[dreg:$0x0] =	wrdreg $0xFFFFFFFF;
	(pc) =	sbr.abs _section_cstart, $3  }
0xc0: {  	[dreg:$0x1] =	wrdreg $0xFFFFFFFF  }
0xc1: {  	_ =	task.clear_ibuf [dreg:s6], $0x2FFFF;
	_ =	strace $0x9FFFFFFF  }
0xc2: {  	(tm) =	ssettm $0x7FFFFFFF  }
0xc3: {  	_ =	shalt  }
tec
execute0_lowered:
.L_overlay_start_1:
0x0: {  	(tag) =	ssettag $0x1  }
0x1: {  	s5 =	rddreg [dreg:$0x0]  }
0x2: {  	s0 =	srdreg.scid;
	s2 =	rddreg [dreg:$0x1]  }
0x3: {  	s3 =	simm.s32 $0x0;
	s4 =	sand.u32 $0x1, s0;
	s0 =	stileid.u32  }
0x4: {  	s13 =	simm.s32 $0x2;
	s14 =	simm.s32 $0x80;
	s7 =	smul.u32 $0x2800, s0  }
0x5: {  	s15 =	simm.s32 $0x1;
	[smem:$0x7FF] =	sst s3;
	s8 =	smul.u32 $0x28000, s4  }
0x6: {  	s1 =	sshll.u32 s4, $0x4;
	s9 =	smul.u32 $0xA000, s0;
	s4 =	ssub.s32 $0x2, s4  }
0x7: {  	s16 =	sshll.u32 s0, $0x6;
	s1 =	sor.u32 s0, s1;
	s30 =	sshrl.u32 s4, $0x1  }
0x8: {  	s16 =	sor.u32 $0x1C02, s16;
	s6 =	smul.u32 $0x500, s1;
	s1 =	rddreg [dreg:$0x2]  }
0x9: {  	_ =	strace $0x80000047;
	s29 =	sadd.s32 s7, s8;
	s9 =	sshrl.u32 s9, $0x2  }
0xa: {  	s12 =	ssub.s32 s4, s30;
	s4 =	sadd.s32 s7, s2;
	s31 =	sadd.s32 s9, s2  }
0xb: {  	s17 =	sshrl.u32 s4, $0x3;
	s10 =	sadd.s32 s6, s5;
	s6 =	sshrl.u32 s29, $0x3  }
0xc: {  	s7 =	sadd.s32 $0x1800, s31;
	s8 =	sadd.s32 $0x2000, s31;
	s11 =	sadd.s32 s6, s5  }
0xd: {  	s5 =	sadd.s32 $0x800, s31;
	s6 =	sadd.s32 $0x1000, s31;
	s9 =	sadd.s32 $0x1C00, s10  }
0xe: {  	v0 =	vimm.f32 $0.0e+00;
	v1 =	vimm.f32 $1.000000000e+00;
	s10 =	sadd.s32 $0x15C00, s11;
	s11 =	smax.u32 s12, $0x1;
	s12 =	simm.s32 $0x2800  }
.LBB2_1:
0xf: {  	s18 =	simm.s32 $0x40;
	s19 =	simm.s32 $0x0  }
.LBB2_2:
0x10: {  	p0 =	sne.s32 s18, $0x1FC0;
	[tilespmem:s19+$0x2800] =	vst v0;
	s19 =	smov.u32 s18;
	s18 =	sadd.s32 $0x40, s18  }
.Ltmp0:
0x11: {  	(pc) =	sbr.rel @p0 .LBB2_2-.Ltmp0, $2  }
0x12: {  	_ =	sdelay $0x2  }
0x13: {  	s19 =	sshra.s32 s19, $0x2  }
0x14: {  	[tilespmem:s19+$0x2800] =	vst v0  }
0x15: {  	[spmem:s4] =	stream.linear.scatter [tilespmem:s12], [sflag:$0x2], $0x800, $0x38;
	[tilespmem:$0x5800] =	vst v63  }
0x16: {  	_ =	swait.ge [sflag:s13], $0x800  }
0x17: {  	[sflag:s13] =	ssyncset.done $0x0  }
0x18: {  	[sflag:s13] =	ssyncadd.s32 $0xFFFFF800  }
0x19: {  	[spmem:s5] =	stream.linear.scatter [tilespmem:s12], [sflag:$0x2], $0x800, $0x38;
	[tilespmem:$0x5800] =	vst v63  }
0x1a: {  	_ =	swait.ge [sflag:s13], $0x800  }
0x1b: {  	[sflag:s13] =	ssyncset.done $0x0  }
0x1c: {  	[sflag:s13] =	ssyncadd.s32 $0xFFFFF800  }
0x1d: {  	[spmem:s6] =	stream.linear.scatter [tilespmem:s12], [sflag:$0x2], $0x800, $0x38;
	[tilespmem:$0x5800] =	vst v63  }
0x1e: {  	_ =	swait.ge [sflag:s13], $0x800  }
0x1f: {  	[sflag:s13] =	ssyncset.done $0x0  }
0x20: {  	[sflag:s13] =	ssyncadd.s32 $0xFFFFF800  }
0x21: {  	[spmem:s7] =	stream.linear.scatter [tilespmem:s12], [sflag:$0x2], $0x800, $0x38;
	[tilespmem:$0x5800] =	vst v63  }
0x22: {  	_ =	swait.ge [sflag:s13], $0x800  }
0x23: {  	[sflag:s13] =	ssyncset.done $0x0  }
0x24: {  	[sflag:s13] =	ssyncadd.s32 $0xFFFFF800  }
0x25: {  	[spmem:s8] =	stream.linear.scatter [tilespmem:s12], [sflag:$0x2], $0x800, $0x38;
	[tilespmem:$0x5800] =	vst v63  }
0x26: {  	_ =	swait.ge [sflag:s13], $0x800  }
0x27: {  	[sflag:s13] =	ssyncset.done $0x0  }
0x28: {  	s18 =	simm.s32 $0x40;
	s19 =	simm.s32 $0x0;
	[sflag:s13] =	ssyncadd.s32 $0xFFFFF800  }
.LBB2_4:
0x29: {  	p0 =	sne.s32 s18, $0x1FC0;
	[tilespmem:s19+$0x2800] =	vst v1;
	s19 =	smov.u32 s18;
	s18 =	sadd.s32 $0x40, s18  }
.Ltmp1:
0x2a: {  	(pc) =	sbr.rel @p0 .LBB2_4-.Ltmp1, $2  }
0x2b: {  	_ =	sdelay $0x2  }
0x2c: {  	s19 =	sshra.s32 s19, $0x2  }
0x2d: {  	[tilespmem:s19+$0x2800] =	vst v1;
	s18 =	simm.s32 $0x0  }
0x2e: {  	[tilespmem:s18], [sflag:$0x2] =	stream.linear.gather [hbm4b:s9+s18], $0x2800, $0x38;
	[tilespmem:$0x5800] =	vst v63  }
0x2f: {  	_ =	swait.ge [sflag:s13], $0x2800  }
0x30: {  	[sflag:s13] =	ssyncset.done $0x0  }
0x31: {  	[sflag:s13] =	ssyncadd.s32 $0xFFFFD800  }
0x32: {  	s23 =	simm.s32 $0x0;
	[bflag:$0x0] =	sbarrier.arrive $0xFFFF  }
0x33: {  	[spmem:s2] =	stream.indirect.scatter.add.f32 [tilespmem:s12], [sflag:$0x1], $0x10, s23, s14, $0xb8;
	[tilespmem:$0x5800] =	vst v63  }
0x34: {  	s24 =	simm.s32 $0x80  }
0x35: {  	[spmem:s2] =	stream.indirect.scatter.add.f32 [tilespmem:s12], [sflag:$0x1], $0x10, s24, s14, $0xb8;
	[tilespmem:$0x5800] =	vst v63  }
0x36: {  	s25 =	simm.s32 $0x100  }
0x37: {  	[spmem:s2] =	stream.indirect.scatter.add.f32 [tilespmem:s12], [sflag:$0x1], $0x10, s25, s14, $0xb8;
	[tilespmem:$0x5800] =	vst v63  }
0x38: {  	s26 =	simm.s32 $0x180  }
0x39: {  	[spmem:s2] =	stream.indirect.scatter.add.f32 [tilespmem:s12], [sflag:$0x1], $0x10, s26, s14, $0xb8;
	[tilespmem:$0x5800] =	vst v63  }
0x3a: {  	s28 =	simm.s32 $0x200  }
0x3b: {  	[spmem:s2] =	stream.indirect.scatter.add.f32 [tilespmem:s12], [sflag:$0x1], $0x10, s28, s14, $0xb8;
	[tilespmem:$0x5800] =	vst v63  }
0x3c: {  	s29 =	simm.s32 $0x280  }
0x3d: {  	[spmem:s2] =	stream.indirect.scatter.add.f32 [tilespmem:s12], [sflag:$0x1], $0x10, s29, s14, $0xb8;
	[tilespmem:$0x5800] =	vst v63  }
0x3e: {  	s30 =	simm.s32 $0x300  }
0x3f: {  	[spmem:s2] =	stream.indirect.scatter.add.f32 [tilespmem:s12], [sflag:$0x1], $0x10, s30, s14, $0xb8;
	[tilespmem:$0x5800] =	vst v63  }
0x40: {  	s31 =	simm.s32 $0x380  }
0x41: {  	[spmem:s2] =	stream.indirect.scatter.add.f32 [tilespmem:s12], [sflag:$0x1], $0x10, s31, s14, $0xb8;
	[tilespmem:$0x5800] =	vst v63  }
0x42: {  	_ =	swait.ge [sflag:s15], $0x800  }
0x43: {  	[sflag:s15] =	ssyncset.done $0x0  }
0x44: {  	[sflag:s15] =	ssyncadd.s32 $0xFFFFF800  }
0x45: {  	_ =	swait.ge [sflag:s15], $0x800  }
0x46: {  	[sflag:s15] =	ssyncset.done $0x0  }
0x47: {  	[sflag:s15] =	ssyncadd.s32 $0xFFFFF800  }
0x48: {  	_ =	swait.ge [sflag:s15], $0x800  }
0x49: {  	[sflag:s15] =	ssyncset.done $0x0  }
0x4a: {  	[sflag:s15] =	ssyncadd.s32 $0xFFFFF800  }
0x4b: {  	_ =	swait.ge [sflag:s15], $0x800  }
0x4c: {  	[sflag:s15] =	ssyncset.done $0x0  }
0x4d: {  	[sflag:s15] =	ssyncadd.s32 $0xFFFFF800  }
0x4e: {  	_ =	swait.ge [sflag:s15], $0x800  }
0x4f: {  	[sflag:s15] =	ssyncset.done $0x0  }
0x50: {  	[sflag:s15] =	ssyncadd.s32 $0xFFFFF800  }
0x51: {  	_ =	swait.ge [sflag:s15], $0x800  }
0x52: {  	[sflag:s15] =	ssyncset.done $0x0  }
0x53: {  	[sflag:s15] =	ssyncadd.s32 $0xFFFFF800  }
0x54: {  	_ =	swait.ge [sflag:s15], $0x800  }
0x55: {  	[sflag:s15] =	ssyncset.done $0x0  }
0x56: {  	[sflag:s15] =	ssyncadd.s32 $0xFFFFF800  }
0x57: {  	_ =	swait.ge [sflag:s15], $0x800  }
0x58: {  	s20 =	simm.s32 $0x2000;
	s18 =	simm.s32 $0x1000;
	[sflag:s15] =	ssyncset.done $0x0  }
.LBB2_6:
0x59: {  	s21 =	sshra.s32 s18, $0x2  }
0x5a: {  	[sflag:s15] =	ssyncadd.s32 $0xFFFFF800;
	s18 =	smov.u32 s20;
	s19 =	sadd.s32 $0x1000, s20  }
0x5b: {  	[spmem:s2] =	stream.indirect.scatter.add.f32 [tilespmem:s12], [sflag:$0x1], $0x10, s21, s14, $0xb8;
	[tilespmem:$0x5800] =	vst v63  }
0x5c: {  	p0 =	sne.s32 s20, $0x9000;
	s20 =	sadd.s32 $0x80, s21  }
0x5d: {  	[spmem:s2] =	stream.indirect.scatter.add.f32 [tilespmem:s12], [sflag:$0x1], $0x10, s20, s14, $0xb8;
	[tilespmem:$0x5800] =	vst v63  }
0x5e: {  	s20 =	sadd.s32 $0x100, s21  }
0x5f: {  	[spmem:s2] =	stream.indirect.scatter.add.f32 [tilespmem:s12], [sflag:$0x1], $0x10, s20, s14, $0xb8;
	[tilespmem:$0x5800] =	vst v63  }
0x60: {  	s20 =	sadd.s32 $0x180, s21  }
0x61: {  	[spmem:s2] =	stream.indirect.scatter.add.f32 [tilespmem:s12], [sflag:$0x1], $0x10, s20, s14, $0xb8;
	[tilespmem:$0x5800] =	vst v63  }
0x62: {  	s20 =	sadd.s32 $0x200, s21  }
0x63: {  	[spmem:s2] =	stream.indirect.scatter.add.f32 [tilespmem:s12], [sflag:$0x1], $0x10, s20, s14, $0xb8;
	[tilespmem:$0x5800] =	vst v63  }
0x64: {  	s20 =	sadd.s32 $0x280, s21  }
0x65: {  	[spmem:s2] =	stream.indirect.scatter.add.f32 [tilespmem:s12], [sflag:$0x1], $0x10, s20, s14, $0xb8;
	[tilespmem:$0x5800] =	vst v63  }
0x66: {  	s20 =	sadd.s32 $0x300, s21  }
0x67: {  	[spmem:s2] =	stream.indirect.scatter.add.f32 [tilespmem:s12], [sflag:$0x1], $0x10, s20, s14, $0xb8;
	[tilespmem:$0x5800] =	vst v63  }
0x68: {  	s20 =	sadd.s32 $0x380, s21  }
0x69: {  	[spmem:s2] =	stream.indirect.scatter.add.f32 [tilespmem:s12], [sflag:$0x1], $0x10, s20, s14, $0xb8;
	[tilespmem:$0x5800] =	vst v63  }
0x6a: {  	_ =	swait.ge [sflag:s15], $0x800  }
0x6b: {  	[sflag:s15] =	ssyncset.done $0x0  }
0x6c: {  	[sflag:s15] =	ssyncadd.s32 $0xFFFFF800  }
0x6d: {  	_ =	swait.ge [sflag:s15], $0x800  }
0x6e: {  	[sflag:s15] =	ssyncset.done $0x0  }
0x6f: {  	[sflag:s15] =	ssyncadd.s32 $0xFFFFF800  }
0x70: {  	_ =	swait.ge [sflag:s15], $0x800  }
0x71: {  	[sflag:s15] =	ssyncset.done $0x0  }
0x72: {  	[sflag:s15] =	ssyncadd.s32 $0xFFFFF800  }
0x73: {  	_ =	swait.ge [sflag:s15], $0x800  }
0x74: {  	[sflag:s15] =	ssyncset.done $0x0  }
0x75: {  	[sflag:s15] =	ssyncadd.s32 $0xFFFFF800  }
0x76: {  	_ =	swait.ge [sflag:s15], $0x800  }
0x77: {  	[sflag:s15] =	ssyncset.done $0x0  }
0x78: {  	[sflag:s15] =	ssyncadd.s32 $0xFFFFF800  }
0x79: {  	_ =	swait.ge [sflag:s15], $0x800  }
0x7a: {  	[sflag:s15] =	ssyncset.done $0x0  }
0x7b: {  	[sflag:s15] =	ssyncadd.s32 $0xFFFFF800  }
.Ltmp2:
0x7c: {  	_ =	swait.ge [sflag:s15], $0x800;
	(pc) =	sbr.rel @p0 .LBB2_6-.Ltmp2, $4  }
0x7d: {  	[sflag:s15] =	ssyncset.done $0x0  }
0x7e: {  	[sflag:s15] =	ssyncadd.s32 $0xFFFFF800  }
0x7f: {  	_ =	swait.ge [sflag:s15], $0x800  }
0x80: {  	s20 =	smov.u32 s19;
	[sflag:s15] =	ssyncset.done $0x0  }
0x81: {  	s18 =	sshra.s32 s18, $0x2;
	[sflag:s15] =	ssyncadd.s32 $0xFFFFF800  }
0x82: {  	[spmem:s2] =	stream.indirect.scatter.add.f32 [tilespmem:s12], [sflag:$0x1], $0x10, s18, s14, $0xb8;
	[tilespmem:$0x5800] =	vst v63  }
0x83: {  	s19 =	sadd.s32 $0x80, s18  }
0x84: {  	[spmem:s2] =	stream.indirect.scatter.add.f32 [tilespmem:s12], [sflag:$0x1], $0x10, s19, s14, $0xb8;
	[tilespmem:$0x5800] =	vst v63  }
0x85: {  	s26 =	sadd.s32 $0x100, s18  }
0x86: {  	[spmem:s2] =	stream.indirect.scatter.add.f32 [tilespmem:s12], [sflag:$0x1], $0x10, s26, s14, $0xb8;
	[tilespmem:$0x5800] =	vst v63  }
0x87: {  	s28 =	sadd.s32 $0x180, s18  }
0x88: {  	[spmem:s2] =	stream.indirect.scatter.add.f32 [tilespmem:s12], [sflag:$0x1], $0x10, s28, s14, $0xb8;
	[tilespmem:$0x5800] =	vst v63  }
0x89: {  	s29 =	sadd.s32 $0x200, s18  }
0x8a: {  	[spmem:s2] =	stream.indirect.scatter.add.f32 [tilespmem:s12], [sflag:$0x1], $0x10, s29, s14, $0xb8;
	[tilespmem:$0x5800] =	vst v63  }
0x8b: {  	s30 =	sadd.s32 $0x280, s18  }
0x8c: {  	[spmem:s2] =	stream.indirect.scatter.add.f32 [tilespmem:s12], [sflag:$0x1], $0x10, s30, s14, $0xb8;
	[tilespmem:$0x5800] =	vst v63  }
0x8d: {  	s31 =	sadd.s32 $0x300, s18  }
0x8e: {  	[spmem:s2] =	stream.indirect.scatter.add.f32 [tilespmem:s12], [sflag:$0x1], $0x10, s31, s14, $0xb8;
	[tilespmem:$0x5800] =	vst v63  }
0x8f: {  	s18 =	sadd.s32 $0x380, s18  }
0x90: {  	[spmem:s2] =	stream.indirect.scatter.add.f32 [tilespmem:s12], [sflag:$0x1], $0x10, s18, s14, $0xb8;
	[tilespmem:$0x5800] =	vst v63  }
0x91: {  	_ =	swait.ge [sflag:s15], $0x800  }
0x92: {  	[sflag:s15] =	ssyncset.done $0x0  }
0x93: {  	[sflag:s15] =	ssyncadd.s32 $0xFFFFF800  }
0x94: {  	_ =	swait.ge [sflag:s15], $0x800  }
0x95: {  	[sflag:s15] =	ssyncset.done $0x0  }
0x96: {  	[sflag:s15] =	ssyncadd.s32 $0xFFFFF800  }
0x97: {  	_ =	swait.ge [sflag:s15], $0x800  }
0x98: {  	[sflag:s15] =	ssyncset.done $0x0  }
0x99: {  	[sflag:s15] =	ssyncadd.s32 $0xFFFFF800  }
0x9a: {  	_ =	swait.ge [sflag:s15], $0x800  }
0x9b: {  	[sflag:s15] =	ssyncset.done $0x0  }
0x9c: {  	[sflag:s15] =	ssyncadd.s32 $0xFFFFF800  }
0x9d: {  	_ =	swait.ge [sflag:s15], $0x800  }
0x9e: {  	[sflag:s15] =	ssyncset.done $0x0  }
0x9f: {  	[sflag:s15] =	ssyncadd.s32 $0xFFFFF800  }
0xa0: {  	_ =	swait.ge [sflag:s15], $0x800  }
0xa1: {  	[sflag:s15] =	ssyncset.done $0x0  }
0xa2: {  	[sflag:s15] =	ssyncadd.s32 $0xFFFFF800  }
0xa3: {  	_ =	swait.ge [sflag:s15], $0x800  }
0xa4: {  	[sflag:s15] =	ssyncset.done $0x0  }
0xa5: {  	[sflag:s15] =	ssyncadd.s32 $0xFFFFF800  }
0xa6: {  	_ =	swait.ge [sflag:s15], $0x800  }
0xa7: {  	s3 =	sadd.s32 $0x1, s3;
	[sflag:s15] =	ssyncset.done $0x0  }
0xa8: {  	p0 =	sne.s32 s3, s11;
	[sflag:s15] =	ssyncadd.s32 $0xFFFFF800  }
.Ltmp3:
0xa9: {  	[bflag:$0x0] =	sbarrier.arrive $0xFFFF;
	(pc) =	sbr.rel @p0 .LBB2_1-.Ltmp3, $4  }
0xaa: {  	[hbm:s10], [sflag:s16] =	dma.local [spmem:s17], $0x500  }
0xab: {  	_ =	swait.ge [sflag:s13], $0x500  }
0xac: {  	[sflag:s13] =	ssyncset.done $0x0  }
0xad: {  	[sflag:s13] =	ssyncadd.s32 $0xFFFFFB00  }
0xae: {  	_ =	sfence.sel $0x180000  }
0xaf: {  	[bflag:$0x0] =	sbarrier.arrive $0xFFFF  }
0xb0: {  	p0 =	sne.s32 s0, $0x0;
	_ =	strace $0x90000047  }
0xb1: {  	s0 =	sadd.s32 @!p0 $0x100000, s1;
	[bflag:$0x2] =	sbarrier.arrive $0xFFFF  }
0xb2: {  	[sflag:s0] =	ssyncadd.tile.s32 @!p0 $0x1;
	_ =	shalt  }
.Lfunc_end2:
_tile_overlayer_lowered:
.L_overlay_start_2:
0xb3: {  	(tag) =	ssettag $0x2  }
0xb4: {  	s0 =	rddreg [dreg:$0x0];
	s2 =	stileid.u32  }
0xb5: {  	s1 =	rddreg [dreg:$0x1];
	p0 =	sne.s32 s2, $0x0  }
0xb6: {  	s3 =	rddreg [dreg:$0x2];
	[bflag:$0x3] =	sbarrier.arrive $0xFFFF;
	s2 =	simm.s32 @!p0 $0x1C02  }
0xb7: {  	[timem:s3], [sflag:s2] =	dma.local @!p0 [hbm:s0], s1  }
0xb8: {  	s0 =	simm.s32 @!p0 $0x2  }
0xb9: {  	_ =	swait.ge @!p0 [sflag:s0], s1  }
0xba: {  	s1 =	ssub.s32 @!p0 $0x0, s1;
	[sflag:s0] =	ssyncset.done @!p0 $0x0  }
0xbb: {  	[sflag:s0] =	ssyncadd.s32 @!p0 s1  }
0xbc: {  	[bflag:$0x3] =	sbarrier.arrive $0xFFFF  }
0xbd: {  	_ =	shalt  }

</sc_bundles>
